<compile_context>
chip_gen: v7x
topology: tpu7x:2x2x1
jax: 0.10.2.dev20260603
libtpu: 0.0.44.dev20260713+nightly
codegen_flags: <defaults>
</compile_context>

<pallas_src>
import jax
import jax.numpy as jnp
from jax import lax
from jax.experimental import pallas as pl
from jax.experimental.pallas import tpu as pltpu
from jax.experimental.pallas import tpu_sc as plsc

B, T, N, D = 8, 50, 1024, 128
ROWS = B * T * N
NW = 32
ROWS_PER_W = ROWS // NW
R = 128
C = ROWS_PER_W // R
NB = 4
PF = 2
L = 16
GROUPS = C // NB


def _sc_body(x_hbm, emb_hbm, out_hbm, emb_v, *rest):
    bufs = rest[:NB]
    sins = rest[NB:2 * NB]
    souts = rest[2 * NB:3 * NB]

    cid = lax.axis_index("c")
    sid = lax.axis_index("s")
    wid = sid * 2 + cid
    base = wid * ROWS_PER_W

    pltpu.sync_copy(emb_hbm, emb_v)

    def start_in(c, b):
        pltpu.async_copy(x_hbm.at[pl.ds(base + c * R, R), :], bufs[b], sins[b])

    def wait_in(b):
        pltpu.make_async_copy(x_hbm.at[pl.ds(0, R), :], bufs[b], sins[b]).wait()

    def start_out(c, b):
        pltpu.async_copy(bufs[b], out_hbm.at[pl.ds(base + c * R, R), :], souts[b])

    def wait_out(b):
        pltpu.make_async_copy(bufs[b], out_hbm.at[pl.ds(0, R), :], souts[b]).wait()

    def compute(c, b):
        t = ((base + c * R) // N) % T
        regs = [emb_v[t, pl.ds(L * v, L)] for v in range(D // L)]

        def row(r, _):
            for v in range(D // L):
                plsc.addupdate(bufs[b].at[r, pl.ds(L * v, L)], regs[v])
            return 0

        lax.fori_loop(0, R, row, 0, unroll=4)

    def step(c, b, *, guard_out, guard_pf):
        p = c + PF
        pb = (b + PF) % NB
        if guard_out:
            wait_out(pb)
        if guard_pf:
            @pl.when(p < C)
            def _():
                start_in(p, pb)
        else:
            start_in(p, pb)
        wait_in(b)
        compute(c, b)
        start_out(c, b)

    for b in range(PF):
        start_in(jnp.int32(b), b)
    for b in range(NB):
        step(jnp.int32(b), b, guard_out=(b + PF >= NB), guard_pf=False)

    def group(g, _):
        for b in range(NB):
            step(g * NB + b, b, guard_out=True, guard_pf=True)
        return 0

    lax.fori_loop(1, GROUPS, group, 0)

    for c in range(GROUPS * NB, C):
        step(jnp.int32(c), c % NB, guard_out=True, guard_pf=True)

    for c in range(C - (NB - PF), C):
        wait_out(c % NB)


def kernel(x, emb_table):
    xf = x.reshape(ROWS, D)
    mesh = plsc.VectorSubcoreMesh(core_axis_name="c", subcore_axis_name="s")
    out = pl.kernel(
        _sc_body,
        out_type=jax.ShapeDtypeStruct((ROWS, D), jnp.float32),
        mesh=mesh,
        scratch_types=[
            pltpu.VMEM((T, D), jnp.float32),
            *[pltpu.VMEM((R, D), jnp.float32) for _ in range(NB)],
            *[pltpu.SemaphoreType.DMA for _ in range(2 * NB)],
        ],
    )(xf, emb_table)
    return out.reshape(B, T, N, D)

# --- scband reference (transcript-rebuilt; emitter-appended) ---
"""Pipeline reference for scband-temporal-embedding-21672404975717 (READ-ONLY COPY).

The authoritative reference and input builder live on the scoring server;
editing this copy changes nothing except your own understanding.
"""

import jax, jax.numpy as jnp
import numpy as np

B, T, N, D = 8, 50, 1024, 128
MAX_T = 50

def setup_inputs(seed: int = 0) -> dict:
    key = jax.random.key(seed)
    kx, kw = jax.random.split(key)
    x = jax.random.normal(kx, (B, T, N, D), dtype=jnp.float32)
    # nn.Embedding default init: N(0, 1)
    emb_table = jax.random.normal(kw, (MAX_T, D), dtype=jnp.float32)
    return {"x": x, "emb_table": emb_table}

def reference(x, emb_table):
    time_steps = x.shape[1]
    time_index = jnp.arange(time_steps)
    temporal_feature = jnp.take(emb_table, time_index, axis=0).reshape(1, time_steps, 1, -1)
    return x + temporal_feature

if __name__ == "__main__":
    import jax
    _d = setup_inputs()
    print(jax.jit(kernel)(*tuple(_d.values())))

</pallas_src>

<mosaic_0001>
#map = affine_map<(d0, d1) -> (0, 0)>
module attributes {stable_mosaic.version = 14 : i64} {
  func.func @_sc_body(%arg0: i32, %arg1: i32, %arg2: memref<409600x128xf32, #tpu.memory_space<hbm>>, %arg3: memref<50x128xf32, #tpu.memory_space<hbm>>, %arg4: memref<409600x128xf32, #tpu.memory_space<hbm>>, %arg5: memref<50x128xf32, #tpu.memory_space<vmem>>, %arg6: memref<128x128xf32, #tpu.memory_space<vmem>>, %arg7: memref<128x128xf32, #tpu.memory_space<vmem>>, %arg8: memref<128x128xf32, #tpu.memory_space<vmem>>, %arg9: memref<128x128xf32, #tpu.memory_space<vmem>>, %arg10: memref<!tpu.dma_semaphore, #tpu.memory_space<semaphore_mem>>, %arg11: memref<!tpu.dma_semaphore, #tpu.memory_space<semaphore_mem>>, %arg12: memref<!tpu.dma_semaphore, #tpu.memory_space<semaphore_mem>>, %arg13: memref<!tpu.dma_semaphore, #tpu.memory_space<semaphore_mem>>, %arg14: memref<!tpu.dma_semaphore, #tpu.memory_space<semaphore_mem>>, %arg15: memref<!tpu.dma_semaphore, #tpu.memory_space<semaphore_mem>>, %arg16: memref<!tpu.dma_semaphore, #tpu.memory_space<semaphore_mem>>, %arg17: memref<!tpu.dma_semaphore, #tpu.memory_space<semaphore_mem>>) attributes {dimension_semantics = [#tpu.dimension_semantics<core_parallel>, #tpu.dimension_semantics<subcore_parallel>], iteration_bounds = array<i64: 2, 16>, scalar_prefetch = 0 : i64, scratch_operands = 13 : i64, tpu.core_type = #tpu.core_type<sc_vector_subcore>, window_params = [{transform_indices = #map}, {transform_indices = #map}, {transform_indices = #map}]} {
    %mul3A = arith.constant 2 : i32
    %mul3A_0 = arith.muli %arg1, %mul3A : i32
    %add3A = arith.addi %mul3A_0, %arg0 : i32
    %mul3A_1 = arith.constant 12800 : i32
    %mul3A_2 = arith.muli %add3A, %mul3A_1 : i32
    "tpu.region"() ({
      %run_scoped3A = tpu.sem_alloc : memref<!tpu.dma_semaphore, #tpu.memory_space<semaphore_mem>>
      tpu.enqueue_dma source(%arg3 : memref<50x128xf32, #tpu.memory_space<hbm>>) target(%arg5 : memref<50x128xf32, #tpu.memory_space<vmem>>) target_semaphore(%run_scoped3A : memref<!tpu.dma_semaphore, #tpu.memory_space<semaphore_mem>>)
      tpu.wait_dma2 semaphore(%run_scoped3A : memref<!tpu.dma_semaphore, #tpu.memory_space<semaphore_mem>>) src(%arg3 : memref<50x128xf32, #tpu.memory_space<hbm>>) dst(%arg5 : memref<50x128xf32, #tpu.memory_space<vmem>>)
      tpu.yield
    }) : () -> ()
    %mul3A_3 = arith.constant 0 : i32
    %mul3A_4 = arith.constant 128 : i32
    %mul3A_5 = arith.muli %mul3A_3, %mul3A_4 : i32
    %add3A_6 = arith.addi %mul3A_2, %mul3A_5 : i32
    %dma_start3A = arith.constant 0 : i32
    %dma_start3A_7 = tpu.memref_slice %arg2[%add3A_6, %dma_start3A] : memref<409600x128xf32, #tpu.memory_space<hbm>> -> memref<128x128xf32, #tpu.memory_space<hbm>>
    %dma_start3A_8 = arith.constant 0 : i32
    %dma_start3A_9 = tpu.memref_slice %arg2[%add3A_6, %dma_start3A_8] : memref<409600x128xf32, #tpu.memory_space<hbm>> -> memref<128x128xf32, #tpu.memory_space<hbm>>
    tpu.enqueue_dma source(%dma_start3A_9 : memref<128x128xf32, #tpu.memory_space<hbm>>) target(%arg6 : memref<128x128xf32, #tpu.memory_space<vmem>>) target_semaphore(%arg10 : memref<!tpu.dma_semaphore, #tpu.memory_space<semaphore_mem>>)
    %mul3A_10 = arith.constant 1 : i32
    %mul3A_11 = arith.constant 128 : i32
    %mul3A_12 = arith.muli %mul3A_10, %mul3A_11 : i32
    %add3A_13 = arith.addi %mul3A_2, %mul3A_12 : i32
    %dma_start3A_14 = arith.constant 0 : i32
    %dma_start3A_15 = tpu.memref_slice %arg2[%add3A_13, %dma_start3A_14] : memref<409600x128xf32, #tpu.memory_space<hbm>> -> memref<128x128xf32, #tpu.memory_space<hbm>>
    %dma_start3A_16 = arith.constant 0 : i32
    %dma_start3A_17 = tpu.memref_slice %arg2[%add3A_13, %dma_start3A_16] : memref<409600x128xf32, #tpu.memory_space<hbm>> -> memref<128x128xf32, #tpu.memory_space<hbm>>
    tpu.enqueue_dma source(%dma_start3A_17 : memref<128x128xf32, #tpu.memory_space<hbm>>) target(%arg7 : memref<128x128xf32, #tpu.memory_space<vmem>>) target_semaphore(%arg11 : memref<!tpu.dma_semaphore, #tpu.memory_space<semaphore_mem>>)
    %add3A_18 = arith.constant 0 : i32
    %add3A_19 = arith.constant 2 : i32
    %add3A_20 = arith.addi %add3A_18, %add3A_19 : i32
    %mul3A_21 = arith.constant 128 : i32
    %mul3A_22 = arith.muli %add3A_20, %mul3A_21 : i32
    %add3A_23 = arith.addi %mul3A_2, %mul3A_22 : i32
    %dma_start3A_24 = arith.constant 0 : i32
    %dma_start3A_25 = tpu.memref_slice %arg2[%add3A_23, %dma_start3A_24] : memref<409600x128xf32, #tpu.memory_space<hbm>> -> memref<128x128xf32, #tpu.memory_space<hbm>>
    %dma_start3A_26 = arith.constant 0 : i32
    %dma_start3A_27 = tpu.memref_slice %arg2[%add3A_23, %dma_start3A_26] : memref<409600x128xf32, #tpu.memory_space<hbm>> -> memref<128x128xf32, #tpu.memory_space<hbm>>
    tpu.enqueue_dma source(%dma_start3A_27 : memref<128x128xf32, #tpu.memory_space<hbm>>) target(%arg8 : memref<128x128xf32, #tpu.memory_space<vmem>>) target_semaphore(%arg12 : memref<!tpu.dma_semaphore, #tpu.memory_space<semaphore_mem>>)
    %dma_wait3A = arith.constant 0 : i32
    %dma_wait3A_28 = arith.constant 0 : i32
    %dma_wait3A_29 = tpu.memref_slice %arg2[%dma_wait3A, %dma_wait3A_28] : memref<409600x128xf32, #tpu.memory_space<hbm>> -> memref<128x128xf32, #tpu.memory_space<hbm>>
    %dma_wait3A_30 = arith.constant 0 : i32
    %dma_wait3A_31 = arith.constant 0 : i32
    %dma_wait3A_32 = tpu.memref_slice %arg2[%dma_wait3A_30, %dma_wait3A_31] : memref<409600x128xf32, #tpu.memory_space<hbm>> -> memref<128x128xf32, #tpu.memory_space<hbm>>
    tpu.wait_dma2 semaphore(%arg10 : memref<!tpu.dma_semaphore, #tpu.memory_space<semaphore_mem>>) src(%dma_wait3A_32 : memref<128x128xf32, #tpu.memory_space<hbm>>) dst(%arg6 : memref<128x128xf32, #tpu.memory_space<vmem>>)
    %mul3A_33 = arith.constant 0 : i32
    %mul3A_34 = arith.constant 128 : i32
    %mul3A_35 = arith.muli %mul3A_33, %mul3A_34 : i32
    %add3A_36 = arith.addi %mul3A_2, %mul3A_35 : i32
    %jit3A = arith.constant 1024 : i32
    %div3A = arith.divsi %add3A_36, %jit3A : i32
    %sign3A = arith.constant 0 : i32
    %sign3A_37 = arith.cmpi sgt, %add3A_36, %sign3A : i32
    %sign3A_38 = arith.extui %sign3A_37 : i1 to i32
    %sign3A_39 = arith.constant 0 : i32
    %sign3A_40 = arith.cmpi slt, %add3A_36, %sign3A_39 : i32
    %sign3A_41 = arith.extui %sign3A_40 : i1 to i32
    %sign3A_42 = arith.subi %sign3A_38, %sign3A_41 : i32
    %sign3A_43 = arith.constant 0 : i32
    %sign3A_44 = arith.cmpi sgt, %jit3A, %sign3A_43 : i32
    %sign3A_45 = arith.extui %sign3A_44 : i1 to i32
    %sign3A_46 = arith.constant 0 : i32
    %sign3A_47 = arith.cmpi slt, %jit3A, %sign3A_46 : i32
    %sign3A_48 = arith.extui %sign3A_47 : i1 to i32
    %sign3A_49 = arith.subi %sign3A_45, %sign3A_48 : i32
    %ne3A = arith.cmpi ne, %sign3A_42, %sign3A_49 : i32
    %rem3A = arith.remsi %add3A_36, %jit3A : i32
    %ne3A_50 = arith.constant 0 : i32
    %ne3A_51 = arith.cmpi ne, %rem3A, %ne3A_50 : i32
    %and3A = arith.andi %ne3A, %ne3A_51 : i1
    %sub3A = arith.constant 1 : i32
    %sub3A_52 = arith.subi %div3A, %sub3A : i32
    %select_n3A = arith.select %and3A, %sub3A_52, %div3A : i32
    %jit3A_53 = arith.constant 50 : i32
    %eq3A = arith.constant 0 : i32
    %eq3A_54 = arith.cmpi eq, %jit3A_53, %eq3A : i32
    %jit3A_55 = arith.constant 1 : i32
    %select_n3A_56 = arith.select %eq3A_54, %jit3A_55, %jit3A_53 : i32
    %rem3A_57 = arith.remsi %select_n3A, %select_n3A_56 : i32
    %ne3A_58 = arith.constant 0 : i32
    %ne3A_59 = arith.cmpi ne, %rem3A_57, %ne3A_58 : i32
    %lt3A = arith.constant 0 : i32
    %lt3A_60 = arith.cmpi slt, %rem3A_57, %lt3A : i32
    %lt3A_61 = arith.constant 0 : i32
    %lt3A_62 = arith.cmpi slt, %select_n3A_56, %lt3A_61 : i32
    %ne3A_63 = arith.xori %lt3A_60, %lt3A_62 : i1
    %and3A_64 = arith.andi %ne3A_63, %ne3A_59 : i1
    %add3A_65 = arith.addi %rem3A_57, %select_n3A_56 : i32
    %select_n3A_66 = arith.select %and3A_64, %add3A_65, %rem3A_57 : i32
    %get3A = arith.index_cast %select_n3A_66 : i32 to index
    %get3A_67 = arith.constant 0 : index
    %get3A_68 = tpu.vector_load %arg5[%get3A, %get3A_67] {strides = array<i32>} : memref<50x128xf32, #tpu.memory_space<vmem>>, vector<1x16xf32>,
    %get3A_69 = vector.shape_cast %get3A_68 : vector<1x16xf32> to vector<16xf32>
    %get3A_70 = arith.index_cast %select_n3A_66 : i32 to index
    %get3A_71 = arith.constant 16 : index
    %get3A_72 = tpu.vector_load %arg5[%get3A_70, %get3A_71] {strides = array<i32>} : memref<50x128xf32, #tpu.memory_space<vmem>>, vector<1x16xf32>,
    %get3A_73 = vector.shape_cast %get3A_72 : vector<1x16xf32> to vector<16xf32>
    %get3A_74 = arith.index_cast %select_n3A_66 : i32 to index
    %get3A_75 = arith.constant 32 : index
    %get3A_76 = tpu.vector_load %arg5[%get3A_74, %get3A_75] {strides = array<i32>} : memref<50x128xf32, #tpu.memory_space<vmem>>, vector<1x16xf32>,
    %get3A_77 = vector.shape_cast %get3A_76 : vector<1x16xf32> to vector<16xf32>
    %get3A_78 = arith.index_cast %select_n3A_66 : i32 to index
    %get3A_79 = arith.constant 48 : index
    %get3A_80 = tpu.vector_load %arg5[%get3A_78, %get3A_79] {strides = array<i32>} : memref<50x128xf32, #tpu.memory_space<vmem>>, vector<1x16xf32>,
    %get3A_81 = vector.shape_cast %get3A_80 : vector<1x16xf32> to vector<16xf32>
    %get3A_82 = arith.index_cast %select_n3A_66 : i32 to index
    %get3A_83 = arith.constant 64 : index
    %get3A_84 = tpu.vector_load %arg5[%get3A_82, %get3A_83] {strides = array<i32>} : memref<50x128xf32, #tpu.memory_space<vmem>>, vector<1x16xf32>,
    %get3A_85 = vector.shape_cast %get3A_84 : vector<1x16xf32> to vector<16xf32>
    %get3A_86 = arith.index_cast %select_n3A_66 : i32 to index
    %get3A_87 = arith.constant 80 : index
    %get3A_88 = tpu.vector_load %arg5[%get3A_86, %get3A_87] {strides = array<i32>} : memref<50x128xf32, #tpu.memory_space<vmem>>, vector<1x16xf32>,
    %get3A_89 = vector.shape_cast %get3A_88 : vector<1x16xf32> to vector<16xf32>
    %get3A_90 = arith.index_cast %select_n3A_66 : i32 to index
    %get3A_91 = arith.constant 96 : index
    %get3A_92 = tpu.vector_load %arg5[%get3A_90, %get3A_91] {strides = array<i32>} : memref<50x128xf32, #tpu.memory_space<vmem>>, vector<1x16xf32>,
    %get3A_93 = vector.shape_cast %get3A_92 : vector<1x16xf32> to vector<16xf32>
    %get3A_94 = arith.index_cast %select_n3A_66 : i32 to index
    %get3A_95 = arith.constant 112 : index
    %get3A_96 = tpu.vector_load %arg5[%get3A_94, %get3A_95] {strides = array<i32>} : memref<50x128xf32, #tpu.memory_space<vmem>>, vector<1x16xf32>,
    %get3A_97 = vector.shape_cast %get3A_96 : vector<1x16xf32> to vector<16xf32>
    %scan3A = arith.constant 0 : i32
    %scan3A_98 = arith.constant 0 : i32
    %scan3A_99 = arith.constant 128 : i32
    %scan3A_100 = arith.addi %scan3A_98, %scan3A_99 : i32
    %scan3A_101 = arith.constant 4 : i32
    %scan3A_102 = scf.for %scan3A_464 = %scan3A_98 to %scan3A_100 step %scan3A_101 iter_args(%scan3A_465 = %scan3A) -> (i32)  : i32 {
      %swap3A = arith.index_cast %scan3A_464 : i32 to index
      %swap3A_466 = arith.constant 0 : index
      %swap3A_467 = tpu.vector_load %arg6[%swap3A, %swap3A_466] {strides = array<i32>} : memref<128x128xf32, #tpu.memory_space<vmem>>, vector<1x16xf32>,
      %swap3A_468 = vector.shape_cast %swap3A_467 : vector<1x16xf32> to vector<16xf32>
      %swap3A_469 = vector.shape_cast %get3A_69 : vector<16xf32> to vector<1x16xf32>
      tpu.vector_store %arg6[%swap3A, %swap3A_466], %swap3A_469 {add = true, strides = array<i32>} : memref<128x128xf32, #tpu.memory_space<vmem>>, vector<1x16xf32>,
      %swap3A_470 = arith.index_cast %scan3A_464 : i32 to index
      %swap3A_471 = arith.constant 16 : index
      %swap3A_472 = tpu.vector_load %arg6[%swap3A_470, %swap3A_471] {strides = array<i32>} : memref<128x128xf32, #tpu.memory_space<vmem>>, vector<1x16xf32>,
      %swap3A_473 = vector.shape_cast %swap3A_472 : vector<1x16xf32> to vector<16xf32>
      %swap3A_474 = vector.shape_cast %get3A_73 : vector<16xf32> to vector<1x16xf32>
      tpu.vector_store %arg6[%swap3A_470, %swap3A_471], %swap3A_474 {add = true, strides = array<i32>} : memref<128x128xf32, #tpu.memory_space<vmem>>, vector<1x16xf32>,
      %swap3A_475 = arith.index_cast %scan3A_464 : i32 to index
      %swap3A_476 = arith.constant 32 : index
      %swap3A_477 = tpu.vector_load %arg6[%swap3A_475, %swap3A_476] {strides = array<i32>} : memref<128x128xf32, #tpu.memory_space<vmem>>, vector<1x16xf32>,
      %swap3A_478 = vector.shape_cast %swap3A_477 : vector<1x16xf32> to vector<16xf32>
      %swap3A_479 = vector.shape_cast %get3A_77 : vector<16xf32> to vector<1x16xf32>
      tpu.vector_store %arg6[%swap3A_475, %swap3A_476], %swap3A_479 {add = true, strides = array<i32>} : memref<128x128xf32, #tpu.memory_space<vmem>>, vector<1x16xf32>,
      %swap3A_480 = arith.index_cast %scan3A_464 : i32 to index
      %swap3A_481 = arith.constant 48 : index
      %swap3A_482 = tpu.vector_load %arg6[%swap3A_480, %swap3A_481] {strides = array<i32>} : memref<128x128xf32, #tpu.memory_space<vmem>>, vector<1x16xf32>,
      %swap3A_483 = vector.shape_cast %swap3A_482 : vector<1x16xf32> to vector<16xf32>
      %swap3A_484 = vector.shape_cast %get3A_81 : vector<16xf32> to vector<1x16xf32>
      tpu.vector_store %arg6[%swap3A_480, %swap3A_481], %swap3A_484 {add = true, strides = array<i32>} : memref<128x128xf32, #tpu.memory_space<vmem>>, vector<1x16xf32>,
      %swap3A_485 = arith.index_cast %scan3A_464 : i32 to index
      %swap3A_486 = arith.constant 64 : index
      %swap3A_487 = tpu.vector_load %arg6[%swap3A_485, %swap3A_486] {strides = array<i32>} : memref<128x128xf32, #tpu.memory_space<vmem>>, vector<1x16xf32>,
      %swap3A_488 = vector.shape_cast %swap3A_487 : vector<1x16xf32> to vector<16xf32>
      %swap3A_489 = vector.shape_cast %get3A_85 : vector<16xf32> to vector<1x16xf32>
      tpu.vector_store %arg6[%swap3A_485, %swap3A_486], %swap3A_489 {add = true, strides = array<i32>} : memref<128x128xf32, #tpu.memory_space<vmem>>, vector<1x16xf32>,
      %swap3A_490 = arith.index_cast %scan3A_464 : i32 to index
      %swap3A_491 = arith.constant 80 : index
      %swap3A_492 = tpu.vector_load %arg6[%swap3A_490, %swap3A_491] {strides = array<i32>} : memref<128x128xf32, #tpu.memory_space<vmem>>, vector<1x16xf32>,
      %swap3A_493 = vector.shape_cast %swap3A_492 : vector<1x16xf32> to vector<16xf32>
      %swap3A_494 = vector.shape_cast %get3A_89 : vector<16xf32> to vector<1x16xf32>
      tpu.vector_store %arg6[%swap3A_490, %swap3A_491], %swap3A_494 {add = true, strides = array<i32>} : memref<128x128xf32, #tpu.memory_space<vmem>>, vector<1x16xf32>,
      %swap3A_495 = arith.index_cast %scan3A_464 : i32 to index
      %swap3A_496 = arith.constant 96 : index
      %swap3A_497 = tpu.vector_load %arg6[%swap3A_495, %swap3A_496] {strides = array<i32>} : memref<128x128xf32, #tpu.memory_space<vmem>>, vector<1x16xf32>,
      %swap3A_498 = vector.shape_cast %swap3A_497 : vector<1x16xf32> to vector<16xf32>
      %swap3A_499 = vector.shape_cast %get3A_93 : vector<16xf32> to vector<1x16xf32>
      tpu.vector_store %arg6[%swap3A_495, %swap3A_496], %swap3A_499 {add = true, strides = array<i32>} : memref<128x128xf32, #tpu.memory_space<vmem>>, vector<1x16xf32>,
      %swap3A_500 = arith.index_cast %scan3A_464 : i32 to index
      %swap3A_501 = arith.constant 112 : index
      %swap3A_502 = tpu.vector_load %arg6[%swap3A_500, %swap3A_501] {strides = array<i32>} : memref<128x128xf32, #tpu.memory_space<vmem>>, vector<1x16xf32>,
      %swap3A_503 = vector.shape_cast %swap3A_502 : vector<1x16xf32> to vector<16xf32>
      %swap3A_504 = vector.shape_cast %get3A_97 : vector<16xf32> to vector<1x16xf32>
      tpu.vector_store %arg6[%swap3A_500, %swap3A_501], %swap3A_504 {add = true, strides = array<i32>} : memref<128x128xf32, #tpu.memory_space<vmem>>, vector<1x16xf32>,
      %scan3A_505 = arith.constant 0 : i32
      %scan3A_506 = arith.constant 1 : i32
      %scan3A_507 = arith.addi %scan3A_464, %scan3A_506 : i32
      %swap3A_508 = arith.index_cast %scan3A_507 : i32 to index
      %swap3A_509 = arith.constant 0 : index
      %swap3A_510 = tpu.vector_load %arg6[%swap3A_508, %swap3A_509] {strides = array<i32>} : memref<128x128xf32, #tpu.memory_space<vmem>>, vector<1x16xf32>,
      %swap3A_511 = vector.shape_cast %swap3A_510 : vector<1x16xf32> to vector<16xf32>
      %swap3A_512 = vector.shape_cast %get3A_69 : vector<16xf32> to vector<1x16xf32>
      tpu.vector_store %arg6[%swap3A_508, %swap3A_509], %swap3A_512 {add = true, strides = array<i32>} : memref<128x128xf32, #tpu.memory_space<vmem>>, vector<1x16xf32>,
      %swap3A_513 = arith.index_cast %scan3A_507 : i32 to index
      %swap3A_514 = arith.constant 16 : index
      %swap3A_515 = tpu.vector_load %arg6[%swap3A_513, %swap3A_514] {strides = array<i32>} : memref<128x128xf32, #tpu.memory_space<vmem>>, vector<1x16xf32>,
      %swap3A_516 = vector.shape_cast %swap3A_515 : vector<1x16xf32> to vector<16xf32>
      %swap3A_517 = vector.shape_cast %get3A_73 : vector<16xf32> to vector<1x16xf32>
      tpu.vector_store %arg6[%swap3A_513, %swap3A_514], %swap3A_517 {add = true, strides = array<i32>} : memref<128x128xf32, #tpu.memory_space<vmem>>, vector<1x16xf32>,
      %swap3A_518 = arith.index_cast %scan3A_507 : i32 to index
      %swap3A_519 = arith.constant 32 : index
      %swap3A_520 = tpu.vector_load %arg6[%swap3A_518, %swap3A_519] {strides = array<i32>} : memref<128x128xf32, #tpu.memory_space<vmem>>, vector<1x16xf32>,
      %swap3A_521 = vector.shape_cast %swap3A_520 : vector<1x16xf32> to vector<16xf32>
      %swap3A_522 = vector.shape_cast %get3A_77 : vector<16xf32> to vector<1x16xf32>
      tpu.vector_store %arg6[%swap3A_518, %swap3A_519], %swap3A_522 {add = true, strides = array<i32>} : memref<128x128xf32, #tpu.memory_space<vmem>>, vector<1x16xf32>,
      %swap3A_523 = arith.index_cast %scan3A_507 : i32 to index
      %swap3A_524 = arith.constant 48 : index
      %swap3A_525 = tpu.vector_load %arg6[%swap3A_523, %swap3A_524] {strides = array<i32>} : memref<128x128xf32, #tpu.memory_space<vmem>>, vector<1x16xf32>,
      %swap3A_526 = vector.shape_cast %swap3A_525 : vector<1x16xf32> to vector<16xf32>
      %swap3A_527 = vector.shape_cast %get3A_81 : vector<16xf32> to vector<1x16xf32>
      tpu.vector_store %arg6[%swap3A_523, %swap3A_524], %swap3A_527 {add = true, strides = array<i32>} : memref<128x128xf32, #tpu.memory_space<vmem>>, vector<1x16xf32>,
      %swap3A_528 = arith.index_cast %scan3A_507 : i32 to index
      %swap3A_529 = arith.constant 64 : index
      %swap3A_530 = tpu.vector_load %arg6[%swap3A_528, %swap3A_529] {strides = array<i32>} : memref<128x128xf32, #tpu.memory_space<vmem>>, vector<1x16xf32>,
      %swap3A_531 = vector.shape_cast %swap3A_530 : vector<1x16xf32> to vector<16xf32>
      %swap3A_532 = vector.shape_cast %get3A_85 : vector<16xf32> to vector<1x16xf32>
      tpu.vector_store %arg6[%swap3A_528, %swap3A_529], %swap3A_532 {add = true, strides = array<i32>} : memref<128x128xf32, #tpu.memory_space<vmem>>, vector<1x16xf32>,
      %swap3A_533 = arith.index_cast %scan3A_507 : i32 to index
      %swap3A_534 = arith.constant 80 : index
      %swap3A_535 = tpu.vector_load %arg6[%swap3A_533, %swap3A_534] {strides = array<i32>} : memref<128x128xf32, #tpu.memory_space<vmem>>, vector<1x16xf32>,
      %swap3A_536 = vector.shape_cast %swap3A_535 : vector<1x16xf32> to vector<16xf32>
      %swap3A_537 = vector.shape_cast %get3A_89 : vector<16xf32> to vector<1x16xf32>
      tpu.vector_store %arg6[%swap3A_533, %swap3A_534], %swap3A_537 {add = true, strides = array<i32>} : memref<128x128xf32, #tpu.memory_space<vmem>>, vector<1x16xf32>,
      %swap3A_538 = arith.index_cast %scan3A_507 : i32 to index
      %swap3A_539 = arith.constant 96 : index
      %swap3A_540 = tpu.vector_load %arg6[%swap3A_538, %swap3A_539] {strides = array<i32>} : memref<128x128xf32, #tpu.memory_space<vmem>>, vector<1x16xf32>,
      %swap3A_541 = vector.shape_cast %swap3A_540 : vector<1x16xf32> to vector<16xf32>
      %swap3A_542 = vector.shape_cast %get3A_93 : vector<16xf32> to vector<1x16xf32>
      tpu.vector_store %arg6[%swap3A_538, %swap3A_539], %swap3A_542 {add = true, strides = array<i32>} : memref<128x128xf32, #tpu.memory_space<vmem>>, vector<1x16xf32>,
      %swap3A_543 = arith.index_cast %scan3A_507 : i32 to index
      %swap3A_544 = arith.constant 112 : index
      %swap3A_545 = tpu.vector_load %arg6[%swap3A_543, %swap3A_544] {strides = array<i32>} : memref<128x128xf32, #tpu.memory_space<vmem>>, vector<1x16xf32>,
      %swap3A_546 = vector.shape_cast %swap3A_545 : vector<1x16xf32> to vector<16xf32>
      %swap3A_547 = vector.shape_cast %get3A_97 : vector<16xf32> to vector<1x16xf32>
      tpu.vector_store %arg6[%swap3A_543, %swap3A_544], %swap3A_547 {add = true, strides = array<i32>} : memref<128x128xf32, #tpu.memory_space<vmem>>, vector<1x16xf32>,
      %scan3A_548 = arith.constant 0 : i32
      %scan3A_549 = arith.constant 2 : i32
      %scan3A_550 = arith.addi %scan3A_464, %scan3A_549 : i32
      %swap3A_551 = arith.index_cast %scan3A_550 : i32 to index
      %swap3A_552 = arith.constant 0 : index
      %swap3A_553 = tpu.vector_load %arg6[%swap3A_551, %swap3A_552] {strides = array<i32>} : memref<128x128xf32, #tpu.memory_space<vmem>>, vector<1x16xf32>,
      %swap3A_554 = vector.shape_cast %swap3A_553 : vector<1x16xf32> to vector<16xf32>
      %swap3A_555 = vector.shape_cast %get3A_69 : vector<16xf32> to vector<1x16xf32>
      tpu.vector_store %arg6[%swap3A_551, %swap3A_552], %swap3A_555 {add = true, strides = array<i32>} : memref<128x128xf32, #tpu.memory_space<vmem>>, vector<1x16xf32>,
      %swap3A_556 = arith.index_cast %scan3A_550 : i32 to index
      %swap3A_557 = arith.constant 16 : index
      %swap3A_558 = tpu.vector_load %arg6[%swap3A_556, %swap3A_557] {strides = array<i32>} : memref<128x128xf32, #tpu.memory_space<vmem>>, vector<1x16xf32>,
      %swap3A_559 = vector.shape_cast %swap3A_558 : vector<1x16xf32> to vector<16xf32>
      %swap3A_560 = vector.shape_cast %get3A_73 : vector<16xf32> to vector<1x16xf32>
      tpu.vector_store %arg6[%swap3A_556, %swap3A_557], %swap3A_560 {add = true, strides = array<i32>} : memref<128x128xf32, #tpu.memory_space<vmem>>, vector<1x16xf32>,
      %swap3A_561 = arith.index_cast %scan3A_550 : i32 to index
      %swap3A_562 = arith.constant 32 : index
      %swap3A_563 = tpu.vector_load %arg6[%swap3A_561, %swap3A_562] {strides = array<i32>} : memref<128x128xf32, #tpu.memory_space<vmem>>, vector<1x16xf32>,
      %swap3A_564 = vector.shape_cast %swap3A_563 : vector<1x16xf32> to vector<16xf32>
      %swap3A_565 = vector.shape_cast %get3A_77 : vector<16xf32> to vector<1x16xf32>
      tpu.vector_store %arg6[%swap3A_561, %swap3A_562], %swap3A_565 {add = true, strides = array<i32>} : memref<128x128xf32, #tpu.memory_space<vmem>>, vector<1x16xf32>,
      %swap3A_566 = arith.index_cast %scan3A_550 : i32 to index
      %swap3A_567 = arith.constant 48 : index
      %swap3A_568 = tpu.vector_load %arg6[%swap3A_566, %swap3A_567] {strides = array<i32>} : memref<128x128xf32, #tpu.memory_space<vmem>>, vector<1x16xf32>,
      %swap3A_569 = vector.shape_cast %swap3A_568 : vector<1x16xf32> to vector<16xf32>
      %swap3A_570 = vector.shape_cast %get3A_81 : vector<16xf32> to vector<1x16xf32>
      tpu.vector_store %arg6[%swap3A_566, %swap3A_567], %swap3A_570 {add = true, strides = array<i32>} : memref<128x128xf32, #tpu.memory_space<vmem>>, vector<1x16xf32>,
      %swap3A_571 = arith.index_cast %scan3A_550 : i32 to index
      %swap3A_572 = arith.constant 64 : index
      %swap3A_573 = tpu.vector_load %arg6[%swap3A_571, %swap3A_572] {strides = array<i32>} : memref<128x128xf32, #tpu.memory_space<vmem>>, vector<1x16xf32>,
      %swap3A_574 = vector.shape_cast %swap3A_573 : vector<1x16xf32> to vector<16xf32>
      %swap3A_575 = vector.shape_cast %get3A_85 : vector<16xf32> to vector<1x16xf32>
      tpu.vector_store %arg6[%swap3A_571, %swap3A_572], %swap3A_575 {add = true, strides = array<i32>} : memref<128x128xf32, #tpu.memory_space<vmem>>, vector<1x16xf32>,
      %swap3A_576 = arith.index_cast %scan3A_550 : i32 to index
      %swap3A_577 = arith.constant 80 : index
      %swap3A_578 = tpu.vector_load %arg6[%swap3A_576, %swap3A_577] {strides = array<i32>} : memref<128x128xf32, #tpu.memory_space<vmem>>, vector<1x16xf32>,
      %swap3A_579 = vector.shape_cast %swap3A_578 : vector<1x16xf32> to vector<16xf32>
      %swap3A_580 = vector.shape_cast %get3A_89 : vector<16xf32> to vector<1x16xf32>
      tpu.vector_store %arg6[%swap3A_576, %swap3A_577], %swap3A_580 {add = true, strides = array<i32>} : memref<128x128xf32, #tpu.memory_space<vmem>>, vector<1x16xf32>,
      %swap3A_581 = arith.index_cast %scan3A_550 : i32 to index
      %swap3A_582 = arith.constant 96 : index
      %swap3A_583 = tpu.vector_load %arg6[%swap3A_581, %swap3A_582] {strides = array<i32>} : memref<128x128xf32, #tpu.memory_space<vmem>>, vector<1x16xf32>,
      %swap3A_584 = vector.shape_cast %swap3A_583 : vector<1x16xf32> to vector<16xf32>
      %swap3A_585 = vector.shape_cast %get3A_93 : vector<16xf32> to vector<1x16xf32>
      tpu.vector_store %arg6[%swap3A_581, %swap3A_582], %swap3A_585 {add = true, strides = array<i32>} : memref<128x128xf32, #tpu.memory_space<vmem>>, vector<1x16xf32>,
      %swap3A_586 = arith.index_cast %scan3A_550 : i32 to index
      %swap3A_587 = arith.constant 112 : index
      %swap3A_588 = tpu.vector_load %arg6[%swap3A_586, %swap3A_587] {strides = array<i32>} : memref<128x128xf32, #tpu.memory_space<vmem>>, vector<1x16xf32>,
      %swap3A_589 = vector.shape_cast %swap3A_588 : vector<1x16xf32> to vector<16xf32>
      %swap3A_590 = vector.shape_cast %get3A_97 : vector<16xf32> to vector<1x16xf32>
      tpu.vector_store %arg6[%swap3A_586, %swap3A_587], %swap3A_590 {add = true, strides = array<i32>} : memref<128x128xf32, #tpu.memory_space<vmem>>, vector<1x16xf32>,
      %scan3A_591 = arith.constant 0 : i32
      %scan3A_592 = arith.constant 3 : i32
      %scan3A_593 = arith.addi %scan3A_464, %scan3A_592 : i32
      %swap3A_594 = arith.index_cast %scan3A_593 : i32 to index
      %swap3A_595 = arith.constant 0 : index
      %swap3A_596 = tpu.vector_load %arg6[%swap3A_594, %swap3A_595] {strides = array<i32>} : memref<128x128xf32, #tpu.memory_space<vmem>>, vector<1x16xf32>,
      %swap3A_597 = vector.shape_cast %swap3A_596 : vector<1x16xf32> to vector<16xf32>
      %swap3A_598 = vector.shape_cast %get3A_69 : vector<16xf32> to vector<1x16xf32>
      tpu.vector_store %arg6[%swap3A_594, %swap3A_595], %swap3A_598 {add = true, strides = array<i32>} : memref<128x128xf32, #tpu.memory_space<vmem>>, vector<1x16xf32>,
      %swap3A_599 = arith.index_cast %scan3A_593 : i32 to index
      %swap3A_600 = arith.constant 16 : index
      %swap3A_601 = tpu.vector_load %arg6[%swap3A_599, %swap3A_600] {strides = array<i32>} : memref<128x128xf32, #tpu.memory_space<vmem>>, vector<1x16xf32>,
      %swap3A_602 = vector.shape_cast %swap3A_601 : vector<1x16xf32> to vector<16xf32>
      %swap3A_603 = vector.shape_cast %get3A_73 : vector<16xf32> to vector<1x16xf32>
      tpu.vector_store %arg6[%swap3A_599, %swap3A_600], %swap3A_603 {add = true, strides = array<i32>} : memref<128x128xf32, #tpu.memory_space<vmem>>, vector<1x16xf32>,
      %swap3A_604 = arith.index_cast %scan3A_593 : i32 to index
      %swap3A_605 = arith.constant 32 : index
      %swap3A_606 = tpu.vector_load %arg6[%swap3A_604, %swap3A_605] {strides = array<i32>} : memref<128x128xf32, #tpu.memory_space<vmem>>, vector<1x16xf32>,
      %swap3A_607 = vector.shape_cast %swap3A_606 : vector<1x16xf32> to vector<16xf32>
      %swap3A_608 = vector.shape_cast %get3A_77 : vector<16xf32> to vector<1x16xf32>
      tpu.vector_store %arg6[%swap3A_604, %swap3A_605], %swap3A_608 {add = true, strides = array<i32>} : memref<128x128xf32, #tpu.memory_space<vmem>>, vector<1x16xf32>,
      %swap3A_609 = arith.index_cast %scan3A_593 : i32 to index
      %swap3A_610 = arith.constant 48 : index
      %swap3A_611 = tpu.vector_load %arg6[%swap3A_609, %swap3A_610] {strides = array<i32>} : memref<128x128xf32, #tpu.memory_space<vmem>>, vector<1x16xf32>,
      %swap3A_612 = vector.shape_cast %swap3A_611 : vector<1x16xf32> to vector<16xf32>
      %swap3A_613 = vector.shape_cast %get3A_81 : vector<16xf32> to vector<1x16xf32>
      tpu.vector_store %arg6[%swap3A_609, %swap3A_610], %swap3A_613 {add = true, strides = array<i32>} : memref<128x128xf32, #tpu.memory_space<vmem>>, vector<1x16xf32>,
      %swap3A_614 = arith.index_cast %scan3A_593 : i32 to index
      %swap3A_615 = arith.constant 64 : index
      %swap3A_616 = tpu.vector_load %arg6[%swap3A_614, %swap3A_615] {strides = array<i32>} : memref<128x128xf32, #tpu.memory_space<vmem>>, vector<1x16xf32>,
      %swap3A_617 = vector.shape_cast %swap3A_616 : vector<1x16xf32> to vector<16xf32>
      %swap3A_618 = vector.shape_cast %get3A_85 : vector<16xf32> to vector<1x16xf32>
      tpu.vector_store %arg6[%swap3A_614, %swap3A_615], %swap3A_618 {add = true, strides = array<i32>} : memref<128x128xf32, #tpu.memory_space<vmem>>, vector<1x16xf32>,
      %swap3A_619 = arith.index_cast %scan3A_593 : i32 to index
      %swap3A_620 = arith.constant 80 : index
      %swap3A_621 = tpu.vector_load %arg6[%swap3A_619, %swap3A_620] {strides = array<i32>} : memref<128x128xf32, #tpu.memory_space<vmem>>, vector<1x16xf32>,
      %swap3A_622 = vector.shape_cast %swap3A_621 : vector<1x16xf32> to vector<16xf32>
      %swap3A_623 = vector.shape_cast %get3A_89 : vector<16xf32> to vector<1x16xf32>
      tpu.vector_store %arg6[%swap3A_619, %swap3A_620], %swap3A_623 {add = true, strides = array<i32>} : memref<128x128xf32, #tpu.memory_space<vmem>>, vector<1x16xf32>,
      %swap3A_624 = arith.index_cast %scan3A_593 : i32 to index
      %swap3A_625 = arith.constant 96 : index
      %swap3A_626 = tpu.vector_load %arg6[%swap3A_624, %swap3A_625] {strides = array<i32>} : memref<128x128xf32, #tpu.memory_space<vmem>>, vector<1x16xf32>,
      %swap3A_627 = vector.shape_cast %swap3A_626 : vector<1x16xf32> to vector<16xf32>
      %swap3A_628 = vector.shape_cast %get3A_93 : vector<16xf32> to vector<1x16xf32>
      tpu.vector_store %arg6[%swap3A_624, %swap3A_625], %swap3A_628 {add = true, strides = array<i32>} : memref<128x128xf32, #tpu.memory_space<vmem>>, vector<1x16xf32>,
      %swap3A_629 = arith.index_cast %scan3A_593 : i32 to index
      %swap3A_630 = arith.constant 112 : index
      %swap3A_631 = tpu.vector_load %arg6[%swap3A_629, %swap3A_630] {strides = array<i32>} : memref<128x128xf32, #tpu.memory_space<vmem>>, vector<1x16xf32>,
      %swap3A_632 = vector.shape_cast %swap3A_631 : vector<1x16xf32> to vector<16xf32>
      %swap3A_633 = vector.shape_cast %get3A_97 : vector<16xf32> to vector<1x16xf32>
      tpu.vector_store %arg6[%swap3A_629, %swap3A_630], %swap3A_633 {add = true, strides = array<i32>} : memref<128x128xf32, #tpu.memory_space<vmem>>, vector<1x16xf32>,
      %scan3A_634 = arith.constant 0 : i32
      scf.yield %scan3A_634 : i32
    }
    %scan3A_103 = arith.constant 128 : i32
    %mul3A_104 = arith.constant 0 : i32
    %mul3A_105 = arith.constant 128 : i32
    %mul3A_106 = arith.muli %mul3A_104, %mul3A_105 : i32
    %add3A_107 = arith.addi %mul3A_2, %mul3A_106 : i32
    %dma_start3A_108 = arith.constant 0 : i32
    %dma_start3A_109 = tpu.memref_slice %arg4[%add3A_107, %dma_start3A_108] : memref<409600x128xf32, #tpu.memory_space<hbm>> -> memref<128x128xf32, #tpu.memory_space<hbm>>
    %dma_start3A_110 = arith.constant 0 : i32
    %dma_start3A_111 = tpu.memref_slice %arg4[%add3A_107, %dma_start3A_110] : memref<409600x128xf32, #tpu.memory_space<hbm>> -> memref<128x128xf32, #tpu.memory_space<hbm>>
    tpu.enqueue_dma source(%arg6 : memref<128x128xf32, #tpu.memory_space<vmem>>) target(%dma_start3A_111 : memref<128x128xf32, #tpu.memory_space<hbm>>) target_semaphore(%arg14 : memref<!tpu.dma_semaphore, #tpu.memory_space<semaphore_mem>>)
    %add3A_112 = arith.constant 1 : i32
    %add3A_113 = arith.constant 2 : i32
    %add3A_114 = arith.addi %add3A_112, %add3A_113 : i32
    %mul3A_115 = arith.constant 128 : i32
    %mul3A_116 = arith.muli %add3A_114, %mul3A_115 : i32
    %add3A_117 = arith.addi %mul3A_2, %mul3A_116 : i32
    %dma_start3A_118 = arith.constant 0 : i32
    %dma_start3A_119 = tpu.memref_slice %arg2[%add3A_117, %dma_start3A_118] : memref<409600x128xf32, #tpu.memory_space<hbm>> -> memref<128x128xf32, #tpu.memory_space<hbm>>
    %dma_start3A_120 = arith.constant 0 : i32
    %dma_start3A_121 = tpu.memref_slice %arg2[%add3A_117, %dma_start3A_120] : memref<409600x128xf32, #tpu.memory_space<hbm>> -> memref<128x128xf32, #tpu.memory_space<hbm>>
    tpu.enqueue_dma source(%dma_start3A_121 : memref<128x128xf32, #tpu.memory_space<hbm>>) target(%arg9 : memref<128x128xf32, #tpu.memory_space<vmem>>) target_semaphore(%arg13 : memref<!tpu.dma_semaphore, #tpu.memory_space<semaphore_mem>>)
    %dma_wait3A_122 = arith.constant 0 : i32
    %dma_wait3A_123 = arith.constant 0 : i32
    %dma_wait3A_124 = tpu.memref_slice %arg2[%dma_wait3A_122, %dma_wait3A_123] : memref<409600x128xf32, #tpu.memory_space<hbm>> -> memref<128x128xf32, #tpu.memory_space<hbm>>
    %dma_wait3A_125 = arith.constant 0 : i32
    %dma_wait3A_126 = arith.constant 0 : i32
    %dma_wait3A_127 = tpu.memref_slice %arg2[%dma_wait3A_125, %dma_wait3A_126] : memref<409600x128xf32, #tpu.memory_space<hbm>> -> memref<128x128xf32, #tpu.memory_space<hbm>>
    tpu.wait_dma2 semaphore(%arg11 : memref<!tpu.dma_semaphore, #tpu.memory_space<semaphore_mem>>) src(%dma_wait3A_127 : memref<128x128xf32, #tpu.memory_space<hbm>>) dst(%arg7 : memref<128x128xf32, #tpu.memory_space<vmem>>)
    %mul3A_128 = arith.constant 1 : i32
    %mul3A_129 = arith.constant 128 : i32
    %mul3A_130 = arith.muli %mul3A_128, %mul3A_129 : i32
    %add3A_131 = arith.addi %mul3A_2, %mul3A_130 : i32
    %jit3A_132 = arith.constant 1024 : i32
    %div3A_133 = arith.divsi %add3A_131, %jit3A_132 : i32
    %sign3A_134 = arith.constant 0 : i32
    %sign3A_135 = arith.cmpi sgt, %add3A_131, %sign3A_134 : i32
    %sign3A_136 = arith.extui %sign3A_135 : i1 to i32
    %sign3A_137 = arith.constant 0 : i32
    %sign3A_138 = arith.cmpi slt, %add3A_131, %sign3A_137 : i32
    %sign3A_139 = arith.extui %sign3A_138 : i1 to i32
    %sign3A_140 = arith.subi %sign3A_136, %sign3A_139 : i32
    %sign3A_141 = arith.constant 0 : i32
    %sign3A_142 = arith.cmpi sgt, %jit3A_132, %sign3A_141 : i32
    %sign3A_143 = arith.extui %sign3A_142 : i1 to i32
    %sign3A_144 = arith.constant 0 : i32
    %sign3A_145 = arith.cmpi slt, %jit3A_132, %sign3A_144 : i32
    %sign3A_146 = arith.extui %sign3A_145 : i1 to i32
    %sign3A_147 = arith.subi %sign3A_143, %sign3A_146 : i32
    %ne3A_148 = arith.cmpi ne, %sign3A_140, %sign3A_147 : i32
    %rem3A_149 = arith.remsi %add3A_131, %jit3A_132 : i32
    %ne3A_150 = arith.constant 0 : i32
    %ne3A_151 = arith.cmpi ne, %rem3A_149, %ne3A_150 : i32
    %and3A_152 = arith.andi %ne3A_148, %ne3A_151 : i1
    %sub3A_153 = arith.constant 1 : i32
    %sub3A_154 = arith.subi %div3A_133, %sub3A_153 : i32
    %select_n3A_155 = arith.select %and3A_152, %sub3A_154, %div3A_133 : i32
    %jit3A_156 = arith.constant 50 : i32
    %eq3A_157 = arith.constant 0 : i32
    %eq3A_158 = arith.cmpi eq, %jit3A_156, %eq3A_157 : i32
    %jit3A_159 = arith.constant 1 : i32
    %select_n3A_160 = arith.select %eq3A_158, %jit3A_159, %jit3A_156 : i32
    %rem3A_161 = arith.remsi %select_n3A_155, %select_n3A_160 : i32
    %ne3A_162 = arith.constant 0 : i32
    %ne3A_163 = arith.cmpi ne, %rem3A_161, %ne3A_162 : i32
    %lt3A_164 = arith.constant 0 : i32
    %lt3A_165 = arith.cmpi slt, %rem3A_161, %lt3A_164 : i32
    %lt3A_166 = arith.constant 0 : i32
    %lt3A_167 = arith.cmpi slt, %select_n3A_160, %lt3A_166 : i32
    %ne3A_168 = arith.xori %lt3A_165, %lt3A_167 : i1
    %and3A_169 = arith.andi %ne3A_168, %ne3A_163 : i1
    %add3A_170 = arith.addi %rem3A_161, %select_n3A_160 : i32
    %select_n3A_171 = arith.select %and3A_169, %add3A_170, %rem3A_161 : i32
    %get3A_172 = arith.index_cast %select_n3A_171 : i32 to index
    %get3A_173 = arith.constant 0 : index
    %get3A_174 = tpu.vector_load %arg5[%get3A_172, %get3A_173] {strides = array<i32>} : memref<50x128xf32, #tpu.memory_space<vmem>>, vector<1x16xf32>,
    %get3A_175 = vector.shape_cast %get3A_174 : vector<1x16xf32> to vector<16xf32>
    %get3A_176 = arith.index_cast %select_n3A_171 : i32 to index
    %get3A_177 = arith.constant 16 : index
    %get3A_178 = tpu.vector_load %arg5[%get3A_176, %get3A_177] {strides = array<i32>} : memref<50x128xf32, #tpu.memory_space<vmem>>, vector<1x16xf32>,
    %get3A_179 = vector.shape_cast %get3A_178 : vector<1x16xf32> to vector<16xf32>
    %get3A_180 = arith.index_cast %select_n3A_171 : i32 to index
    %get3A_181 = arith.constant 32 : index
    %get3A_182 = tpu.vector_load %arg5[%get3A_180, %get3A_181] {strides = array<i32>} : memref<50x128xf32, #tpu.memory_space<vmem>>, vector<1x16xf32>,
    %get3A_183 = vector.shape_cast %get3A_182 : vector<1x16xf32> to vector<16xf32>
    %get3A_184 = arith.index_cast %select_n3A_171 : i32 to index
    %get3A_185 = arith.constant 48 : index
    %get3A_186 = tpu.vector_load %arg5[%get3A_184, %get3A_185] {strides = array<i32>} : memref<50x128xf32, #tpu.memory_space<vmem>>, vector<1x16xf32>,
    %get3A_187 = vector.shape_cast %get3A_186 : vector<1x16xf32> to vector<16xf32>
    %get3A_188 = arith.index_cast %select_n3A_171 : i32 to index
    %get3A_189 = arith.constant 64 : index
    %get3A_190 = tpu.vector_load %arg5[%get3A_188, %get3A_189] {strides = array<i32>} : memref<50x128xf32, #tpu.memory_space<vmem>>, vector<1x16xf32>,
    %get3A_191 = vector.shape_cast %get3A_190 : vector<1x16xf32> to vector<16xf32>
    %get3A_192 = arith.index_cast %select_n3A_171 : i32 to index
    %get3A_193 = arith.constant 80 : index
    %get3A_194 = tpu.vector_load %arg5[%get3A_192, %get3A_193] {strides = array<i32>} : memref<50x128xf32, #tpu.memory_space<vmem>>, vector<1x16xf32>,
    %get3A_195 = vector.shape_cast %get3A_194 : vector<1x16xf32> to vector<16xf32>
    %get3A_196 = arith.index_cast %select_n3A_171 : i32 to index
    %get3A_197 = arith.constant 96 : index
    %get3A_198 = tpu.vector_load %arg5[%get3A_196, %get3A_197] {strides = array<i32>} : memref<50x128xf32, #tpu.memory_space<vmem>>, vector<1x16xf32>,
    %get3A_199 = vector.shape_cast %get3A_198 : vector<1x16xf32> to vector<16xf32>
    %get3A_200 = arith.index_cast %select_n3A_171 : i32 to index
    %get3A_201 = arith.constant 112 : index
    %get3A_202 = tpu.vector_load %arg5[%get3A_200, %get3A_201] {strides = array<i32>} : memref<50x128xf32, #tpu.memory_space<vmem>>, vector<1x16xf32>,
    %get3A_203 = vector.shape_cast %get3A_202 : vector<1x16xf32> to vector<16xf32>
    %scan3A_204 = arith.constant 0 : i32
    %scan3A_205 = arith.constant 0 : i32
    %scan3A_206 = arith.constant 128 : i32
    %scan3A_207 = arith.addi %scan3A_205, %scan3A_206 : i32
    %scan3A_208 = arith.constant 4 : i32
    %scan3A_209 = scf.for %scan3A_464 = %scan3A_205 to %scan3A_207 step %scan3A_208 iter_args(%scan3A_465 = %scan3A_204) -> (i32)  : i32 {
      %swap3A = arith.index_cast %scan3A_464 : i32 to index
      %swap3A_466 = arith.constant 0 : index
      %swap3A_467 = tpu.vector_load %arg7[%swap3A, %swap3A_466] {strides = array<i32>} : memref<128x128xf32, #tpu.memory_space<vmem>>, vector<1x16xf32>,
      %swap3A_468 = vector.shape_cast %swap3A_467 : vector<1x16xf32> to vector<16xf32>
      %swap3A_469 = vector.shape_cast %get3A_175 : vector<16xf32> to vector<1x16xf32>
      tpu.vector_store %arg7[%swap3A, %swap3A_466], %swap3A_469 {add = true, strides = array<i32>} : memref<128x128xf32, #tpu.memory_space<vmem>>, vector<1x16xf32>,
      %swap3A_470 = arith.index_cast %scan3A_464 : i32 to index
      %swap3A_471 = arith.constant 16 : index
      %swap3A_472 = tpu.vector_load %arg7[%swap3A_470, %swap3A_471] {strides = array<i32>} : memref<128x128xf32, #tpu.memory_space<vmem>>, vector<1x16xf32>,
      %swap3A_473 = vector.shape_cast %swap3A_472 : vector<1x16xf32> to vector<16xf32>
      %swap3A_474 = vector.shape_cast %get3A_179 : vector<16xf32> to vector<1x16xf32>
      tpu.vector_store %arg7[%swap3A_470, %swap3A_471], %swap3A_474 {add = true, strides = array<i32>} : memref<128x128xf32, #tpu.memory_space<vmem>>, vector<1x16xf32>,
      %swap3A_475 = arith.index_cast %scan3A_464 : i32 to index
      %swap3A_476 = arith.constant 32 : index
      %swap3A_477 = tpu.vector_load %arg7[%swap3A_475, %swap3A_476] {strides = array<i32>} : memref<128x128xf32, #tpu.memory_space<vmem>>, vector<1x16xf32>,
      %swap3A_478 = vector.shape_cast %swap3A_477 : vector<1x16xf32> to vector<16xf32>
      %swap3A_479 = vector.shape_cast %get3A_183 : vector<16xf32> to vector<1x16xf32>
      tpu.vector_store %arg7[%swap3A_475, %swap3A_476], %swap3A_479 {add = true, strides = array<i32>} : memref<128x128xf32, #tpu.memory_space<vmem>>, vector<1x16xf32>,
      %swap3A_480 = arith.index_cast %scan3A_464 : i32 to index
      %swap3A_481 = arith.constant 48 : index
      %swap3A_482 = tpu.vector_load %arg7[%swap3A_480, %swap3A_481] {strides = array<i32>} : memref<128x128xf32, #tpu.memory_space<vmem>>, vector<1x16xf32>,
      %swap3A_483 = vector.shape_cast %swap3A_482 : vector<1x16xf32> to vector<16xf32>
      %swap3A_484 = vector.shape_cast %get3A_187 : vector<16xf32> to vector<1x16xf32>
      tpu.vector_store %arg7[%swap3A_480, %swap3A_481], %swap3A_484 {add = true, strides = array<i32>} : memref<128x128xf32, #tpu.memory_space<vmem>>, vector<1x16xf32>,
      %swap3A_485 = arith.index_cast %scan3A_464 : i32 to index
      %swap3A_486 = arith.constant 64 : index
      %swap3A_487 = tpu.vector_load %arg7[%swap3A_485, %swap3A_486] {strides = array<i32>} : memref<128x128xf32, #tpu.memory_space<vmem>>, vector<1x16xf32>,
      %swap3A_488 = vector.shape_cast %swap3A_487 : vector<1x16xf32> to vector<16xf32>
      %swap3A_489 = vector.shape_cast %get3A_191 : vector<16xf32> to vector<1x16xf32>
      tpu.vector_store %arg7[%swap3A_485, %swap3A_486], %swap3A_489 {add = true, strides = array<i32>} : memref<128x128xf32, #tpu.memory_space<vmem>>, vector<1x16xf32>,
      %swap3A_490 = arith.index_cast %scan3A_464 : i32 to index
      %swap3A_491 = arith.constant 80 : index
      %swap3A_492 = tpu.vector_load %arg7[%swap3A_490, %swap3A_491] {strides = array<i32>} : memref<128x128xf32, #tpu.memory_space<vmem>>, vector<1x16xf32>,
      %swap3A_493 = vector.shape_cast %swap3A_492 : vector<1x16xf32> to vector<16xf32>
      %swap3A_494 = vector.shape_cast %get3A_195 : vector<16xf32> to vector<1x16xf32>
      tpu.vector_store %arg7[%swap3A_490, %swap3A_491], %swap3A_494 {add = true, strides = array<i32>} : memref<128x128xf32, #tpu.memory_space<vmem>>, vector<1x16xf32>,
      %swap3A_495 = arith.index_cast %scan3A_464 : i32 to index
      %swap3A_496 = arith.constant 96 : index
      %swap3A_497 = tpu.vector_load %arg7[%swap3A_495, %swap3A_496] {strides = array<i32>} : memref<128x128xf32, #tpu.memory_space<vmem>>, vector<1x16xf32>,
      %swap3A_498 = vector.shape_cast %swap3A_497 : vector<1x16xf32> to vector<16xf32>
      %swap3A_499 = vector.shape_cast %get3A_199 : vector<16xf32> to vector<1x16xf32>
      tpu.vector_store %arg7[%swap3A_495, %swap3A_496], %swap3A_499 {add = true, strides = array<i32>} : memref<128x128xf32, #tpu.memory_space<vmem>>, vector<1x16xf32>,
      %swap3A_500 = arith.index_cast %scan3A_464 : i32 to index
      %swap3A_501 = arith.constant 112 : index
      %swap3A_502 = tpu.vector_load %arg7[%swap3A_500, %swap3A_501] {strides = array<i32>} : memref<128x128xf32, #tpu.memory_space<vmem>>, vector<1x16xf32>,
      %swap3A_503 = vector.shape_cast %swap3A_502 : vector<1x16xf32> to vector<16xf32>
      %swap3A_504 = vector.shape_cast %get3A_203 : vector<16xf32> to vector<1x16xf32>
      tpu.vector_store %arg7[%swap3A_500, %swap3A_501], %swap3A_504 {add = true, strides = array<i32>} : memref<128x128xf32, #tpu.memory_space<vmem>>, vector<1x16xf32>,
      %scan3A_505 = arith.constant 0 : i32
      %scan3A_506 = arith.constant 1 : i32
      %scan3A_507 = arith.addi %scan3A_464, %scan3A_506 : i32
      %swap3A_508 = arith.index_cast %scan3A_507 : i32 to index
      %swap3A_509 = arith.constant 0 : index
      %swap3A_510 = tpu.vector_load %arg7[%swap3A_508, %swap3A_509] {strides = array<i32>} : memref<128x128xf32, #tpu.memory_space<vmem>>, vector<1x16xf32>,
      %swap3A_511 = vector.shape_cast %swap3A_510 : vector<1x16xf32> to vector<16xf32>
      %swap3A_512 = vector.shape_cast %get3A_175 : vector<16xf32> to vector<1x16xf32>
      tpu.vector_store %arg7[%swap3A_508, %swap3A_509], %swap3A_512 {add = true, strides = array<i32>} : memref<128x128xf32, #tpu.memory_space<vmem>>, vector<1x16xf32>,
      %swap3A_513 = arith.index_cast %scan3A_507 : i32 to index
      %swap3A_514 = arith.constant 16 : index
      %swap3A_515 = tpu.vector_load %arg7[%swap3A_513, %swap3A_514] {strides = array<i32>} : memref<128x128xf32, #tpu.memory_space<vmem>>, vector<1x16xf32>,
      %swap3A_516 = vector.shape_cast %swap3A_515 : vector<1x16xf32> to vector<16xf32>
      %swap3A_517 = vector.shape_cast %get3A_179 : vector<16xf32> to vector<1x16xf32>
      tpu.vector_store %arg7[%swap3A_513, %swap3A_514], %swap3A_517 {add = true, strides = array<i32>} : memref<128x128xf32, #tpu.memory_space<vmem>>, vector<1x16xf32>,
      %swap3A_518 = arith.index_cast %scan3A_507 : i32 to index
      %swap3A_519 = arith.constant 32 : index
      %swap3A_520 = tpu.vector_load %arg7[%swap3A_518, %swap3A_519] {strides = array<i32>} : memref<128x128xf32, #tpu.memory_space<vmem>>, vector<1x16xf32>,
      %swap3A_521 = vector.shape_cast %swap3A_520 : vector<1x16xf32> to vector<16xf32>
      %swap3A_522 = vector.shape_cast %get3A_183 : vector<16xf32> to vector<1x16xf32>
      tpu.vector_store %arg7[%swap3A_518, %swap3A_519], %swap3A_522 {add = true, strides = array<i32>} : memref<128x128xf32, #tpu.memory_space<vmem>>, vector<1x16xf32>,
      %swap3A_523 = arith.index_cast %scan3A_507 : i32 to index
      %swap3A_524 = arith.constant 48 : index
      %swap3A_525 = tpu.vector_load %arg7[%swap3A_523, %swap3A_524] {strides = array<i32>} : memref<128x128xf32, #tpu.memory_space<vmem>>, vector<1x16xf32>,
      %swap3A_526 = vector.shape_cast %swap3A_525 : vector<1x16xf32> to vector<16xf32>
      %swap3A_527 = vector.shape_cast %get3A_187 : vector<16xf32> to vector<1x16xf32>
      tpu.vector_store %arg7[%swap3A_523, %swap3A_524], %swap3A_527 {add = true, strides = array<i32>} : memref<128x128xf32, #tpu.memory_space<vmem>>, vector<1x16xf32>,
      %swap3A_528 = arith.index_cast %scan3A_507 : i32 to index
      %swap3A_529 = arith.constant 64 : index
      %swap3A_530 = tpu.vector_load %arg7[%swap3A_528, %swap3A_529] {strides = array<i32>} : memref<128x128xf32, #tpu.memory_space<vmem>>, vector<1x16xf32>,
      %swap3A_531 = vector.shape_cast %swap3A_530 : vector<1x16xf32> to vector<16xf32>
      %swap3A_532 = vector.shape_cast %get3A_191 : vector<16xf32> to vector<1x16xf32>
      tpu.vector_store %arg7[%swap3A_528, %swap3A_529], %swap3A_532 {add = true, strides = array<i32>} : memref<128x128xf32, #tpu.memory_space<vmem>>, vector<1x16xf32>,
      %swap3A_533 = arith.index_cast %scan3A_507 : i32 to index
      %swap3A_534 = arith.constant 80 : index
      %swap3A_535 = tpu.vector_load %arg7[%swap3A_533, %swap3A_534] {strides = array<i32>} : memref<128x128xf32, #tpu.memory_space<vmem>>, vector<1x16xf32>,
      %swap3A_536 = vector.shape_cast %swap3A_535 : vector<1x16xf32> to vector<16xf32>
      %swap3A_537 = vector.shape_cast %get3A_195 : vector<16xf32> to vector<1x16xf32>
      tpu.vector_store %arg7[%swap3A_533, %swap3A_534], %swap3A_537 {add = true, strides = array<i32>} : memref<128x128xf32, #tpu.memory_space<vmem>>, vector<1x16xf32>,
      %swap3A_538 = arith.index_cast %scan3A_507 : i32 to index
      %swap3A_539 = arith.constant 96 : index
      %swap3A_540 = tpu.vector_load %arg7[%swap3A_538, %swap3A_539] {strides = array<i32>} : memref<128x128xf32, #tpu.memory_space<vmem>>, vector<1x16xf32>,
      %swap3A_541 = vector.shape_cast %swap3A_540 : vector<1x16xf32> to vector<16xf32>
      %swap3A_542 = vector.shape_cast %get3A_199 : vector<16xf32> to vector<1x16xf32>
      tpu.vector_store %arg7[%swap3A_538, %swap3A_539], %swap3A_542 {add = true, strides = array<i32>} : memref<128x128xf32, #tpu.memory_space<vmem>>, vector<1x16xf32>,
      %swap3A_543 = arith.index_cast %scan3A_507 : i32 to index
      %swap3A_544 = arith.constant 112 : index
      %swap3A_545 = tpu.vector_load %arg7[%swap3A_543, %swap3A_544] {strides = array<i32>} : memref<128x128xf32, #tpu.memory_space<vmem>>, vector<1x16xf32>,
      %swap3A_546 = vector.shape_cast %swap3A_545 : vector<1x16xf32> to vector<16xf32>
      %swap3A_547 = vector.shape_cast %get3A_203 : vector<16xf32> to vector<1x16xf32>
      tpu.vector_store %arg7[%swap3A_543, %swap3A_544], %swap3A_547 {add = true, strides = array<i32>} : memref<128x128xf32, #tpu.memory_space<vmem>>, vector<1x16xf32>,
      %scan3A_548 = arith.constant 0 : i32
      %scan3A_549 = arith.constant 2 : i32
      %scan3A_550 = arith.addi %scan3A_464, %scan3A_549 : i32
      %swap3A_551 = arith.index_cast %scan3A_550 : i32 to index
      %swap3A_552 = arith.constant 0 : index
      %swap3A_553 = tpu.vector_load %arg7[%swap3A_551, %swap3A_552] {strides = array<i32>} : memref<128x128xf32, #tpu.memory_space<vmem>>, vector<1x16xf32>,
      %swap3A_554 = vector.shape_cast %swap3A_553 : vector<1x16xf32> to vector<16xf32>
      %swap3A_555 = vector.shape_cast %get3A_175 : vector<16xf32> to vector<1x16xf32>
      tpu.vector_store %arg7[%swap3A_551, %swap3A_552], %swap3A_555 {add = true, strides = array<i32>} : memref<128x128xf32, #tpu.memory_space<vmem>>, vector<1x16xf32>,
      %swap3A_556 = arith.index_cast %scan3A_550 : i32 to index
      %swap3A_557 = arith.constant 16 : index
      %swap3A_558 = tpu.vector_load %arg7[%swap3A_556, %swap3A_557] {strides = array<i32>} : memref<128x128xf32, #tpu.memory_space<vmem>>, vector<1x16xf32>,
      %swap3A_559 = vector.shape_cast %swap3A_558 : vector<1x16xf32> to vector<16xf32>
      %swap3A_560 = vector.shape_cast %get3A_179 : vector<16xf32> to vector<1x16xf32>
      tpu.vector_store %arg7[%swap3A_556, %swap3A_557], %swap3A_560 {add = true, strides = array<i32>} : memref<128x128xf32, #tpu.memory_space<vmem>>, vector<1x16xf32>,
      %swap3A_561 = arith.index_cast %scan3A_550 : i32 to index
      %swap3A_562 = arith.constant 32 : index
      %swap3A_563 = tpu.vector_load %arg7[%swap3A_561, %swap3A_562] {strides = array<i32>} : memref<128x128xf32, #tpu.memory_space<vmem>>, vector<1x16xf32>,
      %swap3A_564 = vector.shape_cast %swap3A_563 : vector<1x16xf32> to vector<16xf32>
      %swap3A_565 = vector.shape_cast %get3A_183 : vector<16xf32> to vector<1x16xf32>
      tpu.vector_store %arg7[%swap3A_561, %swap3A_562], %swap3A_565 {add = true, strides = array<i32>} : memref<128x128xf32, #tpu.memory_space<vmem>>, vector<1x16xf32>,
      %swap3A_566 = arith.index_cast %scan3A_550 : i32 to index
      %swap3A_567 = arith.constant 48 : index
      %swap3A_568 = tpu.vector_load %arg7[%swap3A_566, %swap3A_567] {strides = array<i32>} : memref<128x128xf32, #tpu.memory_space<vmem>>, vector<1x16xf32>,
      %swap3A_569 = vector.shape_cast %swap3A_568 : vector<1x16xf32> to vector<16xf32>
      %swap3A_570 = vector.shape_cast %get3A_187 : vector<16xf32> to vector<1x16xf32>
      tpu.vector_store %arg7[%swap3A_566, %swap3A_567], %swap3A_570 {add = true, strides = array<i32>} : memref<128x128xf32, #tpu.memory_space<vmem>>, vector<1x16xf32>,
      %swap3A_571 = arith.index_cast %scan3A_550 : i32 to index
      %swap3A_572 = arith.constant 64 : index
      %swap3A_573 = tpu.vector_load %arg7[%swap3A_571, %swap3A_572] {strides = array<i32>} : memref<128x128xf32, #tpu.memory_space<vmem>>, vector<1x16xf32>,
      %swap3A_574 = vector.shape_cast %swap3A_573 : vector<1x16xf32> to vector<16xf32>
      %swap3A_575 = vector.shape_cast %get3A_191 : vector<16xf32> to vector<1x16xf32>
      tpu.vector_store %arg7[%swap3A_571, %swap3A_572], %swap3A_575 {add = true, strides = array<i32>} : memref<128x128xf32, #tpu.memory_space<vmem>>, vector<1x16xf32>,
      %swap3A_576 = arith.index_cast %scan3A_550 : i32 to index
      %swap3A_577 = arith.constant 80 : index
      %swap3A_578 = tpu.vector_load %arg7[%swap3A_576, %swap3A_577] {strides = array<i32>} : memref<128x128xf32, #tpu.memory_space<vmem>>, vector<1x16xf32>,
      %swap3A_579 = vector.shape_cast %swap3A_578 : vector<1x16xf32> to vector<16xf32>
      %swap3A_580 = vector.shape_cast %get3A_195 : vector<16xf32> to vector<1x16xf32>
      tpu.vector_store %arg7[%swap3A_576, %swap3A_577], %swap3A_580 {add = true, strides = array<i32>} : memref<128x128xf32, #tpu.memory_space<vmem>>, vector<1x16xf32>,
      %swap3A_581 = arith.index_cast %scan3A_550 : i32 to index
      %swap3A_582 = arith.constant 96 : index
      %swap3A_583 = tpu.vector_load %arg7[%swap3A_581, %swap3A_582] {strides = array<i32>} : memref<128x128xf32, #tpu.memory_space<vmem>>, vector<1x16xf32>,
      %swap3A_584 = vector.shape_cast %swap3A_583 : vector<1x16xf32> to vector<16xf32>
      %swap3A_585 = vector.shape_cast %get3A_199 : vector<16xf32> to vector<1x16xf32>
      tpu.vector_store %arg7[%swap3A_581, %swap3A_582], %swap3A_585 {add = true, strides = array<i32>} : memref<128x128xf32, #tpu.memory_space<vmem>>, vector<1x16xf32>,
      %swap3A_586 = arith.index_cast %scan3A_550 : i32 to index
      %swap3A_587 = arith.constant 112 : index
      %swap3A_588 = tpu.vector_load %arg7[%swap3A_586, %swap3A_587] {strides = array<i32>} : memref<128x128xf32, #tpu.memory_space<vmem>>, vector<1x16xf32>,
      %swap3A_589 = vector.shape_cast %swap3A_588 : vector<1x16xf32> to vector<16xf32>
      %swap3A_590 = vector.shape_cast %get3A_203 : vector<16xf32> to vector<1x16xf32>
      tpu.vector_store %arg7[%swap3A_586, %swap3A_587], %swap3A_590 {add = true, strides = array<i32>} : memref<128x128xf32, #tpu.memory_space<vmem>>, vector<1x16xf32>,
      %scan3A_591 = arith.constant 0 : i32
      %scan3A_592 = arith.constant 3 : i32
      %scan3A_593 = arith.addi %scan3A_464, %scan3A_592 : i32
      %swap3A_594 = arith.index_cast %scan3A_593 : i32 to index
      %swap3A_595 = arith.constant 0 : index
      %swap3A_596 = tpu.vector_load %arg7[%swap3A_594, %swap3A_595] {strides = array<i32>} : memref<128x128xf32, #tpu.memory_space<vmem>>, vector<1x16xf32>,
      %swap3A_597 = vector.shape_cast %swap3A_596 : vector<1x16xf32> to vector<16xf32>
      %swap3A_598 = vector.shape_cast %get3A_175 : vector<16xf32> to vector<1x16xf32>
      tpu.vector_store %arg7[%swap3A_594, %swap3A_595], %swap3A_598 {add = true, strides = array<i32>} : memref<128x128xf32, #tpu.memory_space<vmem>>, vector<1x16xf32>,
      %swap3A_599 = arith.index_cast %scan3A_593 : i32 to index
      %swap3A_600 = arith.constant 16 : index
      %swap3A_601 = tpu.vector_load %arg7[%swap3A_599, %swap3A_600] {strides = array<i32>} : memref<128x128xf32, #tpu.memory_space<vmem>>, vector<1x16xf32>,
      %swap3A_602 = vector.shape_cast %swap3A_601 : vector<1x16xf32> to vector<16xf32>
      %swap3A_603 = vector.shape_cast %get3A_179 : vector<16xf32> to vector<1x16xf32>
      tpu.vector_store %arg7[%swap3A_599, %swap3A_600], %swap3A_603 {add = true, strides = array<i32>} : memref<128x128xf32, #tpu.memory_space<vmem>>, vector<1x16xf32>,
      %swap3A_604 = arith.index_cast %scan3A_593 : i32 to index
      %swap3A_605 = arith.constant 32 : index
      %swap3A_606 = tpu.vector_load %arg7[%swap3A_604, %swap3A_605] {strides = array<i32>} : memref<128x128xf32, #tpu.memory_space<vmem>>, vector<1x16xf32>,
      %swap3A_607 = vector.shape_cast %swap3A_606 : vector<1x16xf32> to vector<16xf32>
      %swap3A_608 = vector.shape_cast %get3A_183 : vector<16xf32> to vector<1x16xf32>
      tpu.vector_store %arg7[%swap3A_604, %swap3A_605], %swap3A_608 {add = true, strides = array<i32>} : memref<128x128xf32, #tpu.memory_space<vmem>>, vector<1x16xf32>,
      %swap3A_609 = arith.index_cast %scan3A_593 : i32 to index
      %swap3A_610 = arith.constant 48 : index
      %swap3A_611 = tpu.vector_load %arg7[%swap3A_609, %swap3A_610] {strides = array<i32>} : memref<128x128xf32, #tpu.memory_space<vmem>>, vector<1x16xf32>,
      %swap3A_612 = vector.shape_cast %swap3A_611 : vector<1x16xf32> to vector<16xf32>
      %swap3A_613 = vector.shape_cast %get3A_187 : vector<16xf32> to vector<1x16xf32>
      tpu.vector_store %arg7[%swap3A_609, %swap3A_610], %swap3A_613 {add = true, strides = array<i32>} : memref<128x128xf32, #tpu.memory_space<vmem>>, vector<1x16xf32>,
      %swap3A_614 = arith.index_cast %scan3A_593 : i32 to index
      %swap3A_615 = arith.constant 64 : index
      %swap3A_616 = tpu.vector_load %arg7[%swap3A_614, %swap3A_615] {strides = array<i32>} : memref<128x128xf32, #tpu.memory_space<vmem>>, vector<1x16xf32>,
      %swap3A_617 = vector.shape_cast %swap3A_616 : vector<1x16xf32> to vector<16xf32>
      %swap3A_618 = vector.shape_cast %get3A_191 : vector<16xf32> to vector<1x16xf32>
      tpu.vector_store %arg7[%swap3A_614, %swap3A_615], %swap3A_618 {add = true, strides = array<i32>} : memref<128x128xf32, #tpu.memory_space<vmem>>, vector<1x16xf32>,
      %swap3A_619 = arith.index_cast %scan3A_593 : i32 to index
      %swap3A_620 = arith.constant 80 : index
      %swap3A_621 = tpu.vector_load %arg7[%swap3A_619, %swap3A_620] {strides = array<i32>} : memref<128x128xf32, #tpu.memory_space<vmem>>, vector<1x16xf32>,
      %swap3A_622 = vector.shape_cast %swap3A_621 : vector<1x16xf32> to vector<16xf32>
      %swap3A_623 = vector.shape_cast %get3A_195 : vector<16xf32> to vector<1x16xf32>
      tpu.vector_store %arg7[%swap3A_619, %swap3A_620], %swap3A_623 {add = true, strides = array<i32>} : memref<128x128xf32, #tpu.memory_space<vmem>>, vector<1x16xf32>,
      %swap3A_624 = arith.index_cast %scan3A_593 : i32 to index
      %swap3A_625 = arith.constant 96 : index
      %swap3A_626 = tpu.vector_load %arg7[%swap3A_624, %swap3A_625] {strides = array<i32>} : memref<128x128xf32, #tpu.memory_space<vmem>>, vector<1x16xf32>,
      %swap3A_627 = vector.shape_cast %swap3A_626 : vector<1x16xf32> to vector<16xf32>
      %swap3A_628 = vector.shape_cast %get3A_199 : vector<16xf32> to vector<1x16xf32>
      tpu.vector_store %arg7[%swap3A_624, %swap3A_625], %swap3A_628 {add = true, strides = array<i32>} : memref<128x128xf32, #tpu.memory_space<vmem>>, vector<1x16xf32>,
      %swap3A_629 = arith.index_cast %scan3A_593 : i32 to index
      %swap3A_630 = arith.constant 112 : index
      %swap3A_631 = tpu.vector_load %arg7[%swap3A_629, %swap3A_630] {strides = array<i32>} : memref<128x128xf32, #tpu.memory_space<vmem>>, vector<1x16xf32>,
      %swap3A_632 = vector.shape_cast %swap3A_631 : vector<1x16xf32> to vector<16xf32>
      %swap3A_633 = vector.shape_cast %get3A_203 : vector<16xf32> to vector<1x16xf32>
      tpu.vector_store %arg7[%swap3A_629, %swap3A_630], %swap3A_633 {add = true, strides = array<i32>} : memref<128x128xf32, #tpu.memory_space<vmem>>, vector<1x16xf32>,
      %scan3A_634 = arith.constant 0 : i32
      scf.yield %scan3A_634 : i32
    }
    %scan3A_210 = arith.constant 128 : i32
    %mul3A_211 = arith.constant 1 : i32
    %mul3A_212 = arith.constant 128 : i32
    %mul3A_213 = arith.muli %mul3A_211, %mul3A_212 : i32
    %add3A_214 = arith.addi %mul3A_2, %mul3A_213 : i32
    %dma_start3A_215 = arith.constant 0 : i32
    %dma_start3A_216 = tpu.memref_slice %arg4[%add3A_214, %dma_start3A_215] : memref<409600x128xf32, #tpu.memory_space<hbm>> -> memref<128x128xf32, #tpu.memory_space<hbm>>
    %dma_start3A_217 = arith.constant 0 : i32
    %dma_start3A_218 = tpu.memref_slice %arg4[%add3A_214, %dma_start3A_217] : memref<409600x128xf32, #tpu.memory_space<hbm>> -> memref<128x128xf32, #tpu.memory_space<hbm>>
    tpu.enqueue_dma source(%arg7 : memref<128x128xf32, #tpu.memory_space<vmem>>) target(%dma_start3A_218 : memref<128x128xf32, #tpu.memory_space<hbm>>) target_semaphore(%arg15 : memref<!tpu.dma_semaphore, #tpu.memory_space<semaphore_mem>>)
    %add3A_219 = arith.constant 2 : i32
    %add3A_220 = arith.constant 2 : i32
    %add3A_221 = arith.addi %add3A_219, %add3A_220 : i32
    %dma_wait3A_222 = arith.constant 0 : i32
    %dma_wait3A_223 = arith.constant 0 : i32
    %dma_wait3A_224 = tpu.memref_slice %arg4[%dma_wait3A_222, %dma_wait3A_223] : memref<409600x128xf32, #tpu.memory_space<hbm>> -> memref<128x128xf32, #tpu.memory_space<hbm>>
    %dma_wait3A_225 = arith.constant 0 : i32
    %dma_wait3A_226 = arith.constant 0 : i32
    %dma_wait3A_227 = tpu.memref_slice %arg4[%dma_wait3A_225, %dma_wait3A_226] : memref<409600x128xf32, #tpu.memory_space<hbm>> -> memref<128x128xf32, #tpu.memory_space<hbm>>
    tpu.wait_dma2 semaphore(%arg14 : memref<!tpu.dma_semaphore, #tpu.memory_space<semaphore_mem>>) src(%arg6 : memref<128x128xf32, #tpu.memory_space<vmem>>) dst(%dma_wait3A_227 : memref<128x128xf32, #tpu.memory_space<hbm>>)
    %mul3A_228 = arith.constant 128 : i32
    %mul3A_229 = arith.muli %add3A_221, %mul3A_228 : i32
    %add3A_230 = arith.addi %mul3A_2, %mul3A_229 : i32
    %dma_start3A_231 = arith.constant 0 : i32
    %dma_start3A_232 = tpu.memref_slice %arg2[%add3A_230, %dma_start3A_231] : memref<409600x128xf32, #tpu.memory_space<hbm>> -> memref<128x128xf32, #tpu.memory_space<hbm>>
    %dma_start3A_233 = arith.constant 0 : i32
    %dma_start3A_234 = tpu.memref_slice %arg2[%add3A_230, %dma_start3A_233] : memref<409600x128xf32, #tpu.memory_space<hbm>> -> memref<128x128xf32, #tpu.memory_space<hbm>>
    tpu.enqueue_dma source(%dma_start3A_234 : memref<128x128xf32, #tpu.memory_space<hbm>>) target(%arg6 : memref<128x128xf32, #tpu.memory_space<vmem>>) target_semaphore(%arg10 : memref<!tpu.dma_semaphore, #tpu.memory_space<semaphore_mem>>)
    %dma_wait3A_235 = arith.constant 0 : i32
    %dma_wait3A_236 = arith.constant 0 : i32
    %dma_wait3A_237 = tpu.memref_slice %arg2[%dma_wait3A_235, %dma_wait3A_236] : memref<409600x128xf32, #tpu.memory_space<hbm>> -> memref<128x128xf32, #tpu.memory_space<hbm>>
    %dma_wait3A_238 = arith.constant 0 : i32
    %dma_wait3A_239 = arith.constant 0 : i32
    %dma_wait3A_240 = tpu.memref_slice %arg2[%dma_wait3A_238, %dma_wait3A_239] : memref<409600x128xf32, #tpu.memory_space<hbm>> -> memref<128x128xf32, #tpu.memory_space<hbm>>
    tpu.wait_dma2 semaphore(%arg12 : memref<!tpu.dma_semaphore, #tpu.memory_space<semaphore_mem>>) src(%dma_wait3A_240 : memref<128x128xf32, #tpu.memory_space<hbm>>) dst(%arg8 : memref<128x128xf32, #tpu.memory_space<vmem>>)
    %mul3A_241 = arith.constant 2 : i32
    %mul3A_242 = arith.constant 128 : i32
    %mul3A_243 = arith.muli %mul3A_241, %mul3A_242 : i32
    %add3A_244 = arith.addi %mul3A_2, %mul3A_243 : i32
    %jit3A_245 = arith.constant 1024 : i32
    %div3A_246 = arith.divsi %add3A_244, %jit3A_245 : i32
    %sign3A_247 = arith.constant 0 : i32
    %sign3A_248 = arith.cmpi sgt, %add3A_244, %sign3A_247 : i32
    %sign3A_249 = arith.extui %sign3A_248 : i1 to i32
    %sign3A_250 = arith.constant 0 : i32
    %sign3A_251 = arith.cmpi slt, %add3A_244, %sign3A_250 : i32
    %sign3A_252 = arith.extui %sign3A_251 : i1 to i32
    %sign3A_253 = arith.subi %sign3A_249, %sign3A_252 : i32
    %sign3A_254 = arith.constant 0 : i32
    %sign3A_255 = arith.cmpi sgt, %jit3A_245, %sign3A_254 : i32
    %sign3A_256 = arith.extui %sign3A_255 : i1 to i32
    %sign3A_257 = arith.constant 0 : i32
    %sign3A_258 = arith.cmpi slt, %jit3A_245, %sign3A_257 : i32
    %sign3A_259 = arith.extui %sign3A_258 : i1 to i32
    %sign3A_260 = arith.subi %sign3A_256, %sign3A_259 : i32
    %ne3A_261 = arith.cmpi ne, %sign3A_253, %sign3A_260 : i32
    %rem3A_262 = arith.remsi %add3A_244, %jit3A_245 : i32
    %ne3A_263 = arith.constant 0 : i32
    %ne3A_264 = arith.cmpi ne, %rem3A_262, %ne3A_263 : i32
    %and3A_265 = arith.andi %ne3A_261, %ne3A_264 : i1
    %sub3A_266 = arith.constant 1 : i32
    %sub3A_267 = arith.subi %div3A_246, %sub3A_266 : i32
    %select_n3A_268 = arith.select %and3A_265, %sub3A_267, %div3A_246 : i32
    %jit3A_269 = arith.constant 50 : i32
    %eq3A_270 = arith.constant 0 : i32
    %eq3A_271 = arith.cmpi eq, %jit3A_269, %eq3A_270 : i32
    %jit3A_272 = arith.constant 1 : i32
    %select_n3A_273 = arith.select %eq3A_271, %jit3A_272, %jit3A_269 : i32
    %rem3A_274 = arith.remsi %select_n3A_268, %select_n3A_273 : i32
    %ne3A_275 = arith.constant 0 : i32
    %ne3A_276 = arith.cmpi ne, %rem3A_274, %ne3A_275 : i32
    %lt3A_277 = arith.constant 0 : i32
    %lt3A_278 = arith.cmpi slt, %rem3A_274, %lt3A_277 : i32
    %lt3A_279 = arith.constant 0 : i32
    %lt3A_280 = arith.cmpi slt, %select_n3A_273, %lt3A_279 : i32
    %ne3A_281 = arith.xori %lt3A_278, %lt3A_280 : i1
    %and3A_282 = arith.andi %ne3A_281, %ne3A_276 : i1
    %add3A_283 = arith.addi %rem3A_274, %select_n3A_273 : i32
    %select_n3A_284 = arith.select %and3A_282, %add3A_283, %rem3A_274 : i32
    %get3A_285 = arith.index_cast %select_n3A_284 : i32 to index
    %get3A_286 = arith.constant 0 : index
    %get3A_287 = tpu.vector_load %arg5[%get3A_285, %get3A_286] {strides = array<i32>} : memref<50x128xf32, #tpu.memory_space<vmem>>, vector<1x16xf32>,
    %get3A_288 = vector.shape_cast %get3A_287 : vector<1x16xf32> to vector<16xf32>
    %get3A_289 = arith.index_cast %select_n3A_284 : i32 to index
    %get3A_290 = arith.constant 16 : index
    %get3A_291 = tpu.vector_load %arg5[%get3A_289, %get3A_290] {strides = array<i32>} : memref<50x128xf32, #tpu.memory_space<vmem>>, vector<1x16xf32>,
    %get3A_292 = vector.shape_cast %get3A_291 : vector<1x16xf32> to vector<16xf32>
    %get3A_293 = arith.index_cast %select_n3A_284 : i32 to index
    %get3A_294 = arith.constant 32 : index
    %get3A_295 = tpu.vector_load %arg5[%get3A_293, %get3A_294] {strides = array<i32>} : memref<50x128xf32, #tpu.memory_space<vmem>>, vector<1x16xf32>,
    %get3A_296 = vector.shape_cast %get3A_295 : vector<1x16xf32> to vector<16xf32>
    %get3A_297 = arith.index_cast %select_n3A_284 : i32 to index
    %get3A_298 = arith.constant 48 : index
    %get3A_299 = tpu.vector_load %arg5[%get3A_297, %get3A_298] {strides = array<i32>} : memref<50x128xf32, #tpu.memory_space<vmem>>, vector<1x16xf32>,
    %get3A_300 = vector.shape_cast %get3A_299 : vector<1x16xf32> to vector<16xf32>
    %get3A_301 = arith.index_cast %select_n3A_284 : i32 to index
    %get3A_302 = arith.constant 64 : index
    %get3A_303 = tpu.vector_load %arg5[%get3A_301, %get3A_302] {strides = array<i32>} : memref<50x128xf32, #tpu.memory_space<vmem>>, vector<1x16xf32>,
    %get3A_304 = vector.shape_cast %get3A_303 : vector<1x16xf32> to vector<16xf32>
    %get3A_305 = arith.index_cast %select_n3A_284 : i32 to index
    %get3A_306 = arith.constant 80 : index
    %get3A_307 = tpu.vector_load %arg5[%get3A_305, %get3A_306] {strides = array<i32>} : memref<50x128xf32, #tpu.memory_space<vmem>>, vector<1x16xf32>,
    %get3A_308 = vector.shape_cast %get3A_307 : vector<1x16xf32> to vector<16xf32>
    %get3A_309 = arith.index_cast %select_n3A_284 : i32 to index
    %get3A_310 = arith.constant 96 : index
    %get3A_311 = tpu.vector_load %arg5[%get3A_309, %get3A_310] {strides = array<i32>} : memref<50x128xf32, #tpu.memory_space<vmem>>, vector<1x16xf32>,
    %get3A_312 = vector.shape_cast %get3A_311 : vector<1x16xf32> to vector<16xf32>
    %get3A_313 = arith.index_cast %select_n3A_284 : i32 to index
    %get3A_314 = arith.constant 112 : index
    %get3A_315 = tpu.vector_load %arg5[%get3A_313, %get3A_314] {strides = array<i32>} : memref<50x128xf32, #tpu.memory_space<vmem>>, vector<1x16xf32>,
    %get3A_316 = vector.shape_cast %get3A_315 : vector<1x16xf32> to vector<16xf32>
    %scan3A_317 = arith.constant 0 : i32
    %scan3A_318 = arith.constant 0 : i32
    %scan3A_319 = arith.constant 128 : i32
    %scan3A_320 = arith.addi %scan3A_318, %scan3A_319 : i32
    %scan3A_321 = arith.constant 4 : i32
    %scan3A_322 = scf.for %scan3A_464 = %scan3A_318 to %scan3A_320 step %scan3A_321 iter_args(%scan3A_465 = %scan3A_317) -> (i32)  : i32 {
      %swap3A = arith.index_cast %scan3A_464 : i32 to index
      %swap3A_466 = arith.constant 0 : index
      %swap3A_467 = tpu.vector_load %arg8[%swap3A, %swap3A_466] {strides = array<i32>} : memref<128x128xf32, #tpu.memory_space<vmem>>, vector<1x16xf32>,
      %swap3A_468 = vector.shape_cast %swap3A_467 : vector<1x16xf32> to vector<16xf32>
      %swap3A_469 = vector.shape_cast %get3A_288 : vector<16xf32> to vector<1x16xf32>
      tpu.vector_store %arg8[%swap3A, %swap3A_466], %swap3A_469 {add = true, strides = array<i32>} : memref<128x128xf32, #tpu.memory_space<vmem>>, vector<1x16xf32>,
      %swap3A_470 = arith.index_cast %scan3A_464 : i32 to index
      %swap3A_471 = arith.constant 16 : index
      %swap3A_472 = tpu.vector_load %arg8[%swap3A_470, %swap3A_471] {strides = array<i32>} : memref<128x128xf32, #tpu.memory_space<vmem>>, vector<1x16xf32>,
      %swap3A_473 = vector.shape_cast %swap3A_472 : vector<1x16xf32> to vector<16xf32>
      %swap3A_474 = vector.shape_cast %get3A_292 : vector<16xf32> to vector<1x16xf32>
      tpu.vector_store %arg8[%swap3A_470, %swap3A_471], %swap3A_474 {add = true, strides = array<i32>} : memref<128x128xf32, #tpu.memory_space<vmem>>, vector<1x16xf32>,
      %swap3A_475 = arith.index_cast %scan3A_464 : i32 to index
      %swap3A_476 = arith.constant 32 : index
      %swap3A_477 = tpu.vector_load %arg8[%swap3A_475, %swap3A_476] {strides = array<i32>} : memref<128x128xf32, #tpu.memory_space<vmem>>, vector<1x16xf32>,
      %swap3A_478 = vector.shape_cast %swap3A_477 : vector<1x16xf32> to vector<16xf32>
      %swap3A_479 = vector.shape_cast %get3A_296 : vector<16xf32> to vector<1x16xf32>
      tpu.vector_store %arg8[%swap3A_475, %swap3A_476], %swap3A_479 {add = true, strides = array<i32>} : memref<128x128xf32, #tpu.memory_space<vmem>>, vector<1x16xf32>,
      %swap3A_480 = arith.index_cast %scan3A_464 : i32 to index
      %swap3A_481 = arith.constant 48 : index
      %swap3A_482 = tpu.vector_load %arg8[%swap3A_480, %swap3A_481] {strides = array<i32>} : memref<128x128xf32, #tpu.memory_space<vmem>>, vector<1x16xf32>,
      %swap3A_483 = vector.shape_cast %swap3A_482 : vector<1x16xf32> to vector<16xf32>
      %swap3A_484 = vector.shape_cast %get3A_300 : vector<16xf32> to vector<1x16xf32>
      tpu.vector_store %arg8[%swap3A_480, %swap3A_481], %swap3A_484 {add = true, strides = array<i32>} : memref<128x128xf32, #tpu.memory_space<vmem>>, vector<1x16xf32>,
      %swap3A_485 = arith.index_cast %scan3A_464 : i32 to index
      %swap3A_486 = arith.constant 64 : index
      %swap3A_487 = tpu.vector_load %arg8[%swap3A_485, %swap3A_486] {strides = array<i32>} : memref<128x128xf32, #tpu.memory_space<vmem>>, vector<1x16xf32>,
      %swap3A_488 = vector.shape_cast %swap3A_487 : vector<1x16xf32> to vector<16xf32>
      %swap3A_489 = vector.shape_cast %get3A_304 : vector<16xf32> to vector<1x16xf32>
      tpu.vector_store %arg8[%swap3A_485, %swap3A_486], %swap3A_489 {add = true, strides = array<i32>} : memref<128x128xf32, #tpu.memory_space<vmem>>, vector<1x16xf32>,
      %swap3A_490 = arith.index_cast %scan3A_464 : i32 to index
      %swap3A_491 = arith.constant 80 : index
      %swap3A_492 = tpu.vector_load %arg8[%swap3A_490, %swap3A_491] {strides = array<i32>} : memref<128x128xf32, #tpu.memory_space<vmem>>, vector<1x16xf32>,
      %swap3A_493 = vector.shape_cast %swap3A_492 : vector<1x16xf32> to vector<16xf32>
      %swap3A_494 = vector.shape_cast %get3A_308 : vector<16xf32> to vector<1x16xf32>
      tpu.vector_store %arg8[%swap3A_490, %swap3A_491], %swap3A_494 {add = true, strides = array<i32>} : memref<128x128xf32, #tpu.memory_space<vmem>>, vector<1x16xf32>,
      %swap3A_495 = arith.index_cast %scan3A_464 : i32 to index
      %swap3A_496 = arith.constant 96 : index
      %swap3A_497 = tpu.vector_load %arg8[%swap3A_495, %swap3A_496] {strides = array<i32>} : memref<128x128xf32, #tpu.memory_space<vmem>>, vector<1x16xf32>,
      %swap3A_498 = vector.shape_cast %swap3A_497 : vector<1x16xf32> to vector<16xf32>
      %swap3A_499 = vector.shape_cast %get3A_312 : vector<16xf32> to vector<1x16xf32>
      tpu.vector_store %arg8[%swap3A_495, %swap3A_496], %swap3A_499 {add = true, strides = array<i32>} : memref<128x128xf32, #tpu.memory_space<vmem>>, vector<1x16xf32>,
      %swap3A_500 = arith.index_cast %scan3A_464 : i32 to index
      %swap3A_501 = arith.constant 112 : index
      %swap3A_502 = tpu.vector_load %arg8[%swap3A_500, %swap3A_501] {strides = array<i32>} : memref<128x128xf32, #tpu.memory_space<vmem>>, vector<1x16xf32>,
      %swap3A_503 = vector.shape_cast %swap3A_502 : vector<1x16xf32> to vector<16xf32>
      %swap3A_504 = vector.shape_cast %get3A_316 : vector<16xf32> to vector<1x16xf32>
      tpu.vector_store %arg8[%swap3A_500, %swap3A_501], %swap3A_504 {add = true, strides = array<i32>} : memref<128x128xf32, #tpu.memory_space<vmem>>, vector<1x16xf32>,
      %scan3A_505 = arith.constant 0 : i32
      %scan3A_506 = arith.constant 1 : i32
      %scan3A_507 = arith.addi %scan3A_464, %scan3A_506 : i32
      %swap3A_508 = arith.index_cast %scan3A_507 : i32 to index
      %swap3A_509 = arith.constant 0 : index
      %swap3A_510 = tpu.vector_load %arg8[%swap3A_508, %swap3A_509] {strides = array<i32>} : memref<128x128xf32, #tpu.memory_space<vmem>>, vector<1x16xf32>,
      %swap3A_511 = vector.shape_cast %swap3A_510 : vector<1x16xf32> to vector<16xf32>
      %swap3A_512 = vector.shape_cast %get3A_288 : vector<16xf32> to vector<1x16xf32>
      tpu.vector_store %arg8[%swap3A_508, %swap3A_509], %swap3A_512 {add = true, strides = array<i32>} : memref<128x128xf32, #tpu.memory_space<vmem>>, vector<1x16xf32>,
      %swap3A_513 = arith.index_cast %scan3A_507 : i32 to index
      %swap3A_514 = arith.constant 16 : index
      %swap3A_515 = tpu.vector_load %arg8[%swap3A_513, %swap3A_514] {strides = array<i32>} : memref<128x128xf32, #tpu.memory_space<vmem>>, vector<1x16xf32>,
      %swap3A_516 = vector.shape_cast %swap3A_515 : vector<1x16xf32> to vector<16xf32>
      %swap3A_517 = vector.shape_cast %get3A_292 : vector<16xf32> to vector<1x16xf32>
      tpu.vector_store %arg8[%swap3A_513, %swap3A_514], %swap3A_517 {add = true, strides = array<i32>} : memref<128x128xf32, #tpu.memory_space<vmem>>, vector<1x16xf32>,
      %swap3A_518 = arith.index_cast %scan3A_507 : i32 to index
      %swap3A_519 = arith.constant 32 : index
      %swap3A_520 = tpu.vector_load %arg8[%swap3A_518, %swap3A_519] {strides = array<i32>} : memref<128x128xf32, #tpu.memory_space<vmem>>, vector<1x16xf32>,
      %swap3A_521 = vector.shape_cast %swap3A_520 : vector<1x16xf32> to vector<16xf32>
      %swap3A_522 = vector.shape_cast %get3A_296 : vector<16xf32> to vector<1x16xf32>
      tpu.vector_store %arg8[%swap3A_518, %swap3A_519], %swap3A_522 {add = true, strides = array<i32>} : memref<128x128xf32, #tpu.memory_space<vmem>>, vector<1x16xf32>,
      %swap3A_523 = arith.index_cast %scan3A_507 : i32 to index
      %swap3A_524 = arith.constant 48 : index
      %swap3A_525 = tpu.vector_load %arg8[%swap3A_523, %swap3A_524] {strides = array<i32>} : memref<128x128xf32, #tpu.memory_space<vmem>>, vector<1x16xf32>,
      %swap3A_526 = vector.shape_cast %swap3A_525 : vector<1x16xf32> to vector<16xf32>
      %swap3A_527 = vector.shape_cast %get3A_300 : vector<16xf32> to vector<1x16xf32>
      tpu.vector_store %arg8[%swap3A_523, %swap3A_524], %swap3A_527 {add = true, strides = array<i32>} : memref<128x128xf32, #tpu.memory_space<vmem>>, vector<1x16xf32>,
      %swap3A_528 = arith.index_cast %scan3A_507 : i32 to index
      %swap3A_529 = arith.constant 64 : index
      %swap3A_530 = tpu.vector_load %arg8[%swap3A_528, %swap3A_529] {strides = array<i32>} : memref<128x128xf32, #tpu.memory_space<vmem>>, vector<1x16xf32>,
      %swap3A_531 = vector.shape_cast %swap3A_530 : vector<1x16xf32> to vector<16xf32>
      %swap3A_532 = vector.shape_cast %get3A_304 : vector<16xf32> to vector<1x16xf32>
      tpu.vector_store %arg8[%swap3A_528, %swap3A_529], %swap3A_532 {add = true, strides = array<i32>} : memref<128x128xf32, #tpu.memory_space<vmem>>, vector<1x16xf32>,
      %swap3A_533 = arith.index_cast %scan3A_507 : i32 to index
      %swap3A_534 = arith.constant 80 : index
      %swap3A_535 = tpu.vector_load %arg8[%swap3A_533, %swap3A_534] {strides = array<i32>} : memref<128x128xf32, #tpu.memory_space<vmem>>, vector<1x16xf32>,
      %swap3A_536 = vector.shape_cast %swap3A_535 : vector<1x16xf32> to vector<16xf32>
      %swap3A_537 = vector.shape_cast %get3A_308 : vector<16xf32> to vector<1x16xf32>
      tpu.vector_store %arg8[%swap3A_533, %swap3A_534], %swap3A_537 {add = true, strides = array<i32>} : memref<128x128xf32, #tpu.memory_space<vmem>>, vector<1x16xf32>,
      %swap3A_538 = arith.index_cast %scan3A_507 : i32 to index
      %swap3A_539 = arith.constant 96 : index
      %swap3A_540 = tpu.vector_load %arg8[%swap3A_538, %swap3A_539] {strides = array<i32>} : memref<128x128xf32, #tpu.memory_space<vmem>>, vector<1x16xf32>,
      %swap3A_541 = vector.shape_cast %swap3A_540 : vector<1x16xf32> to vector<16xf32>
      %swap3A_542 = vector.shape_cast %get3A_312 : vector<16xf32> to vector<1x16xf32>
      tpu.vector_store %arg8[%swap3A_538, %swap3A_539], %swap3A_542 {add = true, strides = array<i32>} : memref<128x128xf32, #tpu.memory_space<vmem>>, vector<1x16xf32>,
      %swap3A_543 = arith.index_cast %scan3A_507 : i32 to index
      %swap3A_544 = arith.constant 112 : index
      %swap3A_545 = tpu.vector_load %arg8[%swap3A_543, %swap3A_544] {strides = array<i32>} : memref<128x128xf32, #tpu.memory_space<vmem>>, vector<1x16xf32>,
      %swap3A_546 = vector.shape_cast %swap3A_545 : vector<1x16xf32> to vector<16xf32>
      %swap3A_547 = vector.shape_cast %get3A_316 : vector<16xf32> to vector<1x16xf32>
      tpu.vector_store %arg8[%swap3A_543, %swap3A_544], %swap3A_547 {add = true, strides = array<i32>} : memref<128x128xf32, #tpu.memory_space<vmem>>, vector<1x16xf32>,
      %scan3A_548 = arith.constant 0 : i32
      %scan3A_549 = arith.constant 2 : i32
      %scan3A_550 = arith.addi %scan3A_464, %scan3A_549 : i32
      %swap3A_551 = arith.index_cast %scan3A_550 : i32 to index
      %swap3A_552 = arith.constant 0 : index
      %swap3A_553 = tpu.vector_load %arg8[%swap3A_551, %swap3A_552] {strides = array<i32>} : memref<128x128xf32, #tpu.memory_space<vmem>>, vector<1x16xf32>,
      %swap3A_554 = vector.shape_cast %swap3A_553 : vector<1x16xf32> to vector<16xf32>
      %swap3A_555 = vector.shape_cast %get3A_288 : vector<16xf32> to vector<1x16xf32>
      tpu.vector_store %arg8[%swap3A_551, %swap3A_552], %swap3A_555 {add = true, strides = array<i32>} : memref<128x128xf32, #tpu.memory_space<vmem>>, vector<1x16xf32>,
      %swap3A_556 = arith.index_cast %scan3A_550 : i32 to index
      %swap3A_557 = arith.constant 16 : index
      %swap3A_558 = tpu.vector_load %arg8[%swap3A_556, %swap3A_557] {strides = array<i32>} : memref<128x128xf32, #tpu.memory_space<vmem>>, vector<1x16xf32>,
      %swap3A_559 = vector.shape_cast %swap3A_558 : vector<1x16xf32> to vector<16xf32>
      %swap3A_560 = vector.shape_cast %get3A_292 : vector<16xf32> to vector<1x16xf32>
      tpu.vector_store %arg8[%swap3A_556, %swap3A_557], %swap3A_560 {add = true, strides = array<i32>} : memref<128x128xf32, #tpu.memory_space<vmem>>, vector<1x16xf32>,
      %swap3A_561 = arith.index_cast %scan3A_550 : i32 to index
      %swap3A_562 = arith.constant 32 : index
      %swap3A_563 = tpu.vector_load %arg8[%swap3A_561, %swap3A_562] {strides = array<i32>} : memref<128x128xf32, #tpu.memory_space<vmem>>, vector<1x16xf32>,
      %swap3A_564 = vector.shape_cast %swap3A_563 : vector<1x16xf32> to vector<16xf32>
      %swap3A_565 = vector.shape_cast %get3A_296 : vector<16xf32> to vector<1x16xf32>
      tpu.vector_store %arg8[%swap3A_561, %swap3A_562], %swap3A_565 {add = true, strides = array<i32>} : memref<128x128xf32, #tpu.memory_space<vmem>>, vector<1x16xf32>,
      %swap3A_566 = arith.index_cast %scan3A_550 : i32 to index
      %swap3A_567 = arith.constant 48 : index
      %swap3A_568 = tpu.vector_load %arg8[%swap3A_566, %swap3A_567] {strides = array<i32>} : memref<128x128xf32, #tpu.memory_space<vmem>>, vector<1x16xf32>,
      %swap3A_569 = vector.shape_cast %swap3A_568 : vector<1x16xf32> to vector<16xf32>
      %swap3A_570 = vector.shape_cast %get3A_300 : vector<16xf32> to vector<1x16xf32>
      tpu.vector_store %arg8[%swap3A_566, %swap3A_567], %swap3A_570 {add = true, strides = array<i32>} : memref<128x128xf32, #tpu.memory_space<vmem>>, vector<1x16xf32>,
      %swap3A_571 = arith.index_cast %scan3A_550 : i32 to index
      %swap3A_572 = arith.constant 64 : index
      %swap3A_573 = tpu.vector_load %arg8[%swap3A_571, %swap3A_572] {strides = array<i32>} : memref<128x128xf32, #tpu.memory_space<vmem>>, vector<1x16xf32>,
      %swap3A_574 = vector.shape_cast %swap3A_573 : vector<1x16xf32> to vector<16xf32>
      %swap3A_575 = vector.shape_cast %get3A_304 : vector<16xf32> to vector<1x16xf32>
      tpu.vector_store %arg8[%swap3A_571, %swap3A_572], %swap3A_575 {add = true, strides = array<i32>} : memref<128x128xf32, #tpu.memory_space<vmem>>, vector<1x16xf32>,
      %swap3A_576 = arith.index_cast %scan3A_550 : i32 to index
      %swap3A_577 = arith.constant 80 : index
      %swap3A_578 = tpu.vector_load %arg8[%swap3A_576, %swap3A_577] {strides = array<i32>} : memref<128x128xf32, #tpu.memory_space<vmem>>, vector<1x16xf32>,
      %swap3A_579 = vector.shape_cast %swap3A_578 : vector<1x16xf32> to vector<16xf32>
      %swap3A_580 = vector.shape_cast %get3A_308 : vector<16xf32> to vector<1x16xf32>
      tpu.vector_store %arg8[%swap3A_576, %swap3A_577], %swap3A_580 {add = true, strides = array<i32>} : memref<128x128xf32, #tpu.memory_space<vmem>>, vector<1x16xf32>,
      %swap3A_581 = arith.index_cast %scan3A_550 : i32 to index
      %swap3A_582 = arith.constant 96 : index
      %swap3A_583 = tpu.vector_load %arg8[%swap3A_581, %swap3A_582] {strides = array<i32>} : memref<128x128xf32, #tpu.memory_space<vmem>>, vector<1x16xf32>,
      %swap3A_584 = vector.shape_cast %swap3A_583 : vector<1x16xf32> to vector<16xf32>
      %swap3A_585 = vector.shape_cast %get3A_312 : vector<16xf32> to vector<1x16xf32>
      tpu.vector_store %arg8[%swap3A_581, %swap3A_582], %swap3A_585 {add = true, strides = array<i32>} : memref<128x128xf32, #tpu.memory_space<vmem>>, vector<1x16xf32>,
      %swap3A_586 = arith.index_cast %scan3A_550 : i32 to index
      %swap3A_587 = arith.constant 112 : index
      %swap3A_588 = tpu.vector_load %arg8[%swap3A_586, %swap3A_587] {strides = array<i32>} : memref<128x128xf32, #tpu.memory_space<vmem>>, vector<1x16xf32>,
      %swap3A_589 = vector.shape_cast %swap3A_588 : vector<1x16xf32> to vector<16xf32>
      %swap3A_590 = vector.shape_cast %get3A_316 : vector<16xf32> to vector<1x16xf32>
      tpu.vector_store %arg8[%swap3A_586, %swap3A_587], %swap3A_590 {add = true, strides = array<i32>} : memref<128x128xf32, #tpu.memory_space<vmem>>, vector<1x16xf32>,
      %scan3A_591 = arith.constant 0 : i32
      %scan3A_592 = arith.constant 3 : i32
      %scan3A_593 = arith.addi %scan3A_464, %scan3A_592 : i32
      %swap3A_594 = arith.index_cast %scan3A_593 : i32 to index
      %swap3A_595 = arith.constant 0 : index
      %swap3A_596 = tpu.vector_load %arg8[%swap3A_594, %swap3A_595] {strides = array<i32>} : memref<128x128xf32, #tpu.memory_space<vmem>>, vector<1x16xf32>,
      %swap3A_597 = vector.shape_cast %swap3A_596 : vector<1x16xf32> to vector<16xf32>
      %swap3A_598 = vector.shape_cast %get3A_288 : vector<16xf32> to vector<1x16xf32>
      tpu.vector_store %arg8[%swap3A_594, %swap3A_595], %swap3A_598 {add = true, strides = array<i32>} : memref<128x128xf32, #tpu.memory_space<vmem>>, vector<1x16xf32>,
      %swap3A_599 = arith.index_cast %scan3A_593 : i32 to index
      %swap3A_600 = arith.constant 16 : index
      %swap3A_601 = tpu.vector_load %arg8[%swap3A_599, %swap3A_600] {strides = array<i32>} : memref<128x128xf32, #tpu.memory_space<vmem>>, vector<1x16xf32>,
      %swap3A_602 = vector.shape_cast %swap3A_601 : vector<1x16xf32> to vector<16xf32>
      %swap3A_603 = vector.shape_cast %get3A_292 : vector<16xf32> to vector<1x16xf32>
      tpu.vector_store %arg8[%swap3A_599, %swap3A_600], %swap3A_603 {add = true, strides = array<i32>} : memref<128x128xf32, #tpu.memory_space<vmem>>, vector<1x16xf32>,
      %swap3A_604 = arith.index_cast %scan3A_593 : i32 to index
      %swap3A_605 = arith.constant 32 : index
      %swap3A_606 = tpu.vector_load %arg8[%swap3A_604, %swap3A_605] {strides = array<i32>} : memref<128x128xf32, #tpu.memory_space<vmem>>, vector<1x16xf32>,
      %swap3A_607 = vector.shape_cast %swap3A_606 : vector<1x16xf32> to vector<16xf32>
      %swap3A_608 = vector.shape_cast %get3A_296 : vector<16xf32> to vector<1x16xf32>
      tpu.vector_store %arg8[%swap3A_604, %swap3A_605], %swap3A_608 {add = true, strides = array<i32>} : memref<128x128xf32, #tpu.memory_space<vmem>>, vector<1x16xf32>,
      %swap3A_609 = arith.index_cast %scan3A_593 : i32 to index
      %swap3A_610 = arith.constant 48 : index
      %swap3A_611 = tpu.vector_load %arg8[%swap3A_609, %swap3A_610] {strides = array<i32>} : memref<128x128xf32, #tpu.memory_space<vmem>>, vector<1x16xf32>,
      %swap3A_612 = vector.shape_cast %swap3A_611 : vector<1x16xf32> to vector<16xf32>
      %swap3A_613 = vector.shape_cast %get3A_300 : vector<16xf32> to vector<1x16xf32>
      tpu.vector_store %arg8[%swap3A_609, %swap3A_610], %swap3A_613 {add = true, strides = array<i32>} : memref<128x128xf32, #tpu.memory_space<vmem>>, vector<1x16xf32>,
      %swap3A_614 = arith.index_cast %scan3A_593 : i32 to index
      %swap3A_615 = arith.constant 64 : index
      %swap3A_616 = tpu.vector_load %arg8[%swap3A_614, %swap3A_615] {strides = array<i32>} : memref<128x128xf32, #tpu.memory_space<vmem>>, vector<1x16xf32>,
      %swap3A_617 = vector.shape_cast %swap3A_616 : vector<1x16xf32> to vector<16xf32>
      %swap3A_618 = vector.shape_cast %get3A_304 : vector<16xf32> to vector<1x16xf32>
      tpu.vector_store %arg8[%swap3A_614, %swap3A_615], %swap3A_618 {add = true, strides = array<i32>} : memref<128x128xf32, #tpu.memory_space<vmem>>, vector<1x16xf32>,
      %swap3A_619 = arith.index_cast %scan3A_593 : i32 to index
      %swap3A_620 = arith.constant 80 : index
      %swap3A_621 = tpu.vector_load %arg8[%swap3A_619, %swap3A_620] {strides = array<i32>} : memref<128x128xf32, #tpu.memory_space<vmem>>, vector<1x16xf32>,
      %swap3A_622 = vector.shape_cast %swap3A_621 : vector<1x16xf32> to vector<16xf32>
      %swap3A_623 = vector.shape_cast %get3A_308 : vector<16xf32> to vector<1x16xf32>
      tpu.vector_store %arg8[%swap3A_619, %swap3A_620], %swap3A_623 {add = true, strides = array<i32>} : memref<128x128xf32, #tpu.memory_space<vmem>>, vector<1x16xf32>,
      %swap3A_624 = arith.index_cast %scan3A_593 : i32 to index
      %swap3A_625 = arith.constant 96 : index
      %swap3A_626 = tpu.vector_load %arg8[%swap3A_624, %swap3A_625] {strides = array<i32>} : memref<128x128xf32, #tpu.memory_space<vmem>>, vector<1x16xf32>,
      %swap3A_627 = vector.shape_cast %swap3A_626 : vector<1x16xf32> to vector<16xf32>
      %swap3A_628 = vector.shape_cast %get3A_312 : vector<16xf32> to vector<1x16xf32>
      tpu.vector_store %arg8[%swap3A_624, %swap3A_625], %swap3A_628 {add = true, strides = array<i32>} : memref<128x128xf32, #tpu.memory_space<vmem>>, vector<1x16xf32>,
      %swap3A_629 = arith.index_cast %scan3A_593 : i32 to index
      %swap3A_630 = arith.constant 112 : index
      %swap3A_631 = tpu.vector_load %arg8[%swap3A_629, %swap3A_630] {strides = array<i32>} : memref<128x128xf32, #tpu.memory_space<vmem>>, vector<1x16xf32>,
      %swap3A_632 = vector.shape_cast %swap3A_631 : vector<1x16xf32> to vector<16xf32>
      %swap3A_633 = vector.shape_cast %get3A_316 : vector<16xf32> to vector<1x16xf32>
      tpu.vector_store %arg8[%swap3A_629, %swap3A_630], %swap3A_633 {add = true, strides = array<i32>} : memref<128x128xf32, #tpu.memory_space<vmem>>, vector<1x16xf32>,
      %scan3A_634 = arith.constant 0 : i32
      scf.yield %scan3A_634 : i32
    }
    %scan3A_323 = arith.constant 128 : i32
    %mul3A_324 = arith.constant 2 : i32
    %mul3A_325 = arith.constant 128 : i32
    %mul3A_326 = arith.muli %mul3A_324, %mul3A_325 : i32
    %add3A_327 = arith.addi %mul3A_2, %mul3A_326 : i32
    %dma_start3A_328 = arith.constant 0 : i32
    %dma_start3A_329 = tpu.memref_slice %arg4[%add3A_327, %dma_start3A_328] : memref<409600x128xf32, #tpu.memory_space<hbm>> -> memref<128x128xf32, #tpu.memory_space<hbm>>
    %dma_start3A_330 = arith.constant 0 : i32
    %dma_start3A_331 = tpu.memref_slice %arg4[%add3A_327, %dma_start3A_330] : memref<409600x128xf32, #tpu.memory_space<hbm>> -> memref<128x128xf32, #tpu.memory_space<hbm>>
    tpu.enqueue_dma source(%arg8 : memref<128x128xf32, #tpu.memory_space<vmem>>) target(%dma_start3A_331 : memref<128x128xf32, #tpu.memory_space<hbm>>) target_semaphore(%arg16 : memref<!tpu.dma_semaphore, #tpu.memory_space<semaphore_mem>>)
    %add3A_332 = arith.constant 3 : i32
    %add3A_333 = arith.constant 2 : i32
    %add3A_334 = arith.addi %add3A_332, %add3A_333 : i32
    %dma_wait3A_335 = arith.constant 0 : i32
    %dma_wait3A_336 = arith.constant 0 : i32
    %dma_wait3A_337 = tpu.memref_slice %arg4[%dma_wait3A_335, %dma_wait3A_336] : memref<409600x128xf32, #tpu.memory_space<hbm>> -> memref<128x128xf32, #tpu.memory_space<hbm>>
    %dma_wait3A_338 = arith.constant 0 : i32
    %dma_wait3A_339 = arith.constant 0 : i32
    %dma_wait3A_340 = tpu.memref_slice %arg4[%dma_wait3A_338, %dma_wait3A_339] : memref<409600x128xf32, #tpu.memory_space<hbm>> -> memref<128x128xf32, #tpu.memory_space<hbm>>
    tpu.wait_dma2 semaphore(%arg15 : memref<!tpu.dma_semaphore, #tpu.memory_space<semaphore_mem>>) src(%arg7 : memref<128x128xf32, #tpu.memory_space<vmem>>) dst(%dma_wait3A_340 : memref<128x128xf32, #tpu.memory_space<hbm>>)
    %mul3A_341 = arith.constant 128 : i32
    %mul3A_342 = arith.muli %add3A_334, %mul3A_341 : i32
    %add3A_343 = arith.addi %mul3A_2, %mul3A_342 : i32
    %dma_start3A_344 = arith.constant 0 : i32
    %dma_start3A_345 = tpu.memref_slice %arg2[%add3A_343, %dma_start3A_344] : memref<409600x128xf32, #tpu.memory_space<hbm>> -> memref<128x128xf32, #tpu.memory_space<hbm>>
    %dma_start3A_346 = arith.constant 0 : i32
    %dma_start3A_347 = tpu.memref_slice %arg2[%add3A_343, %dma_start3A_346] : memref<409600x128xf32, #tpu.memory_space<hbm>> -> memref<128x128xf32, #tpu.memory_space<hbm>>
    tpu.enqueue_dma source(%dma_start3A_347 : memref<128x128xf32, #tpu.memory_space<hbm>>) target(%arg7 : memref<128x128xf32, #tpu.memory_space<vmem>>) target_semaphore(%arg11 : memref<!tpu.dma_semaphore, #tpu.memory_space<semaphore_mem>>)
    %dma_wait3A_348 = arith.constant 0 : i32
    %dma_wait3A_349 = arith.constant 0 : i32
    %dma_wait3A_350 = tpu.memref_slice %arg2[%dma_wait3A_348, %dma_wait3A_349] : memref<409600x128xf32, #tpu.memory_space<hbm>> -> memref<128x128xf32, #tpu.memory_space<hbm>>
    %dma_wait3A_351 = arith.constant 0 : i32
    %dma_wait3A_352 = arith.constant 0 : i32
    %dma_wait3A_353 = tpu.memref_slice %arg2[%dma_wait3A_351, %dma_wait3A_352] : memref<409600x128xf32, #tpu.memory_space<hbm>> -> memref<128x128xf32, #tpu.memory_space<hbm>>
    tpu.wait_dma2 semaphore(%arg13 : memref<!tpu.dma_semaphore, #tpu.memory_space<semaphore_mem>>) src(%dma_wait3A_353 : memref<128x128xf32, #tpu.memory_space<hbm>>) dst(%arg9 : memref<128x128xf32, #tpu.memory_space<vmem>>)
    %mul3A_354 = arith.constant 3 : i32
    %mul3A_355 = arith.constant 128 : i32
    %mul3A_356 = arith.muli %mul3A_354, %mul3A_355 : i32
    %add3A_357 = arith.addi %mul3A_2, %mul3A_356 : i32
    %jit3A_358 = arith.constant 1024 : i32
    %div3A_359 = arith.divsi %add3A_357, %jit3A_358 : i32
    %sign3A_360 = arith.constant 0 : i32
    %sign3A_361 = arith.cmpi sgt, %add3A_357, %sign3A_360 : i32
    %sign3A_362 = arith.extui %sign3A_361 : i1 to i32
    %sign3A_363 = arith.constant 0 : i32
    %sign3A_364 = arith.cmpi slt, %add3A_357, %sign3A_363 : i32
    %sign3A_365 = arith.extui %sign3A_364 : i1 to i32
    %sign3A_366 = arith.subi %sign3A_362, %sign3A_365 : i32
    %sign3A_367 = arith.constant 0 : i32
    %sign3A_368 = arith.cmpi sgt, %jit3A_358, %sign3A_367 : i32
    %sign3A_369 = arith.extui %sign3A_368 : i1 to i32
    %sign3A_370 = arith.constant 0 : i32
    %sign3A_371 = arith.cmpi slt, %jit3A_358, %sign3A_370 : i32
    %sign3A_372 = arith.extui %sign3A_371 : i1 to i32
    %sign3A_373 = arith.subi %sign3A_369, %sign3A_372 : i32
    %ne3A_374 = arith.cmpi ne, %sign3A_366, %sign3A_373 : i32
    %rem3A_375 = arith.remsi %add3A_357, %jit3A_358 : i32
    %ne3A_376 = arith.constant 0 : i32
    %ne3A_377 = arith.cmpi ne, %rem3A_375, %ne3A_376 : i32
    %and3A_378 = arith.andi %ne3A_374, %ne3A_377 : i1
    %sub3A_379 = arith.constant 1 : i32
    %sub3A_380 = arith.subi %div3A_359, %sub3A_379 : i32
    %select_n3A_381 = arith.select %and3A_378, %sub3A_380, %div3A_359 : i32
    %jit3A_382 = arith.constant 50 : i32
    %eq3A_383 = arith.constant 0 : i32
    %eq3A_384 = arith.cmpi eq, %jit3A_382, %eq3A_383 : i32
    %jit3A_385 = arith.constant 1 : i32
    %select_n3A_386 = arith.select %eq3A_384, %jit3A_385, %jit3A_382 : i32
    %rem3A_387 = arith.remsi %select_n3A_381, %select_n3A_386 : i32
    %ne3A_388 = arith.constant 0 : i32
    %ne3A_389 = arith.cmpi ne, %rem3A_387, %ne3A_388 : i32
    %lt3A_390 = arith.constant 0 : i32
    %lt3A_391 = arith.cmpi slt, %rem3A_387, %lt3A_390 : i32
    %lt3A_392 = arith.constant 0 : i32
    %lt3A_393 = arith.cmpi slt, %select_n3A_386, %lt3A_392 : i32
    %ne3A_394 = arith.xori %lt3A_391, %lt3A_393 : i1
    %and3A_395 = arith.andi %ne3A_394, %ne3A_389 : i1
    %add3A_396 = arith.addi %rem3A_387, %select_n3A_386 : i32
    %select_n3A_397 = arith.select %and3A_395, %add3A_396, %rem3A_387 : i32
    %get3A_398 = arith.index_cast %select_n3A_397 : i32 to index
    %get3A_399 = arith.constant 0 : index
    %get3A_400 = tpu.vector_load %arg5[%get3A_398, %get3A_399] {strides = array<i32>} : memref<50x128xf32, #tpu.memory_space<vmem>>, vector<1x16xf32>,
    %get3A_401 = vector.shape_cast %get3A_400 : vector<1x16xf32> to vector<16xf32>
    %get3A_402 = arith.index_cast %select_n3A_397 : i32 to index
    %get3A_403 = arith.constant 16 : index
    %get3A_404 = tpu.vector_load %arg5[%get3A_402, %get3A_403] {strides = array<i32>} : memref<50x128xf32, #tpu.memory_space<vmem>>, vector<1x16xf32>,
    %get3A_405 = vector.shape_cast %get3A_404 : vector<1x16xf32> to vector<16xf32>
    %get3A_406 = arith.index_cast %select_n3A_397 : i32 to index
    %get3A_407 = arith.constant 32 : index
    %get3A_408 = tpu.vector_load %arg5[%get3A_406, %get3A_407] {strides = array<i32>} : memref<50x128xf32, #tpu.memory_space<vmem>>, vector<1x16xf32>,
    %get3A_409 = vector.shape_cast %get3A_408 : vector<1x16xf32> to vector<16xf32>
    %get3A_410 = arith.index_cast %select_n3A_397 : i32 to index
    %get3A_411 = arith.constant 48 : index
    %get3A_412 = tpu.vector_load %arg5[%get3A_410, %get3A_411] {strides = array<i32>} : memref<50x128xf32, #tpu.memory_space<vmem>>, vector<1x16xf32>,
    %get3A_413 = vector.shape_cast %get3A_412 : vector<1x16xf32> to vector<16xf32>
    %get3A_414 = arith.index_cast %select_n3A_397 : i32 to index
    %get3A_415 = arith.constant 64 : index
    %get3A_416 = tpu.vector_load %arg5[%get3A_414, %get3A_415] {strides = array<i32>} : memref<50x128xf32, #tpu.memory_space<vmem>>, vector<1x16xf32>,
    %get3A_417 = vector.shape_cast %get3A_416 : vector<1x16xf32> to vector<16xf32>
    %get3A_418 = arith.index_cast %select_n3A_397 : i32 to index
    %get3A_419 = arith.constant 80 : index
    %get3A_420 = tpu.vector_load %arg5[%get3A_418, %get3A_419] {strides = array<i32>} : memref<50x128xf32, #tpu.memory_space<vmem>>, vector<1x16xf32>,
    %get3A_421 = vector.shape_cast %get3A_420 : vector<1x16xf32> to vector<16xf32>
    %get3A_422 = arith.index_cast %select_n3A_397 : i32 to index
    %get3A_423 = arith.constant 96 : index
    %get3A_424 = tpu.vector_load %arg5[%get3A_422, %get3A_423] {strides = array<i32>} : memref<50x128xf32, #tpu.memory_space<vmem>>, vector<1x16xf32>,
    %get3A_425 = vector.shape_cast %get3A_424 : vector<1x16xf32> to vector<16xf32>
    %get3A_426 = arith.index_cast %select_n3A_397 : i32 to index
    %get3A_427 = arith.constant 112 : index
    %get3A_428 = tpu.vector_load %arg5[%get3A_426, %get3A_427] {strides = array<i32>} : memref<50x128xf32, #tpu.memory_space<vmem>>, vector<1x16xf32>,
    %get3A_429 = vector.shape_cast %get3A_428 : vector<1x16xf32> to vector<16xf32>
    %scan3A_430 = arith.constant 0 : i32
    %scan3A_431 = arith.constant 0 : i32
    %scan3A_432 = arith.constant 128 : i32
    %scan3A_433 = arith.addi %scan3A_431, %scan3A_432 : i32
    %scan3A_434 = arith.constant 4 : i32
    %scan3A_435 = scf.for %scan3A_464 = %scan3A_431 to %scan3A_433 step %scan3A_434 iter_args(%scan3A_465 = %scan3A_430) -> (i32)  : i32 {
      %swap3A = arith.index_cast %scan3A_464 : i32 to index
      %swap3A_466 = arith.constant 0 : index
      %swap3A_467 = tpu.vector_load %arg9[%swap3A, %swap3A_466] {strides = array<i32>} : memref<128x128xf32, #tpu.memory_space<vmem>>, vector<1x16xf32>,
      %swap3A_468 = vector.shape_cast %swap3A_467 : vector<1x16xf32> to vector<16xf32>
      %swap3A_469 = vector.shape_cast %get3A_401 : vector<16xf32> to vector<1x16xf32>
      tpu.vector_store %arg9[%swap3A, %swap3A_466], %swap3A_469 {add = true, strides = array<i32>} : memref<128x128xf32, #tpu.memory_space<vmem>>, vector<1x16xf32>,
      %swap3A_470 = arith.index_cast %scan3A_464 : i32 to index
      %swap3A_471 = arith.constant 16 : index
      %swap3A_472 = tpu.vector_load %arg9[%swap3A_470, %swap3A_471] {strides = array<i32>} : memref<128x128xf32, #tpu.memory_space<vmem>>, vector<1x16xf32>,
      %swap3A_473 = vector.shape_cast %swap3A_472 : vector<1x16xf32> to vector<16xf32>
      %swap3A_474 = vector.shape_cast %get3A_405 : vector<16xf32> to vector<1x16xf32>
      tpu.vector_store %arg9[%swap3A_470, %swap3A_471], %swap3A_474 {add = true, strides = array<i32>} : memref<128x128xf32, #tpu.memory_space<vmem>>, vector<1x16xf32>,
      %swap3A_475 = arith.index_cast %scan3A_464 : i32 to index
      %swap3A_476 = arith.constant 32 : index
      %swap3A_477 = tpu.vector_load %arg9[%swap3A_475, %swap3A_476] {strides = array<i32>} : memref<128x128xf32, #tpu.memory_space<vmem>>, vector<1x16xf32>,
      %swap3A_478 = vector.shape_cast %swap3A_477 : vector<1x16xf32> to vector<16xf32>
      %swap3A_479 = vector.shape_cast %get3A_409 : vector<16xf32> to vector<1x16xf32>
      tpu.vector_store %arg9[%swap3A_475, %swap3A_476], %swap3A_479 {add = true, strides = array<i32>} : memref<128x128xf32, #tpu.memory_space<vmem>>, vector<1x16xf32>,
      %swap3A_480 = arith.index_cast %scan3A_464 : i32 to index
      %swap3A_481 = arith.constant 48 : index
      %swap3A_482 = tpu.vector_load %arg9[%swap3A_480, %swap3A_481] {strides = array<i32>} : memref<128x128xf32, #tpu.memory_space<vmem>>, vector<1x16xf32>,
      %swap3A_483 = vector.shape_cast %swap3A_482 : vector<1x16xf32> to vector<16xf32>
      %swap3A_484 = vector.shape_cast %get3A_413 : vector<16xf32> to vector<1x16xf32>
      tpu.vector_store %arg9[%swap3A_480, %swap3A_481], %swap3A_484 {add = true, strides = array<i32>} : memref<128x128xf32, #tpu.memory_space<vmem>>, vector<1x16xf32>,
      %swap3A_485 = arith.index_cast %scan3A_464 : i32 to index
      %swap3A_486 = arith.constant 64 : index
      %swap3A_487 = tpu.vector_load %arg9[%swap3A_485, %swap3A_486] {strides = array<i32>} : memref<128x128xf32, #tpu.memory_space<vmem>>, vector<1x16xf32>,
      %swap3A_488 = vector.shape_cast %swap3A_487 : vector<1x16xf32> to vector<16xf32>
      %swap3A_489 = vector.shape_cast %get3A_417 : vector<16xf32> to vector<1x16xf32>
      tpu.vector_store %arg9[%swap3A_485, %swap3A_486], %swap3A_489 {add = true, strides = array<i32>} : memref<128x128xf32, #tpu.memory_space<vmem>>, vector<1x16xf32>,
      %swap3A_490 = arith.index_cast %scan3A_464 : i32 to index
      %swap3A_491 = arith.constant 80 : index
      %swap3A_492 = tpu.vector_load %arg9[%swap3A_490, %swap3A_491] {strides = array<i32>} : memref<128x128xf32, #tpu.memory_space<vmem>>, vector<1x16xf32>,
      %swap3A_493 = vector.shape_cast %swap3A_492 : vector<1x16xf32> to vector<16xf32>
      %swap3A_494 = vector.shape_cast %get3A_421 : vector<16xf32> to vector<1x16xf32>
      tpu.vector_store %arg9[%swap3A_490, %swap3A_491], %swap3A_494 {add = true, strides = array<i32>} : memref<128x128xf32, #tpu.memory_space<vmem>>, vector<1x16xf32>,
      %swap3A_495 = arith.index_cast %scan3A_464 : i32 to index
      %swap3A_496 = arith.constant 96 : index
      %swap3A_497 = tpu.vector_load %arg9[%swap3A_495, %swap3A_496] {strides = array<i32>} : memref<128x128xf32, #tpu.memory_space<vmem>>, vector<1x16xf32>,
      %swap3A_498 = vector.shape_cast %swap3A_497 : vector<1x16xf32> to vector<16xf32>
      %swap3A_499 = vector.shape_cast %get3A_425 : vector<16xf32> to vector<1x16xf32>
      tpu.vector_store %arg9[%swap3A_495, %swap3A_496], %swap3A_499 {add = true, strides = array<i32>} : memref<128x128xf32, #tpu.memory_space<vmem>>, vector<1x16xf32>,
      %swap3A_500 = arith.index_cast %scan3A_464 : i32 to index
      %swap3A_501 = arith.constant 112 : index
      %swap3A_502 = tpu.vector_load %arg9[%swap3A_500, %swap3A_501] {strides = array<i32>} : memref<128x128xf32, #tpu.memory_space<vmem>>, vector<1x16xf32>,
      %swap3A_503 = vector.shape_cast %swap3A_502 : vector<1x16xf32> to vector<16xf32>
      %swap3A_504 = vector.shape_cast %get3A_429 : vector<16xf32> to vector<1x16xf32>
      tpu.vector_store %arg9[%swap3A_500, %swap3A_501], %swap3A_504 {add = true, strides = array<i32>} : memref<128x128xf32, #tpu.memory_space<vmem>>, vector<1x16xf32>,
      %scan3A_505 = arith.constant 0 : i32
      %scan3A_506 = arith.constant 1 : i32
      %scan3A_507 = arith.addi %scan3A_464, %scan3A_506 : i32
      %swap3A_508 = arith.index_cast %scan3A_507 : i32 to index
      %swap3A_509 = arith.constant 0 : index
      %swap3A_510 = tpu.vector_load %arg9[%swap3A_508, %swap3A_509] {strides = array<i32>} : memref<128x128xf32, #tpu.memory_space<vmem>>, vector<1x16xf32>,
      %swap3A_511 = vector.shape_cast %swap3A_510 : vector<1x16xf32> to vector<16xf32>
      %swap3A_512 = vector.shape_cast %get3A_401 : vector<16xf32> to vector<1x16xf32>
      tpu.vector_store %arg9[%swap3A_508, %swap3A_509], %swap3A_512 {add = true, strides = array<i32>} : memref<128x128xf32, #tpu.memory_space<vmem>>, vector<1x16xf32>,
      %swap3A_513 = arith.index_cast %scan3A_507 : i32 to index
      %swap3A_514 = arith.constant 16 : index
      %swap3A_515 = tpu.vector_load %arg9[%swap3A_513, %swap3A_514] {strides = array<i32>} : memref<128x128xf32, #tpu.memory_space<vmem>>, vector<1x16xf32>,
      %swap3A_516 = vector.shape_cast %swap3A_515 : vector<1x16xf32> to vector<16xf32>
      %swap3A_517 = vector.shape_cast %get3A_405 : vector<16xf32> to vector<1x16xf32>
      tpu.vector_store %arg9[%swap3A_513, %swap3A_514], %swap3A_517 {add = true, strides = array<i32>} : memref<128x128xf32, #tpu.memory_space<vmem>>, vector<1x16xf32>,
      %swap3A_518 = arith.index_cast %scan3A_507 : i32 to index
      %swap3A_519 = arith.constant 32 : index
      %swap3A_520 = tpu.vector_load %arg9[%swap3A_518, %swap3A_519] {strides = array<i32>} : memref<128x128xf32, #tpu.memory_space<vmem>>, vector<1x16xf32>,
      %swap3A_521 = vector.shape_cast %swap3A_520 : vector<1x16xf32> to vector<16xf32>
      %swap3A_522 = vector.shape_cast %get3A_409 : vector<16xf32> to vector<1x16xf32>
      tpu.vector_store %arg9[%swap3A_518, %swap3A_519], %swap3A_522 {add = true, strides = array<i32>} : memref<128x128xf32, #tpu.memory_space<vmem>>, vector<1x16xf32>,
      %swap3A_523 = arith.index_cast %scan3A_507 : i32 to index
      %swap3A_524 = arith.constant 48 : index
      %swap3A_525 = tpu.vector_load %arg9[%swap3A_523, %swap3A_524] {strides = array<i32>} : memref<128x128xf32, #tpu.memory_space<vmem>>, vector<1x16xf32>,
      %swap3A_526 = vector.shape_cast %swap3A_525 : vector<1x16xf32> to vector<16xf32>
      %swap3A_527 = vector.shape_cast %get3A_413 : vector<16xf32> to vector<1x16xf32>
      tpu.vector_store %arg9[%swap3A_523, %swap3A_524], %swap3A_527 {add = true, strides = array<i32>} : memref<128x128xf32, #tpu.memory_space<vmem>>, vector<1x16xf32>,
      %swap3A_528 = arith.index_cast %scan3A_507 : i32 to index
      %swap3A_529 = arith.constant 64 : index
      %swap3A_530 = tpu.vector_load %arg9[%swap3A_528, %swap3A_529] {strides = array<i32>} : memref<128x128xf32, #tpu.memory_space<vmem>>, vector<1x16xf32>,
      %swap3A_531 = vector.shape_cast %swap3A_530 : vector<1x16xf32> to vector<16xf32>
      %swap3A_532 = vector.shape_cast %get3A_417 : vector<16xf32> to vector<1x16xf32>
      tpu.vector_store %arg9[%swap3A_528, %swap3A_529], %swap3A_532 {add = true, strides = array<i32>} : memref<128x128xf32, #tpu.memory_space<vmem>>, vector<1x16xf32>,
      %swap3A_533 = arith.index_cast %scan3A_507 : i32 to index
      %swap3A_534 = arith.constant 80 : index
      %swap3A_535 = tpu.vector_load %arg9[%swap3A_533, %swap3A_534] {strides = array<i32>} : memref<128x128xf32, #tpu.memory_space<vmem>>, vector<1x16xf32>,
      %swap3A_536 = vector.shape_cast %swap3A_535 : vector<1x16xf32> to vector<16xf32>
      %swap3A_537 = vector.shape_cast %get3A_421 : vector<16xf32> to vector<1x16xf32>
      tpu.vector_store %arg9[%swap3A_533, %swap3A_534], %swap3A_537 {add = true, strides = array<i32>} : memref<128x128xf32, #tpu.memory_space<vmem>>, vector<1x16xf32>,
      %swap3A_538 = arith.index_cast %scan3A_507 : i32 to index
      %swap3A_539 = arith.constant 96 : index
      %swap3A_540 = tpu.vector_load %arg9[%swap3A_538, %swap3A_539] {strides = array<i32>} : memref<128x128xf32, #tpu.memory_space<vmem>>, vector<1x16xf32>,
      %swap3A_541 = vector.shape_cast %swap3A_540 : vector<1x16xf32> to vector<16xf32>
      %swap3A_542 = vector.shape_cast %get3A_425 : vector<16xf32> to vector<1x16xf32>
      tpu.vector_store %arg9[%swap3A_538, %swap3A_539], %swap3A_542 {add = true, strides = array<i32>} : memref<128x128xf32, #tpu.memory_space<vmem>>, vector<1x16xf32>,
      %swap3A_543 = arith.index_cast %scan3A_507 : i32 to index
      %swap3A_544 = arith.constant 112 : index
      %swap3A_545 = tpu.vector_load %arg9[%swap3A_543, %swap3A_544] {strides = array<i32>} : memref<128x128xf32, #tpu.memory_space<vmem>>, vector<1x16xf32>,
      %swap3A_546 = vector.shape_cast %swap3A_545 : vector<1x16xf32> to vector<16xf32>
      %swap3A_547 = vector.shape_cast %get3A_429 : vector<16xf32> to vector<1x16xf32>
      tpu.vector_store %arg9[%swap3A_543, %swap3A_544], %swap3A_547 {add = true, strides = array<i32>} : memref<128x128xf32, #tpu.memory_space<vmem>>, vector<1x16xf32>,
      %scan3A_548 = arith.constant 0 : i32
      %scan3A_549 = arith.constant 2 : i32
      %scan3A_550 = arith.addi %scan3A_464, %scan3A_549 : i32
      %swap3A_551 = arith.index_cast %scan3A_550 : i32 to index
      %swap3A_552 = arith.constant 0 : index
      %swap3A_553 = tpu.vector_load %arg9[%swap3A_551, %swap3A_552] {strides = array<i32>} : memref<128x128xf32, #tpu.memory_space<vmem>>, vector<1x16xf32>,
      %swap3A_554 = vector.shape_cast %swap3A_553 : vector<1x16xf32> to vector<16xf32>
      %swap3A_555 = vector.shape_cast %get3A_401 : vector<16xf32> to vector<1x16xf32>
      tpu.vector_store %arg9[%swap3A_551, %swap3A_552], %swap3A_555 {add = true, strides = array<i32>} : memref<128x128xf32, #tpu.memory_space<vmem>>, vector<1x16xf32>,
      %swap3A_556 = arith.index_cast %scan3A_550 : i32 to index
      %swap3A_557 = arith.constant 16 : index
      %swap3A_558 = tpu.vector_load %arg9[%swap3A_556, %swap3A_557] {strides = array<i32>} : memref<128x128xf32, #tpu.memory_space<vmem>>, vector<1x16xf32>,
      %swap3A_559 = vector.shape_cast %swap3A_558 : vector<1x16xf32> to vector<16xf32>
      %swap3A_560 = vector.shape_cast %get3A_405 : vector<16xf32> to vector<1x16xf32>
      tpu.vector_store %arg9[%swap3A_556, %swap3A_557], %swap3A_560 {add = true, strides = array<i32>} : memref<128x128xf32, #tpu.memory_space<vmem>>, vector<1x16xf32>,
      %swap3A_561 = arith.index_cast %scan3A_550 : i32 to index
      %swap3A_562 = arith.constant 32 : index
      %swap3A_563 = tpu.vector_load %arg9[%swap3A_561, %swap3A_562] {strides = array<i32>} : memref<128x128xf32, #tpu.memory_space<vmem>>, vector<1x16xf32>,
      %swap3A_564 = vector.shape_cast %swap3A_563 : vector<1x16xf32> to vector<16xf32>
      %swap3A_565 = vector.shape_cast %get3A_409 : vector<16xf32> to vector<1x16xf32>
      tpu.vector_store %arg9[%swap3A_561, %swap3A_562], %swap3A_565 {add = true, strides = array<i32>} : memref<128x128xf32, #tpu.memory_space<vmem>>, vector<1x16xf32>,
      %swap3A_566 = arith.index_cast %scan3A_550 : i32 to index
      %swap3A_567 = arith.constant 48 : index
      %swap3A_568 = tpu.vector_load %arg9[%swap3A_566, %swap3A_567] {strides = array<i32>} : memref<128x128xf32, #tpu.memory_space<vmem>>, vector<1x16xf32>,
      %swap3A_569 = vector.shape_cast %swap3A_568 : vector<1x16xf32> to vector<16xf32>
      %swap3A_570 = vector.shape_cast %get3A_413 : vector<16xf32> to vector<1x16xf32>
      tpu.vector_store %arg9[%swap3A_566, %swap3A_567], %swap3A_570 {add = true, strides = array<i32>} : memref<128x128xf32, #tpu.memory_space<vmem>>, vector<1x16xf32>,
      %swap3A_571 = arith.index_cast %scan3A_550 : i32 to index
      %swap3A_572 = arith.constant 64 : index
      %swap3A_573 = tpu.vector_load %arg9[%swap3A_571, %swap3A_572] {strides = array<i32>} : memref<128x128xf32, #tpu.memory_space<vmem>>, vector<1x16xf32>,
      %swap3A_574 = vector.shape_cast %swap3A_573 : vector<1x16xf32> to vector<16xf32>
      %swap3A_575 = vector.shape_cast %get3A_417 : vector<16xf32> to vector<1x16xf32>
      tpu.vector_store %arg9[%swap3A_571, %swap3A_572], %swap3A_575 {add = true, strides = array<i32>} : memref<128x128xf32, #tpu.memory_space<vmem>>, vector<1x16xf32>,
      %swap3A_576 = arith.index_cast %scan3A_550 : i32 to index
      %swap3A_577 = arith.constant 80 : index
      %swap3A_578 = tpu.vector_load %arg9[%swap3A_576, %swap3A_577] {strides = array<i32>} : memref<128x128xf32, #tpu.memory_space<vmem>>, vector<1x16xf32>,
      %swap3A_579 = vector.shape_cast %swap3A_578 : vector<1x16xf32> to vector<16xf32>
      %swap3A_580 = vector.shape_cast %get3A_421 : vector<16xf32> to vector<1x16xf32>
      tpu.vector_store %arg9[%swap3A_576, %swap3A_577], %swap3A_580 {add = true, strides = array<i32>} : memref<128x128xf32, #tpu.memory_space<vmem>>, vector<1x16xf32>,
      %swap3A_581 = arith.index_cast %scan3A_550 : i32 to index
      %swap3A_582 = arith.constant 96 : index
      %swap3A_583 = tpu.vector_load %arg9[%swap3A_581, %swap3A_582] {strides = array<i32>} : memref<128x128xf32, #tpu.memory_space<vmem>>, vector<1x16xf32>,
      %swap3A_584 = vector.shape_cast %swap3A_583 : vector<1x16xf32> to vector<16xf32>
      %swap3A_585 = vector.shape_cast %get3A_425 : vector<16xf32> to vector<1x16xf32>
      tpu.vector_store %arg9[%swap3A_581, %swap3A_582], %swap3A_585 {add = true, strides = array<i32>} : memref<128x128xf32, #tpu.memory_space<vmem>>, vector<1x16xf32>,
      %swap3A_586 = arith.index_cast %scan3A_550 : i32 to index
      %swap3A_587 = arith.constant 112 : index
      %swap3A_588 = tpu.vector_load %arg9[%swap3A_586, %swap3A_587] {strides = array<i32>} : memref<128x128xf32, #tpu.memory_space<vmem>>, vector<1x16xf32>,
      %swap3A_589 = vector.shape_cast %swap3A_588 : vector<1x16xf32> to vector<16xf32>
      %swap3A_590 = vector.shape_cast %get3A_429 : vector<16xf32> to vector<1x16xf32>
      tpu.vector_store %arg9[%swap3A_586, %swap3A_587], %swap3A_590 {add = true, strides = array<i32>} : memref<128x128xf32, #tpu.memory_space<vmem>>, vector<1x16xf32>,
      %scan3A_591 = arith.constant 0 : i32
      %scan3A_592 = arith.constant 3 : i32
      %scan3A_593 = arith.addi %scan3A_464, %scan3A_592 : i32
      %swap3A_594 = arith.index_cast %scan3A_593 : i32 to index
      %swap3A_595 = arith.constant 0 : index
      %swap3A_596 = tpu.vector_load %arg9[%swap3A_594, %swap3A_595] {strides = array<i32>} : memref<128x128xf32, #tpu.memory_space<vmem>>, vector<1x16xf32>,
      %swap3A_597 = vector.shape_cast %swap3A_596 : vector<1x16xf32> to vector<16xf32>
      %swap3A_598 = vector.shape_cast %get3A_401 : vector<16xf32> to vector<1x16xf32>
      tpu.vector_store %arg9[%swap3A_594, %swap3A_595], %swap3A_598 {add = true, strides = array<i32>} : memref<128x128xf32, #tpu.memory_space<vmem>>, vector<1x16xf32>,
      %swap3A_599 = arith.index_cast %scan3A_593 : i32 to index
      %swap3A_600 = arith.constant 16 : index
      %swap3A_601 = tpu.vector_load %arg9[%swap3A_599, %swap3A_600] {strides = array<i32>} : memref<128x128xf32, #tpu.memory_space<vmem>>, vector<1x16xf32>,
      %swap3A_602 = vector.shape_cast %swap3A_601 : vector<1x16xf32> to vector<16xf32>
      %swap3A_603 = vector.shape_cast %get3A_405 : vector<16xf32> to vector<1x16xf32>
      tpu.vector_store %arg9[%swap3A_599, %swap3A_600], %swap3A_603 {add = true, strides = array<i32>} : memref<128x128xf32, #tpu.memory_space<vmem>>, vector<1x16xf32>,
      %swap3A_604 = arith.index_cast %scan3A_593 : i32 to index
      %swap3A_605 = arith.constant 32 : index
      %swap3A_606 = tpu.vector_load %arg9[%swap3A_604, %swap3A_605] {strides = array<i32>} : memref<128x128xf32, #tpu.memory_space<vmem>>, vector<1x16xf32>,
      %swap3A_607 = vector.shape_cast %swap3A_606 : vector<1x16xf32> to vector<16xf32>
      %swap3A_608 = vector.shape_cast %get3A_409 : vector<16xf32> to vector<1x16xf32>
      tpu.vector_store %arg9[%swap3A_604, %swap3A_605], %swap3A_608 {add = true, strides = array<i32>} : memref<128x128xf32, #tpu.memory_space<vmem>>, vector<1x16xf32>,
      %swap3A_609 = arith.index_cast %scan3A_593 : i32 to index
      %swap3A_610 = arith.constant 48 : index
      %swap3A_611 = tpu.vector_load %arg9[%swap3A_609, %swap3A_610] {strides = array<i32>} : memref<128x128xf32, #tpu.memory_space<vmem>>, vector<1x16xf32>,
      %swap3A_612 = vector.shape_cast %swap3A_611 : vector<1x16xf32> to vector<16xf32>
      %swap3A_613 = vector.shape_cast %get3A_413 : vector<16xf32> to vector<1x16xf32>
      tpu.vector_store %arg9[%swap3A_609, %swap3A_610], %swap3A_613 {add = true, strides = array<i32>} : memref<128x128xf32, #tpu.memory_space<vmem>>, vector<1x16xf32>,
      %swap3A_614 = arith.index_cast %scan3A_593 : i32 to index
      %swap3A_615 = arith.constant 64 : index
      %swap3A_616 = tpu.vector_load %arg9[%swap3A_614, %swap3A_615] {strides = array<i32>} : memref<128x128xf32, #tpu.memory_space<vmem>>, vector<1x16xf32>,
      %swap3A_617 = vector.shape_cast %swap3A_616 : vector<1x16xf32> to vector<16xf32>
      %swap3A_618 = vector.shape_cast %get3A_417 : vector<16xf32> to vector<1x16xf32>
      tpu.vector_store %arg9[%swap3A_614, %swap3A_615], %swap3A_618 {add = true, strides = array<i32>} : memref<128x128xf32, #tpu.memory_space<vmem>>, vector<1x16xf32>,
      %swap3A_619 = arith.index_cast %scan3A_593 : i32 to index
      %swap3A_620 = arith.constant 80 : index
      %swap3A_621 = tpu.vector_load %arg9[%swap3A_619, %swap3A_620] {strides = array<i32>} : memref<128x128xf32, #tpu.memory_space<vmem>>, vector<1x16xf32>,
      %swap3A_622 = vector.shape_cast %swap3A_621 : vector<1x16xf32> to vector<16xf32>
      %swap3A_623 = vector.shape_cast %get3A_421 : vector<16xf32> to vector<1x16xf32>
      tpu.vector_store %arg9[%swap3A_619, %swap3A_620], %swap3A_623 {add = true, strides = array<i32>} : memref<128x128xf32, #tpu.memory_space<vmem>>, vector<1x16xf32>,
      %swap3A_624 = arith.index_cast %scan3A_593 : i32 to index
      %swap3A_625 = arith.constant 96 : index
      %swap3A_626 = tpu.vector_load %arg9[%swap3A_624, %swap3A_625] {strides = array<i32>} : memref<128x128xf32, #tpu.memory_space<vmem>>, vector<1x16xf32>,
      %swap3A_627 = vector.shape_cast %swap3A_626 : vector<1x16xf32> to vector<16xf32>
      %swap3A_628 = vector.shape_cast %get3A_425 : vector<16xf32> to vector<1x16xf32>
      tpu.vector_store %arg9[%swap3A_624, %swap3A_625], %swap3A_628 {add = true, strides = array<i32>} : memref<128x128xf32, #tpu.memory_space<vmem>>, vector<1x16xf32>,
      %swap3A_629 = arith.index_cast %scan3A_593 : i32 to index
      %swap3A_630 = arith.constant 112 : index
      %swap3A_631 = tpu.vector_load %arg9[%swap3A_629, %swap3A_630] {strides = array<i32>} : memref<128x128xf32, #tpu.memory_space<vmem>>, vector<1x16xf32>,
      %swap3A_632 = vector.shape_cast %swap3A_631 : vector<1x16xf32> to vector<16xf32>
      %swap3A_633 = vector.shape_cast %get3A_429 : vector<16xf32> to vector<1x16xf32>
      tpu.vector_store %arg9[%swap3A_629, %swap3A_630], %swap3A_633 {add = true, strides = array<i32>} : memref<128x128xf32, #tpu.memory_space<vmem>>, vector<1x16xf32>,
      %scan3A_634 = arith.constant 0 : i32
      scf.yield %scan3A_634 : i32
    }
    %scan3A_436 = arith.constant 128 : i32
    %mul3A_437 = arith.constant 3 : i32
    %mul3A_438 = arith.constant 128 : i32
    %mul3A_439 = arith.muli %mul3A_437, %mul3A_438 : i32
    %add3A_440 = arith.addi %mul3A_2, %mul3A_439 : i32
    %dma_start3A_441 = arith.constant 0 : i32
    %dma_start3A_442 = tpu.memref_slice %arg4[%add3A_440, %dma_start3A_441] : memref<409600x128xf32, #tpu.memory_space<hbm>> -> memref<128x128xf32, #tpu.memory_space<hbm>>
    %dma_start3A_443 = arith.constant 0 : i32
    %dma_start3A_444 = tpu.memref_slice %arg4[%add3A_440, %dma_start3A_443] : memref<409600x128xf32, #tpu.memory_space<hbm>> -> memref<128x128xf32, #tpu.memory_space<hbm>>
    tpu.enqueue_dma source(%arg9 : memref<128x128xf32, #tpu.memory_space<vmem>>) target(%dma_start3A_444 : memref<128x128xf32, #tpu.memory_space<hbm>>) target_semaphore(%arg17 : memref<!tpu.dma_semaphore, #tpu.memory_space<semaphore_mem>>)
    %scan3A_445 = arith.constant 0 : i32
    %scan3A_446 = arith.constant 1 : i32
    %scan3A_447 = arith.constant 24 : i32
    %scan3A_448 = arith.addi %scan3A_446, %scan3A_447 : i32
    %scan3A_449 = arith.constant 1 : i32
    %scan3A_450 = scf.for %scan3A_464 = %scan3A_446 to %scan3A_448 step %scan3A_449 iter_args(%scan3A_465 = %scan3A_445) -> (i32)  : i32 {
      %mul3A_466 = arith.constant 4 : i32
      %mul3A_467 = arith.muli %scan3A_464, %mul3A_466 : i32
      %add3A_468 = arith.constant 0 : i32
      %add3A_469 = arith.addi %mul3A_467, %add3A_468 : i32
      %add3A_470 = arith.constant 2 : i32
      %add3A_471 = arith.addi %add3A_469, %add3A_470 : i32
      %dma_wait3A_472 = arith.constant 0 : i32
      %dma_wait3A_473 = arith.constant 0 : i32
      %dma_wait3A_474 = tpu.memref_slice %arg4[%dma_wait3A_472, %dma_wait3A_473] : memref<409600x128xf32, #tpu.memory_space<hbm>> -> memref<128x128xf32, #tpu.memory_space<hbm>>
      %dma_wait3A_475 = arith.constant 0 : i32
      %dma_wait3A_476 = arith.constant 0 : i32
      %dma_wait3A_477 = tpu.memref_slice %arg4[%dma_wait3A_475, %dma_wait3A_476] : memref<409600x128xf32, #tpu.memory_space<hbm>> -> memref<128x128xf32, #tpu.memory_space<hbm>>
      tpu.wait_dma2 semaphore(%arg16 : memref<!tpu.dma_semaphore, #tpu.memory_space<semaphore_mem>>) src(%arg8 : memref<128x128xf32, #tpu.memory_space<vmem>>) dst(%dma_wait3A_477 : memref<128x128xf32, #tpu.memory_space<hbm>>)
      %lt3A_478 = arith.constant 100 : i32
      %lt3A_479 = arith.cmpi slt, %add3A_471, %lt3A_478 : i32
      %convert_element_type3A = arith.extui %lt3A_479 : i1 to i32
      %cond3A = arith.constant 0 : i32
      %cond3A_480 = arith.cmpi ne, %convert_element_type3A, %cond3A : i32
      scf.if %cond3A_480 {
        %mul3A_913 = arith.constant 128 : i32
        %mul3A_914 = arith.muli %add3A_471, %mul3A_913 : i32
        %add3A_915 = arith.addi %mul3A_2, %mul3A_914 : i32
        %dma_start3A_916 = arith.constant 0 : i32
        %dma_start3A_917 = tpu.memref_slice %arg2[%add3A_915, %dma_start3A_916] : memref<409600x128xf32, #tpu.memory_space<hbm>> -> memref<128x128xf32, #tpu.memory_space<hbm>>
        %dma_start3A_918 = arith.constant 0 : i32
        %dma_start3A_919 = tpu.memref_slice %arg2[%add3A_915, %dma_start3A_918] : memref<409600x128xf32, #tpu.memory_space<hbm>> -> memref<128x128xf32, #tpu.memory_space<hbm>>
        tpu.enqueue_dma source(%dma_start3A_919 : memref<128x128xf32, #tpu.memory_space<hbm>>) target(%arg8 : memref<128x128xf32, #tpu.memory_space<vmem>>) target_semaphore(%arg12 : memref<!tpu.dma_semaphore, #tpu.memory_space<semaphore_mem>>)
      } else {
      }
      %dma_wait3A_481 = arith.constant 0 : i32
      %dma_wait3A_482 = arith.constant 0 : i32
      %dma_wait3A_483 = tpu.memref_slice %arg2[%dma_wait3A_481, %dma_wait3A_482] : memref<409600x128xf32, #tpu.memory_space<hbm>> -> memref<128x128xf32, #tpu.memory_space<hbm>>
      %dma_wait3A_484 = arith.constant 0 : i32
      %dma_wait3A_485 = arith.constant 0 : i32
      %dma_wait3A_486 = tpu.memref_slice %arg2[%dma_wait3A_484, %dma_wait3A_485] : memref<409600x128xf32, #tpu.memory_space<hbm>> -> memref<128x128xf32, #tpu.memory_space<hbm>>
      tpu.wait_dma2 semaphore(%arg10 : memref<!tpu.dma_semaphore, #tpu.memory_space<semaphore_mem>>) src(%dma_wait3A_486 : memref<128x128xf32, #tpu.memory_space<hbm>>) dst(%arg6 : memref<128x128xf32, #tpu.memory_space<vmem>>)
      %mul3A_487 = arith.constant 128 : i32
      %mul3A_488 = arith.muli %add3A_469, %mul3A_487 : i32
      %add3A_489 = arith.addi %mul3A_2, %mul3A_488 : i32
      %jit3A_490 = arith.constant 1024 : i32
      %div3A_491 = arith.divsi %add3A_489, %jit3A_490 : i32
      %sign3A_492 = arith.constant 0 : i32
      %sign3A_493 = arith.cmpi sgt, %add3A_489, %sign3A_492 : i32
      %sign3A_494 = arith.extui %sign3A_493 : i1 to i32
      %sign3A_495 = arith.constant 0 : i32
      %sign3A_496 = arith.cmpi slt, %add3A_489, %sign3A_495 : i32
      %sign3A_497 = arith.extui %sign3A_496 : i1 to i32
      %sign3A_498 = arith.subi %sign3A_494, %sign3A_497 : i32
      %sign3A_499 = arith.constant 0 : i32
      %sign3A_500 = arith.cmpi sgt, %jit3A_490, %sign3A_499 : i32
      %sign3A_501 = arith.extui %sign3A_500 : i1 to i32
      %sign3A_502 = arith.constant 0 : i32
      %sign3A_503 = arith.cmpi slt, %jit3A_490, %sign3A_502 : i32
      %sign3A_504 = arith.extui %sign3A_503 : i1 to i32
      %sign3A_505 = arith.subi %sign3A_501, %sign3A_504 : i32
      %ne3A_506 = arith.cmpi ne, %sign3A_498, %sign3A_505 : i32
      %rem3A_507 = arith.remsi %add3A_489, %jit3A_490 : i32
      %ne3A_508 = arith.constant 0 : i32
      %ne3A_509 = arith.cmpi ne, %rem3A_507, %ne3A_508 : i32
      %and3A_510 = arith.andi %ne3A_506, %ne3A_509 : i1
      %sub3A_511 = arith.constant 1 : i32
      %sub3A_512 = arith.subi %div3A_491, %sub3A_511 : i32
      %select_n3A_513 = arith.select %and3A_510, %sub3A_512, %div3A_491 : i32
      %jit3A_514 = arith.constant 50 : i32
      %eq3A_515 = arith.constant 0 : i32
      %eq3A_516 = arith.cmpi eq, %jit3A_514, %eq3A_515 : i32
      %jit3A_517 = arith.constant 1 : i32
      %select_n3A_518 = arith.select %eq3A_516, %jit3A_517, %jit3A_514 : i32
      %rem3A_519 = arith.remsi %select_n3A_513, %select_n3A_518 : i32
      %ne3A_520 = arith.constant 0 : i32
      %ne3A_521 = arith.cmpi ne, %rem3A_519, %ne3A_520 : i32
      %lt3A_522 = arith.constant 0 : i32
      %lt3A_523 = arith.cmpi slt, %rem3A_519, %lt3A_522 : i32
      %lt3A_524 = arith.constant 0 : i32
      %lt3A_525 = arith.cmpi slt, %select_n3A_518, %lt3A_524 : i32
      %ne3A_526 = arith.xori %lt3A_523, %lt3A_525 : i1
      %and3A_527 = arith.andi %ne3A_526, %ne3A_521 : i1
      %add3A_528 = arith.addi %rem3A_519, %select_n3A_518 : i32
      %select_n3A_529 = arith.select %and3A_527, %add3A_528, %rem3A_519 : i32
      %get3A_530 = arith.index_cast %select_n3A_529 : i32 to index
      %get3A_531 = arith.constant 0 : index
      %get3A_532 = tpu.vector_load %arg5[%get3A_530, %get3A_531] {strides = array<i32>} : memref<50x128xf32, #tpu.memory_space<vmem>>, vector<1x16xf32>,
      %get3A_533 = vector.shape_cast %get3A_532 : vector<1x16xf32> to vector<16xf32>
      %get3A_534 = arith.index_cast %select_n3A_529 : i32 to index
      %get3A_535 = arith.constant 16 : index
      %get3A_536 = tpu.vector_load %arg5[%get3A_534, %get3A_535] {strides = array<i32>} : memref<50x128xf32, #tpu.memory_space<vmem>>, vector<1x16xf32>,
      %get3A_537 = vector.shape_cast %get3A_536 : vector<1x16xf32> to vector<16xf32>
      %get3A_538 = arith.index_cast %select_n3A_529 : i32 to index
      %get3A_539 = arith.constant 32 : index
      %get3A_540 = tpu.vector_load %arg5[%get3A_538, %get3A_539] {strides = array<i32>} : memref<50x128xf32, #tpu.memory_space<vmem>>, vector<1x16xf32>,
      %get3A_541 = vector.shape_cast %get3A_540 : vector<1x16xf32> to vector<16xf32>
      %get3A_542 = arith.index_cast %select_n3A_529 : i32 to index
      %get3A_543 = arith.constant 48 : index
      %get3A_544 = tpu.vector_load %arg5[%get3A_542, %get3A_543] {strides = array<i32>} : memref<50x128xf32, #tpu.memory_space<vmem>>, vector<1x16xf32>,
      %get3A_545 = vector.shape_cast %get3A_544 : vector<1x16xf32> to vector<16xf32>
      %get3A_546 = arith.index_cast %select_n3A_529 : i32 to index
      %get3A_547 = arith.constant 64 : index
      %get3A_548 = tpu.vector_load %arg5[%get3A_546, %get3A_547] {strides = array<i32>} : memref<50x128xf32, #tpu.memory_space<vmem>>, vector<1x16xf32>,
      %get3A_549 = vector.shape_cast %get3A_548 : vector<1x16xf32> to vector<16xf32>
      %get3A_550 = arith.index_cast %select_n3A_529 : i32 to index
      %get3A_551 = arith.constant 80 : index
      %get3A_552 = tpu.vector_load %arg5[%get3A_550, %get3A_551] {strides = array<i32>} : memref<50x128xf32, #tpu.memory_space<vmem>>, vector<1x16xf32>,
      %get3A_553 = vector.shape_cast %get3A_552 : vector<1x16xf32> to vector<16xf32>
      %get3A_554 = arith.index_cast %select_n3A_529 : i32 to index
      %get3A_555 = arith.constant 96 : index
      %get3A_556 = tpu.vector_load %arg5[%get3A_554, %get3A_555] {strides = array<i32>} : memref<50x128xf32, #tpu.memory_space<vmem>>, vector<1x16xf32>,
      %get3A_557 = vector.shape_cast %get3A_556 : vector<1x16xf32> to vector<16xf32>
      %get3A_558 = arith.index_cast %select_n3A_529 : i32 to index
      %get3A_559 = arith.constant 112 : index
      %get3A_560 = tpu.vector_load %arg5[%get3A_558, %get3A_559] {strides = array<i32>} : memref<50x128xf32, #tpu.memory_space<vmem>>, vector<1x16xf32>,
      %get3A_561 = vector.shape_cast %get3A_560 : vector<1x16xf32> to vector<16xf32>
      %scan3A_562 = arith.constant 0 : i32
      %scan3A_563 = arith.constant 0 : i32
      %scan3A_564 = arith.constant 128 : i32
      %scan3A_565 = arith.addi %scan3A_563, %scan3A_564 : i32
      %scan3A_566 = arith.constant 4 : i32
      %scan3A_567 = scf.for %scan3A_913 = %scan3A_563 to %scan3A_565 step %scan3A_566 iter_args(%scan3A_914 = %scan3A_562) -> (i32)  : i32 {
        %swap3A = arith.index_cast %scan3A_913 : i32 to index
        %swap3A_915 = arith.constant 0 : index
        %swap3A_916 = tpu.vector_load %arg6[%swap3A, %swap3A_915] {strides = array<i32>} : memref<128x128xf32, #tpu.memory_space<vmem>>, vector<1x16xf32>,
        %swap3A_917 = vector.shape_cast %swap3A_916 : vector<1x16xf32> to vector<16xf32>
        %swap3A_918 = vector.shape_cast %get3A_533 : vector<16xf32> to vector<1x16xf32>
        tpu.vector_store %arg6[%swap3A, %swap3A_915], %swap3A_918 {add = true, strides = array<i32>} : memref<128x128xf32, #tpu.memory_space<vmem>>, vector<1x16xf32>,
        %swap3A_919 = arith.index_cast %scan3A_913 : i32 to index
        %swap3A_920 = arith.constant 16 : index
        %swap3A_921 = tpu.vector_load %arg6[%swap3A_919, %swap3A_920] {strides = array<i32>} : memref<128x128xf32, #tpu.memory_space<vmem>>, vector<1x16xf32>,
        %swap3A_922 = vector.shape_cast %swap3A_921 : vector<1x16xf32> to vector<16xf32>
        %swap3A_923 = vector.shape_cast %get3A_537 : vector<16xf32> to vector<1x16xf32>
        tpu.vector_store %arg6[%swap3A_919, %swap3A_920], %swap3A_923 {add = true, strides = array<i32>} : memref<128x128xf32, #tpu.memory_space<vmem>>, vector<1x16xf32>,
        %swap3A_924 = arith.index_cast %scan3A_913 : i32 to index
        %swap3A_925 = arith.constant 32 : index
        %swap3A_926 = tpu.vector_load %arg6[%swap3A_924, %swap3A_925] {strides = array<i32>} : memref<128x128xf32, #tpu.memory_space<vmem>>, vector<1x16xf32>,
        %swap3A_927 = vector.shape_cast %swap3A_926 : vector<1x16xf32> to vector<16xf32>
        %swap3A_928 = vector.shape_cast %get3A_541 : vector<16xf32> to vector<1x16xf32>
        tpu.vector_store %arg6[%swap3A_924, %swap3A_925], %swap3A_928 {add = true, strides = array<i32>} : memref<128x128xf32, #tpu.memory_space<vmem>>, vector<1x16xf32>,
        %swap3A_929 = arith.index_cast %scan3A_913 : i32 to index
        %swap3A_930 = arith.constant 48 : index
        %swap3A_931 = tpu.vector_load %arg6[%swap3A_929, %swap3A_930] {strides = array<i32>} : memref<128x128xf32, #tpu.memory_space<vmem>>, vector<1x16xf32>,
        %swap3A_932 = vector.shape_cast %swap3A_931 : vector<1x16xf32> to vector<16xf32>
        %swap3A_933 = vector.shape_cast %get3A_545 : vector<16xf32> to vector<1x16xf32>
        tpu.vector_store %arg6[%swap3A_929, %swap3A_930], %swap3A_933 {add = true, strides = array<i32>} : memref<128x128xf32, #tpu.memory_space<vmem>>, vector<1x16xf32>,
        %swap3A_934 = arith.index_cast %scan3A_913 : i32 to index
        %swap3A_935 = arith.constant 64 : index
        %swap3A_936 = tpu.vector_load %arg6[%swap3A_934, %swap3A_935] {strides = array<i32>} : memref<128x128xf32, #tpu.memory_space<vmem>>, vector<1x16xf32>,
        %swap3A_937 = vector.shape_cast %swap3A_936 : vector<1x16xf32> to vector<16xf32>
        %swap3A_938 = vector.shape_cast %get3A_549 : vector<16xf32> to vector<1x16xf32>
        tpu.vector_store %arg6[%swap3A_934, %swap3A_935], %swap3A_938 {add = true, strides = array<i32>} : memref<128x128xf32, #tpu.memory_space<vmem>>, vector<1x16xf32>,
        %swap3A_939 = arith.index_cast %scan3A_913 : i32 to index
        %swap3A_940 = arith.constant 80 : index
        %swap3A_941 = tpu.vector_load %arg6[%swap3A_939, %swap3A_940] {strides = array<i32>} : memref<128x128xf32, #tpu.memory_space<vmem>>, vector<1x16xf32>,
        %swap3A_942 = vector.shape_cast %swap3A_941 : vector<1x16xf32> to vector<16xf32>
        %swap3A_943 = vector.shape_cast %get3A_553 : vector<16xf32> to vector<1x16xf32>
        tpu.vector_store %arg6[%swap3A_939, %swap3A_940], %swap3A_943 {add = true, strides = array<i32>} : memref<128x128xf32, #tpu.memory_space<vmem>>, vector<1x16xf32>,
        %swap3A_944 = arith.index_cast %scan3A_913 : i32 to index
        %swap3A_945 = arith.constant 96 : index
        %swap3A_946 = tpu.vector_load %arg6[%swap3A_944, %swap3A_945] {strides = array<i32>} : memref<128x128xf32, #tpu.memory_space<vmem>>, vector<1x16xf32>,
        %swap3A_947 = vector.shape_cast %swap3A_946 : vector<1x16xf32> to vector<16xf32>
        %swap3A_948 = vector.shape_cast %get3A_557 : vector<16xf32> to vector<1x16xf32>
        tpu.vector_store %arg6[%swap3A_944, %swap3A_945], %swap3A_948 {add = true, strides = array<i32>} : memref<128x128xf32, #tpu.memory_space<vmem>>, vector<1x16xf32>,
        %swap3A_949 = arith.index_cast %scan3A_913 : i32 to index
        %swap3A_950 = arith.constant 112 : index
        %swap3A_951 = tpu.vector_load %arg6[%swap3A_949, %swap3A_950] {strides = array<i32>} : memref<128x128xf32, #tpu.memory_space<vmem>>, vector<1x16xf32>,
        %swap3A_952 = vector.shape_cast %swap3A_951 : vector<1x16xf32> to vector<16xf32>
        %swap3A_953 = vector.shape_cast %get3A_561 : vector<16xf32> to vector<1x16xf32>
        tpu.vector_store %arg6[%swap3A_949, %swap3A_950], %swap3A_953 {add = true, strides = array<i32>} : memref<128x128xf32, #tpu.memory_space<vmem>>, vector<1x16xf32>,
        %scan3A_954 = arith.constant 0 : i32
        %scan3A_955 = arith.constant 1 : i32
        %scan3A_956 = arith.addi %scan3A_913, %scan3A_955 : i32
        %swap3A_957 = arith.index_cast %scan3A_956 : i32 to index
        %swap3A_958 = arith.constant 0 : index
        %swap3A_959 = tpu.vector_load %arg6[%swap3A_957, %swap3A_958] {strides = array<i32>} : memref<128x128xf32, #tpu.memory_space<vmem>>, vector<1x16xf32>,
        %swap3A_960 = vector.shape_cast %swap3A_959 : vector<1x16xf32> to vector<16xf32>
        %swap3A_961 = vector.shape_cast %get3A_533 : vector<16xf32> to vector<1x16xf32>
        tpu.vector_store %arg6[%swap3A_957, %swap3A_958], %swap3A_961 {add = true, strides = array<i32>} : memref<128x128xf32, #tpu.memory_space<vmem>>, vector<1x16xf32>,
        %swap3A_962 = arith.index_cast %scan3A_956 : i32 to index
        %swap3A_963 = arith.constant 16 : index
        %swap3A_964 = tpu.vector_load %arg6[%swap3A_962, %swap3A_963] {strides = array<i32>} : memref<128x128xf32, #tpu.memory_space<vmem>>, vector<1x16xf32>,
        %swap3A_965 = vector.shape_cast %swap3A_964 : vector<1x16xf32> to vector<16xf32>
        %swap3A_966 = vector.shape_cast %get3A_537 : vector<16xf32> to vector<1x16xf32>
        tpu.vector_store %arg6[%swap3A_962, %swap3A_963], %swap3A_966 {add = true, strides = array<i32>} : memref<128x128xf32, #tpu.memory_space<vmem>>, vector<1x16xf32>,
        %swap3A_967 = arith.index_cast %scan3A_956 : i32 to index
        %swap3A_968 = arith.constant 32 : index
        %swap3A_969 = tpu.vector_load %arg6[%swap3A_967, %swap3A_968] {strides = array<i32>} : memref<128x128xf32, #tpu.memory_space<vmem>>, vector<1x16xf32>,
        %swap3A_970 = vector.shape_cast %swap3A_969 : vector<1x16xf32> to vector<16xf32>
        %swap3A_971 = vector.shape_cast %get3A_541 : vector<16xf32> to vector<1x16xf32>
        tpu.vector_store %arg6[%swap3A_967, %swap3A_968], %swap3A_971 {add = true, strides = array<i32>} : memref<128x128xf32, #tpu.memory_space<vmem>>, vector<1x16xf32>,
        %swap3A_972 = arith.index_cast %scan3A_956 : i32 to index
        %swap3A_973 = arith.constant 48 : index
        %swap3A_974 = tpu.vector_load %arg6[%swap3A_972, %swap3A_973] {strides = array<i32>} : memref<128x128xf32, #tpu.memory_space<vmem>>, vector<1x16xf32>,
        %swap3A_975 = vector.shape_cast %swap3A_974 : vector<1x16xf32> to vector<16xf32>
        %swap3A_976 = vector.shape_cast %get3A_545 : vector<16xf32> to vector<1x16xf32>
        tpu.vector_store %arg6[%swap3A_972, %swap3A_973], %swap3A_976 {add = true, strides = array<i32>} : memref<128x128xf32, #tpu.memory_space<vmem>>, vector<1x16xf32>,
        %swap3A_977 = arith.index_cast %scan3A_956 : i32 to index
        %swap3A_978 = arith.constant 64 : index
        %swap3A_979 = tpu.vector_load %arg6[%swap3A_977, %swap3A_978] {strides = array<i32>} : memref<128x128xf32, #tpu.memory_space<vmem>>, vector<1x16xf32>,
        %swap3A_980 = vector.shape_cast %swap3A_979 : vector<1x16xf32> to vector<16xf32>
        %swap3A_981 = vector.shape_cast %get3A_549 : vector<16xf32> to vector<1x16xf32>
        tpu.vector_store %arg6[%swap3A_977, %swap3A_978], %swap3A_981 {add = true, strides = array<i32>} : memref<128x128xf32, #tpu.memory_space<vmem>>, vector<1x16xf32>,
        %swap3A_982 = arith.index_cast %scan3A_956 : i32 to index
        %swap3A_983 = arith.constant 80 : index
        %swap3A_984 = tpu.vector_load %arg6[%swap3A_982, %swap3A_983] {strides = array<i32>} : memref<128x128xf32, #tpu.memory_space<vmem>>, vector<1x16xf32>,
        %swap3A_985 = vector.shape_cast %swap3A_984 : vector<1x16xf32> to vector<16xf32>
        %swap3A_986 = vector.shape_cast %get3A_553 : vector<16xf32> to vector<1x16xf32>
        tpu.vector_store %arg6[%swap3A_982, %swap3A_983], %swap3A_986 {add = true, strides = array<i32>} : memref<128x128xf32, #tpu.memory_space<vmem>>, vector<1x16xf32>,
        %swap3A_987 = arith.index_cast %scan3A_956 : i32 to index
        %swap3A_988 = arith.constant 96 : index
        %swap3A_989 = tpu.vector_load %arg6[%swap3A_987, %swap3A_988] {strides = array<i32>} : memref<128x128xf32, #tpu.memory_space<vmem>>, vector<1x16xf32>,
        %swap3A_990 = vector.shape_cast %swap3A_989 : vector<1x16xf32> to vector<16xf32>
        %swap3A_991 = vector.shape_cast %get3A_557 : vector<16xf32> to vector<1x16xf32>
        tpu.vector_store %arg6[%swap3A_987, %swap3A_988], %swap3A_991 {add = true, strides = array<i32>} : memref<128x128xf32, #tpu.memory_space<vmem>>, vector<1x16xf32>,
        %swap3A_992 = arith.index_cast %scan3A_956 : i32 to index
        %swap3A_993 = arith.constant 112 : index
        %swap3A_994 = tpu.vector_load %arg6[%swap3A_992, %swap3A_993] {strides = array<i32>} : memref<128x128xf32, #tpu.memory_space<vmem>>, vector<1x16xf32>,
        %swap3A_995 = vector.shape_cast %swap3A_994 : vector<1x16xf32> to vector<16xf32>
        %swap3A_996 = vector.shape_cast %get3A_561 : vector<16xf32> to vector<1x16xf32>
        tpu.vector_store %arg6[%swap3A_992, %swap3A_993], %swap3A_996 {add = true, strides = array<i32>} : memref<128x128xf32, #tpu.memory_space<vmem>>, vector<1x16xf32>,
        %scan3A_997 = arith.constant 0 : i32
        %scan3A_998 = arith.constant 2 : i32
        %scan3A_999 = arith.addi %scan3A_913, %scan3A_998 : i32
        %swap3A_1000 = arith.index_cast %scan3A_999 : i32 to index
        %swap3A_1001 = arith.constant 0 : index
        %swap3A_1002 = tpu.vector_load %arg6[%swap3A_1000, %swap3A_1001] {strides = array<i32>} : memref<128x128xf32, #tpu.memory_space<vmem>>, vector<1x16xf32>,
        %swap3A_1003 = vector.shape_cast %swap3A_1002 : vector<1x16xf32> to vector<16xf32>
        %swap3A_1004 = vector.shape_cast %get3A_533 : vector<16xf32> to vector<1x16xf32>
        tpu.vector_store %arg6[%swap3A_1000, %swap3A_1001], %swap3A_1004 {add = true, strides = array<i32>} : memref<128x128xf32, #tpu.memory_space<vmem>>, vector<1x16xf32>,
        %swap3A_1005 = arith.index_cast %scan3A_999 : i32 to index
        %swap3A_1006 = arith.constant 16 : index
        %swap3A_1007 = tpu.vector_load %arg6[%swap3A_1005, %swap3A_1006] {strides = array<i32>} : memref<128x128xf32, #tpu.memory_space<vmem>>, vector<1x16xf32>,
        %swap3A_1008 = vector.shape_cast %swap3A_1007 : vector<1x16xf32> to vector<16xf32>
        %swap3A_1009 = vector.shape_cast %get3A_537 : vector<16xf32> to vector<1x16xf32>
        tpu.vector_store %arg6[%swap3A_1005, %swap3A_1006], %swap3A_1009 {add = true, strides = array<i32>} : memref<128x128xf32, #tpu.memory_space<vmem>>, vector<1x16xf32>,
        %swap3A_1010 = arith.index_cast %scan3A_999 : i32 to index
        %swap3A_1011 = arith.constant 32 : index
        %swap3A_1012 = tpu.vector_load %arg6[%swap3A_1010, %swap3A_1011] {strides = array<i32>} : memref<128x128xf32, #tpu.memory_space<vmem>>, vector<1x16xf32>,
        %swap3A_1013 = vector.shape_cast %swap3A_1012 : vector<1x16xf32> to vector<16xf32>
        %swap3A_1014 = vector.shape_cast %get3A_541 : vector<16xf32> to vector<1x16xf32>
        tpu.vector_store %arg6[%swap3A_1010, %swap3A_1011], %swap3A_1014 {add = true, strides = array<i32>} : memref<128x128xf32, #tpu.memory_space<vmem>>, vector<1x16xf32>,
        %swap3A_1015 = arith.index_cast %scan3A_999 : i32 to index
        %swap3A_1016 = arith.constant 48 : index
        %swap3A_1017 = tpu.vector_load %arg6[%swap3A_1015, %swap3A_1016] {strides = array<i32>} : memref<128x128xf32, #tpu.memory_space<vmem>>, vector<1x16xf32>,
        %swap3A_1018 = vector.shape_cast %swap3A_1017 : vector<1x16xf32> to vector<16xf32>
        %swap3A_1019 = vector.shape_cast %get3A_545 : vector<16xf32> to vector<1x16xf32>
        tpu.vector_store %arg6[%swap3A_1015, %swap3A_1016], %swap3A_1019 {add = true, strides = array<i32>} : memref<128x128xf32, #tpu.memory_space<vmem>>, vector<1x16xf32>,
        %swap3A_1020 = arith.index_cast %scan3A_999 : i32 to index
        %swap3A_1021 = arith.constant 64 : index
        %swap3A_1022 = tpu.vector_load %arg6[%swap3A_1020, %swap3A_1021] {strides = array<i32>} : memref<128x128xf32, #tpu.memory_space<vmem>>, vector<1x16xf32>,
        %swap3A_1023 = vector.shape_cast %swap3A_1022 : vector<1x16xf32> to vector<16xf32>
        %swap3A_1024 = vector.shape_cast %get3A_549 : vector<16xf32> to vector<1x16xf32>
        tpu.vector_store %arg6[%swap3A_1020, %swap3A_1021], %swap3A_1024 {add = true, strides = array<i32>} : memref<128x128xf32, #tpu.memory_space<vmem>>, vector<1x16xf32>,
        %swap3A_1025 = arith.index_cast %scan3A_999 : i32 to index
        %swap3A_1026 = arith.constant 80 : index
        %swap3A_1027 = tpu.vector_load %arg6[%swap3A_1025, %swap3A_1026] {strides = array<i32>} : memref<128x128xf32, #tpu.memory_space<vmem>>, vector<1x16xf32>,
        %swap3A_1028 = vector.shape_cast %swap3A_1027 : vector<1x16xf32> to vector<16xf32>
        %swap3A_1029 = vector.shape_cast %get3A_553 : vector<16xf32> to vector<1x16xf32>
        tpu.vector_store %arg6[%swap3A_1025, %swap3A_1026], %swap3A_1029 {add = true, strides = array<i32>} : memref<128x128xf32, #tpu.memory_space<vmem>>, vector<1x16xf32>,
        %swap3A_1030 = arith.index_cast %scan3A_999 : i32 to index
        %swap3A_1031 = arith.constant 96 : index
        %swap3A_1032 = tpu.vector_load %arg6[%swap3A_1030, %swap3A_1031] {strides = array<i32>} : memref<128x128xf32, #tpu.memory_space<vmem>>, vector<1x16xf32>,
        %swap3A_1033 = vector.shape_cast %swap3A_1032 : vector<1x16xf32> to vector<16xf32>
        %swap3A_1034 = vector.shape_cast %get3A_557 : vector<16xf32> to vector<1x16xf32>
        tpu.vector_store %arg6[%swap3A_1030, %swap3A_1031], %swap3A_1034 {add = true, strides = array<i32>} : memref<128x128xf32, #tpu.memory_space<vmem>>, vector<1x16xf32>,
        %swap3A_1035 = arith.index_cast %scan3A_999 : i32 to index
        %swap3A_1036 = arith.constant 112 : index
        %swap3A_1037 = tpu.vector_load %arg6[%swap3A_1035, %swap3A_1036] {strides = array<i32>} : memref<128x128xf32, #tpu.memory_space<vmem>>, vector<1x16xf32>,
        %swap3A_1038 = vector.shape_cast %swap3A_1037 : vector<1x16xf32> to vector<16xf32>
        %swap3A_1039 = vector.shape_cast %get3A_561 : vector<16xf32> to vector<1x16xf32>
        tpu.vector_store %arg6[%swap3A_1035, %swap3A_1036], %swap3A_1039 {add = true, strides = array<i32>} : memref<128x128xf32, #tpu.memory_space<vmem>>, vector<1x16xf32>,
        %scan3A_1040 = arith.constant 0 : i32
        %scan3A_1041 = arith.constant 3 : i32
        %scan3A_1042 = arith.addi %scan3A_913, %scan3A_1041 : i32
        %swap3A_1043 = arith.index_cast %scan3A_1042 : i32 to index
        %swap3A_1044 = arith.constant 0 : index
        %swap3A_1045 = tpu.vector_load %arg6[%swap3A_1043, %swap3A_1044] {strides = array<i32>} : memref<128x128xf32, #tpu.memory_space<vmem>>, vector<1x16xf32>,
        %swap3A_1046 = vector.shape_cast %swap3A_1045 : vector<1x16xf32> to vector<16xf32>
        %swap3A_1047 = vector.shape_cast %get3A_533 : vector<16xf32> to vector<1x16xf32>
        tpu.vector_store %arg6[%swap3A_1043, %swap3A_1044], %swap3A_1047 {add = true, strides = array<i32>} : memref<128x128xf32, #tpu.memory_space<vmem>>, vector<1x16xf32>,
        %swap3A_1048 = arith.index_cast %scan3A_1042 : i32 to index
        %swap3A_1049 = arith.constant 16 : index
        %swap3A_1050 = tpu.vector_load %arg6[%swap3A_1048, %swap3A_1049] {strides = array<i32>} : memref<128x128xf32, #tpu.memory_space<vmem>>, vector<1x16xf32>,
        %swap3A_1051 = vector.shape_cast %swap3A_1050 : vector<1x16xf32> to vector<16xf32>
        %swap3A_1052 = vector.shape_cast %get3A_537 : vector<16xf32> to vector<1x16xf32>
        tpu.vector_store %arg6[%swap3A_1048, %swap3A_1049], %swap3A_1052 {add = true, strides = array<i32>} : memref<128x128xf32, #tpu.memory_space<vmem>>, vector<1x16xf32>,
        %swap3A_1053 = arith.index_cast %scan3A_1042 : i32 to index
        %swap3A_1054 = arith.constant 32 : index
        %swap3A_1055 = tpu.vector_load %arg6[%swap3A_1053, %swap3A_1054] {strides = array<i32>} : memref<128x128xf32, #tpu.memory_space<vmem>>, vector<1x16xf32>,
        %swap3A_1056 = vector.shape_cast %swap3A_1055 : vector<1x16xf32> to vector<16xf32>
        %swap3A_1057 = vector.shape_cast %get3A_541 : vector<16xf32> to vector<1x16xf32>
        tpu.vector_store %arg6[%swap3A_1053, %swap3A_1054], %swap3A_1057 {add = true, strides = array<i32>} : memref<128x128xf32, #tpu.memory_space<vmem>>, vector<1x16xf32>,
        %swap3A_1058 = arith.index_cast %scan3A_1042 : i32 to index
        %swap3A_1059 = arith.constant 48 : index
        %swap3A_1060 = tpu.vector_load %arg6[%swap3A_1058, %swap3A_1059] {strides = array<i32>} : memref<128x128xf32, #tpu.memory_space<vmem>>, vector<1x16xf32>,
        %swap3A_1061 = vector.shape_cast %swap3A_1060 : vector<1x16xf32> to vector<16xf32>
        %swap3A_1062 = vector.shape_cast %get3A_545 : vector<16xf32> to vector<1x16xf32>
        tpu.vector_store %arg6[%swap3A_1058, %swap3A_1059], %swap3A_1062 {add = true, strides = array<i32>} : memref<128x128xf32, #tpu.memory_space<vmem>>, vector<1x16xf32>,
        %swap3A_1063 = arith.index_cast %scan3A_1042 : i32 to index
        %swap3A_1064 = arith.constant 64 : index
        %swap3A_1065 = tpu.vector_load %arg6[%swap3A_1063, %swap3A_1064] {strides = array<i32>} : memref<128x128xf32, #tpu.memory_space<vmem>>, vector<1x16xf32>,
        %swap3A_1066 = vector.shape_cast %swap3A_1065 : vector<1x16xf32> to vector<16xf32>
        %swap3A_1067 = vector.shape_cast %get3A_549 : vector<16xf32> to vector<1x16xf32>
        tpu.vector_store %arg6[%swap3A_1063, %swap3A_1064], %swap3A_1067 {add = true, strides = array<i32>} : memref<128x128xf32, #tpu.memory_space<vmem>>, vector<1x16xf32>,
        %swap3A_1068 = arith.index_cast %scan3A_1042 : i32 to index
        %swap3A_1069 = arith.constant 80 : index
        %swap3A_1070 = tpu.vector_load %arg6[%swap3A_1068, %swap3A_1069] {strides = array<i32>} : memref<128x128xf32, #tpu.memory_space<vmem>>, vector<1x16xf32>,
        %swap3A_1071 = vector.shape_cast %swap3A_1070 : vector<1x16xf32> to vector<16xf32>
        %swap3A_1072 = vector.shape_cast %get3A_553 : vector<16xf32> to vector<1x16xf32>
        tpu.vector_store %arg6[%swap3A_1068, %swap3A_1069], %swap3A_1072 {add = true, strides = array<i32>} : memref<128x128xf32, #tpu.memory_space<vmem>>, vector<1x16xf32>,
        %swap3A_1073 = arith.index_cast %scan3A_1042 : i32 to index
        %swap3A_1074 = arith.constant 96 : index
        %swap3A_1075 = tpu.vector_load %arg6[%swap3A_1073, %swap3A_1074] {strides = array<i32>} : memref<128x128xf32, #tpu.memory_space<vmem>>, vector<1x16xf32>,
        %swap3A_1076 = vector.shape_cast %swap3A_1075 : vector<1x16xf32> to vector<16xf32>
        %swap3A_1077 = vector.shape_cast %get3A_557 : vector<16xf32> to vector<1x16xf32>
        tpu.vector_store %arg6[%swap3A_1073, %swap3A_1074], %swap3A_1077 {add = true, strides = array<i32>} : memref<128x128xf32, #tpu.memory_space<vmem>>, vector<1x16xf32>,
        %swap3A_1078 = arith.index_cast %scan3A_1042 : i32 to index
        %swap3A_1079 = arith.constant 112 : index
        %swap3A_1080 = tpu.vector_load %arg6[%swap3A_1078, %swap3A_1079] {strides = array<i32>} : memref<128x128xf32, #tpu.memory_space<vmem>>, vector<1x16xf32>,
        %swap3A_1081 = vector.shape_cast %swap3A_1080 : vector<1x16xf32> to vector<16xf32>
        %swap3A_1082 = vector.shape_cast %get3A_561 : vector<16xf32> to vector<1x16xf32>
        tpu.vector_store %arg6[%swap3A_1078, %swap3A_1079], %swap3A_1082 {add = true, strides = array<i32>} : memref<128x128xf32, #tpu.memory_space<vmem>>, vector<1x16xf32>,
        %scan3A_1083 = arith.constant 0 : i32
        scf.yield %scan3A_1083 : i32
      }
      %scan3A_568 = arith.constant 128 : i32
      %mul3A_569 = arith.constant 128 : i32
      %mul3A_570 = arith.muli %add3A_469, %mul3A_569 : i32
      %add3A_571 = arith.addi %mul3A_2, %mul3A_570 : i32
      %dma_start3A_572 = arith.constant 0 : i32
      %dma_start3A_573 = tpu.memref_slice %arg4[%add3A_571, %dma_start3A_572] : memref<409600x128xf32, #tpu.memory_space<hbm>> -> memref<128x128xf32, #tpu.memory_space<hbm>>
      %dma_start3A_574 = arith.constant 0 : i32
      %dma_start3A_575 = tpu.memref_slice %arg4[%add3A_571, %dma_start3A_574] : memref<409600x128xf32, #tpu.memory_space<hbm>> -> memref<128x128xf32, #tpu.memory_space<hbm>>
      tpu.enqueue_dma source(%arg6 : memref<128x128xf32, #tpu.memory_space<vmem>>) target(%dma_start3A_575 : memref<128x128xf32, #tpu.memory_space<hbm>>) target_semaphore(%arg14 : memref<!tpu.dma_semaphore, #tpu.memory_space<semaphore_mem>>)
      %mul3A_576 = arith.constant 4 : i32
      %mul3A_577 = arith.muli %scan3A_464, %mul3A_576 : i32
      %add3A_578 = arith.constant 1 : i32
      %add3A_579 = arith.addi %mul3A_577, %add3A_578 : i32
      %add3A_580 = arith.constant 2 : i32
      %add3A_581 = arith.addi %add3A_579, %add3A_580 : i32
      %dma_wait3A_582 = arith.constant 0 : i32
      %dma_wait3A_583 = arith.constant 0 : i32
      %dma_wait3A_584 = tpu.memref_slice %arg4[%dma_wait3A_582, %dma_wait3A_583] : memref<409600x128xf32, #tpu.memory_space<hbm>> -> memref<128x128xf32, #tpu.memory_space<hbm>>
      %dma_wait3A_585 = arith.constant 0 : i32
      %dma_wait3A_586 = arith.constant 0 : i32
      %dma_wait3A_587 = tpu.memref_slice %arg4[%dma_wait3A_585, %dma_wait3A_586] : memref<409600x128xf32, #tpu.memory_space<hbm>> -> memref<128x128xf32, #tpu.memory_space<hbm>>
      tpu.wait_dma2 semaphore(%arg17 : memref<!tpu.dma_semaphore, #tpu.memory_space<semaphore_mem>>) src(%arg9 : memref<128x128xf32, #tpu.memory_space<vmem>>) dst(%dma_wait3A_587 : memref<128x128xf32, #tpu.memory_space<hbm>>)
      %lt3A_588 = arith.constant 100 : i32
      %lt3A_589 = arith.cmpi slt, %add3A_581, %lt3A_588 : i32
      %convert_element_type3A_590 = arith.extui %lt3A_589 : i1 to i32
      %cond3A_591 = arith.constant 0 : i32
      %cond3A_592 = arith.cmpi ne, %convert_element_type3A_590, %cond3A_591 : i32
      scf.if %cond3A_592 {
        %mul3A_913 = arith.constant 128 : i32
        %mul3A_914 = arith.muli %add3A_581, %mul3A_913 : i32
        %add3A_915 = arith.addi %mul3A_2, %mul3A_914 : i32
        %dma_start3A_916 = arith.constant 0 : i32
        %dma_start3A_917 = tpu.memref_slice %arg2[%add3A_915, %dma_start3A_916] : memref<409600x128xf32, #tpu.memory_space<hbm>> -> memref<128x128xf32, #tpu.memory_space<hbm>>
        %dma_start3A_918 = arith.constant 0 : i32
        %dma_start3A_919 = tpu.memref_slice %arg2[%add3A_915, %dma_start3A_918] : memref<409600x128xf32, #tpu.memory_space<hbm>> -> memref<128x128xf32, #tpu.memory_space<hbm>>
        tpu.enqueue_dma source(%dma_start3A_919 : memref<128x128xf32, #tpu.memory_space<hbm>>) target(%arg9 : memref<128x128xf32, #tpu.memory_space<vmem>>) target_semaphore(%arg13 : memref<!tpu.dma_semaphore, #tpu.memory_space<semaphore_mem>>)
      } else {
      }
      %dma_wait3A_593 = arith.constant 0 : i32
      %dma_wait3A_594 = arith.constant 0 : i32
      %dma_wait3A_595 = tpu.memref_slice %arg2[%dma_wait3A_593, %dma_wait3A_594] : memref<409600x128xf32, #tpu.memory_space<hbm>> -> memref<128x128xf32, #tpu.memory_space<hbm>>
      %dma_wait3A_596 = arith.constant 0 : i32
      %dma_wait3A_597 = arith.constant 0 : i32
      %dma_wait3A_598 = tpu.memref_slice %arg2[%dma_wait3A_596, %dma_wait3A_597] : memref<409600x128xf32, #tpu.memory_space<hbm>> -> memref<128x128xf32, #tpu.memory_space<hbm>>
      tpu.wait_dma2 semaphore(%arg11 : memref<!tpu.dma_semaphore, #tpu.memory_space<semaphore_mem>>) src(%dma_wait3A_598 : memref<128x128xf32, #tpu.memory_space<hbm>>) dst(%arg7 : memref<128x128xf32, #tpu.memory_space<vmem>>)
      %mul3A_599 = arith.constant 128 : i32
      %mul3A_600 = arith.muli %add3A_579, %mul3A_599 : i32
      %add3A_601 = arith.addi %mul3A_2, %mul3A_600 : i32
      %jit3A_602 = arith.constant 1024 : i32
      %div3A_603 = arith.divsi %add3A_601, %jit3A_602 : i32
      %sign3A_604 = arith.constant 0 : i32
      %sign3A_605 = arith.cmpi sgt, %add3A_601, %sign3A_604 : i32
      %sign3A_606 = arith.extui %sign3A_605 : i1 to i32
      %sign3A_607 = arith.constant 0 : i32
      %sign3A_608 = arith.cmpi slt, %add3A_601, %sign3A_607 : i32
      %sign3A_609 = arith.extui %sign3A_608 : i1 to i32
      %sign3A_610 = arith.subi %sign3A_606, %sign3A_609 : i32
      %sign3A_611 = arith.constant 0 : i32
      %sign3A_612 = arith.cmpi sgt, %jit3A_602, %sign3A_611 : i32
      %sign3A_613 = arith.extui %sign3A_612 : i1 to i32
      %sign3A_614 = arith.constant 0 : i32
      %sign3A_615 = arith.cmpi slt, %jit3A_602, %sign3A_614 : i32
      %sign3A_616 = arith.extui %sign3A_615 : i1 to i32
      %sign3A_617 = arith.subi %sign3A_613, %sign3A_616 : i32
      %ne3A_618 = arith.cmpi ne, %sign3A_610, %sign3A_617 : i32
      %rem3A_619 = arith.remsi %add3A_601, %jit3A_602 : i32
      %ne3A_620 = arith.constant 0 : i32
      %ne3A_621 = arith.cmpi ne, %rem3A_619, %ne3A_620 : i32
      %and3A_622 = arith.andi %ne3A_618, %ne3A_621 : i1
      %sub3A_623 = arith.constant 1 : i32
      %sub3A_624 = arith.subi %div3A_603, %sub3A_623 : i32
      %select_n3A_625 = arith.select %and3A_622, %sub3A_624, %div3A_603 : i32
      %jit3A_626 = arith.constant 50 : i32
      %eq3A_627 = arith.constant 0 : i32
      %eq3A_628 = arith.cmpi eq, %jit3A_626, %eq3A_627 : i32
      %jit3A_629 = arith.constant 1 : i32
      %select_n3A_630 = arith.select %eq3A_628, %jit3A_629, %jit3A_626 : i32
      %rem3A_631 = arith.remsi %select_n3A_625, %select_n3A_630 : i32
      %ne3A_632 = arith.constant 0 : i32
      %ne3A_633 = arith.cmpi ne, %rem3A_631, %ne3A_632 : i32
      %lt3A_634 = arith.constant 0 : i32
      %lt3A_635 = arith.cmpi slt, %rem3A_631, %lt3A_634 : i32
      %lt3A_636 = arith.constant 0 : i32
      %lt3A_637 = arith.cmpi slt, %select_n3A_630, %lt3A_636 : i32
      %ne3A_638 = arith.xori %lt3A_635, %lt3A_637 : i1
      %and3A_639 = arith.andi %ne3A_638, %ne3A_633 : i1
      %add3A_640 = arith.addi %rem3A_631, %select_n3A_630 : i32
      %select_n3A_641 = arith.select %and3A_639, %add3A_640, %rem3A_631 : i32
      %get3A_642 = arith.index_cast %select_n3A_641 : i32 to index
      %get3A_643 = arith.constant 0 : index
      %get3A_644 = tpu.vector_load %arg5[%get3A_642, %get3A_643] {strides = array<i32>} : memref<50x128xf32, #tpu.memory_space<vmem>>, vector<1x16xf32>,
      %get3A_645 = vector.shape_cast %get3A_644 : vector<1x16xf32> to vector<16xf32>
      %get3A_646 = arith.index_cast %select_n3A_641 : i32 to index
      %get3A_647 = arith.constant 16 : index
      %get3A_648 = tpu.vector_load %arg5[%get3A_646, %get3A_647] {strides = array<i32>} : memref<50x128xf32, #tpu.memory_space<vmem>>, vector<1x16xf32>,
      %get3A_649 = vector.shape_cast %get3A_648 : vector<1x16xf32> to vector<16xf32>
      %get3A_650 = arith.index_cast %select_n3A_641 : i32 to index
      %get3A_651 = arith.constant 32 : index
      %get3A_652 = tpu.vector_load %arg5[%get3A_650, %get3A_651] {strides = array<i32>} : memref<50x128xf32, #tpu.memory_space<vmem>>, vector<1x16xf32>,
      %get3A_653 = vector.shape_cast %get3A_652 : vector<1x16xf32> to vector<16xf32>
      %get3A_654 = arith.index_cast %select_n3A_641 : i32 to index
      %get3A_655 = arith.constant 48 : index
      %get3A_656 = tpu.vector_load %arg5[%get3A_654, %get3A_655] {strides = array<i32>} : memref<50x128xf32, #tpu.memory_space<vmem>>, vector<1x16xf32>,
      %get3A_657 = vector.shape_cast %get3A_656 : vector<1x16xf32> to vector<16xf32>
      %get3A_658 = arith.index_cast %select_n3A_641 : i32 to index
      %get3A_659 = arith.constant 64 : index
      %get3A_660 = tpu.vector_load %arg5[%get3A_658, %get3A_659] {strides = array<i32>} : memref<50x128xf32, #tpu.memory_space<vmem>>, vector<1x16xf32>,
      %get3A_661 = vector.shape_cast %get3A_660 : vector<1x16xf32> to vector<16xf32>
      %get3A_662 = arith.index_cast %select_n3A_641 : i32 to index
      %get3A_663 = arith.constant 80 : index
      %get3A_664 = tpu.vector_load %arg5[%get3A_662, %get3A_663] {strides = array<i32>} : memref<50x128xf32, #tpu.memory_space<vmem>>, vector<1x16xf32>,
      %get3A_665 = vector.shape_cast %get3A_664 : vector<1x16xf32> to vector<16xf32>
      %get3A_666 = arith.index_cast %select_n3A_641 : i32 to index
      %get3A_667 = arith.constant 96 : index
      %get3A_668 = tpu.vector_load %arg5[%get3A_666, %get3A_667] {strides = array<i32>} : memref<50x128xf32, #tpu.memory_space<vmem>>, vector<1x16xf32>,
      %get3A_669 = vector.shape_cast %get3A_668 : vector<1x16xf32> to vector<16xf32>
      %get3A_670 = arith.index_cast %select_n3A_641 : i32 to index
      %get3A_671 = arith.constant 112 : index
      %get3A_672 = tpu.vector_load %arg5[%get3A_670, %get3A_671] {strides = array<i32>} : memref<50x128xf32, #tpu.memory_space<vmem>>, vector<1x16xf32>,
      %get3A_673 = vector.shape_cast %get3A_672 : vector<1x16xf32> to vector<16xf32>
      %scan3A_674 = arith.constant 0 : i32
      %scan3A_675 = arith.constant 0 : i32
      %scan3A_676 = arith.constant 128 : i32
      %scan3A_677 = arith.addi %scan3A_675, %scan3A_676 : i32
      %scan3A_678 = arith.constant 4 : i32
      %scan3A_679 = scf.for %scan3A_913 = %scan3A_675 to %scan3A_677 step %scan3A_678 iter_args(%scan3A_914 = %scan3A_674) -> (i32)  : i32 {
        %swap3A = arith.index_cast %scan3A_913 : i32 to index
        %swap3A_915 = arith.constant 0 : index
        %swap3A_916 = tpu.vector_load %arg7[%swap3A, %swap3A_915] {strides = array<i32>} : memref<128x128xf32, #tpu.memory_space<vmem>>, vector<1x16xf32>,
        %swap3A_917 = vector.shape_cast %swap3A_916 : vector<1x16xf32> to vector<16xf32>
        %swap3A_918 = vector.shape_cast %get3A_645 : vector<16xf32> to vector<1x16xf32>
        tpu.vector_store %arg7[%swap3A, %swap3A_915], %swap3A_918 {add = true, strides = array<i32>} : memref<128x128xf32, #tpu.memory_space<vmem>>, vector<1x16xf32>,
        %swap3A_919 = arith.index_cast %scan3A_913 : i32 to index
        %swap3A_920 = arith.constant 16 : index
        %swap3A_921 = tpu.vector_load %arg7[%swap3A_919, %swap3A_920] {strides = array<i32>} : memref<128x128xf32, #tpu.memory_space<vmem>>, vector<1x16xf32>,
        %swap3A_922 = vector.shape_cast %swap3A_921 : vector<1x16xf32> to vector<16xf32>
        %swap3A_923 = vector.shape_cast %get3A_649 : vector<16xf32> to vector<1x16xf32>
        tpu.vector_store %arg7[%swap3A_919, %swap3A_920], %swap3A_923 {add = true, strides = array<i32>} : memref<128x128xf32, #tpu.memory_space<vmem>>, vector<1x16xf32>,
        %swap3A_924 = arith.index_cast %scan3A_913 : i32 to index
        %swap3A_925 = arith.constant 32 : index
        %swap3A_926 = tpu.vector_load %arg7[%swap3A_924, %swap3A_925] {strides = array<i32>} : memref<128x128xf32, #tpu.memory_space<vmem>>, vector<1x16xf32>,
        %swap3A_927 = vector.shape_cast %swap3A_926 : vector<1x16xf32> to vector<16xf32>
        %swap3A_928 = vector.shape_cast %get3A_653 : vector<16xf32> to vector<1x16xf32>
        tpu.vector_store %arg7[%swap3A_924, %swap3A_925], %swap3A_928 {add = true, strides = array<i32>} : memref<128x128xf32, #tpu.memory_space<vmem>>, vector<1x16xf32>,
        %swap3A_929 = arith.index_cast %scan3A_913 : i32 to index
        %swap3A_930 = arith.constant 48 : index
        %swap3A_931 = tpu.vector_load %arg7[%swap3A_929, %swap3A_930] {strides = array<i32>} : memref<128x128xf32, #tpu.memory_space<vmem>>, vector<1x16xf32>,
        %swap3A_932 = vector.shape_cast %swap3A_931 : vector<1x16xf32> to vector<16xf32>
        %swap3A_933 = vector.shape_cast %get3A_657 : vector<16xf32> to vector<1x16xf32>
        tpu.vector_store %arg7[%swap3A_929, %swap3A_930], %swap3A_933 {add = true, strides = array<i32>} : memref<128x128xf32, #tpu.memory_space<vmem>>, vector<1x16xf32>,
        %swap3A_934 = arith.index_cast %scan3A_913 : i32 to index
        %swap3A_935 = arith.constant 64 : index
        %swap3A_936 = tpu.vector_load %arg7[%swap3A_934, %swap3A_935] {strides = array<i32>} : memref<128x128xf32, #tpu.memory_space<vmem>>, vector<1x16xf32>,
        %swap3A_937 = vector.shape_cast %swap3A_936 : vector<1x16xf32> to vector<16xf32>
        %swap3A_938 = vector.shape_cast %get3A_661 : vector<16xf32> to vector<1x16xf32>
        tpu.vector_store %arg7[%swap3A_934, %swap3A_935], %swap3A_938 {add = true, strides = array<i32>} : memref<128x128xf32, #tpu.memory_space<vmem>>, vector<1x16xf32>,
        %swap3A_939 = arith.index_cast %scan3A_913 : i32 to index
        %swap3A_940 = arith.constant 80 : index
        %swap3A_941 = tpu.vector_load %arg7[%swap3A_939, %swap3A_940] {strides = array<i32>} : memref<128x128xf32, #tpu.memory_space<vmem>>, vector<1x16xf32>,
        %swap3A_942 = vector.shape_cast %swap3A_941 : vector<1x16xf32> to vector<16xf32>
        %swap3A_943 = vector.shape_cast %get3A_665 : vector<16xf32> to vector<1x16xf32>
        tpu.vector_store %arg7[%swap3A_939, %swap3A_940], %swap3A_943 {add = true, strides = array<i32>} : memref<128x128xf32, #tpu.memory_space<vmem>>, vector<1x16xf32>,
        %swap3A_944 = arith.index_cast %scan3A_913 : i32 to index
        %swap3A_945 = arith.constant 96 : index
        %swap3A_946 = tpu.vector_load %arg7[%swap3A_944, %swap3A_945] {strides = array<i32>} : memref<128x128xf32, #tpu.memory_space<vmem>>, vector<1x16xf32>,
        %swap3A_947 = vector.shape_cast %swap3A_946 : vector<1x16xf32> to vector<16xf32>
        %swap3A_948 = vector.shape_cast %get3A_669 : vector<16xf32> to vector<1x16xf32>
        tpu.vector_store %arg7[%swap3A_944, %swap3A_945], %swap3A_948 {add = true, strides = array<i32>} : memref<128x128xf32, #tpu.memory_space<vmem>>, vector<1x16xf32>,
        %swap3A_949 = arith.index_cast %scan3A_913 : i32 to index
        %swap3A_950 = arith.constant 112 : index
        %swap3A_951 = tpu.vector_load %arg7[%swap3A_949, %swap3A_950] {strides = array<i32>} : memref<128x128xf32, #tpu.memory_space<vmem>>, vector<1x16xf32>,
        %swap3A_952 = vector.shape_cast %swap3A_951 : vector<1x16xf32> to vector<16xf32>
        %swap3A_953 = vector.shape_cast %get3A_673 : vector<16xf32> to vector<1x16xf32>
        tpu.vector_store %arg7[%swap3A_949, %swap3A_950], %swap3A_953 {add = true, strides = array<i32>} : memref<128x128xf32, #tpu.memory_space<vmem>>, vector<1x16xf32>,
        %scan3A_954 = arith.constant 0 : i32
        %scan3A_955 = arith.constant 1 : i32
        %scan3A_956 = arith.addi %scan3A_913, %scan3A_955 : i32
        %swap3A_957 = arith.index_cast %scan3A_956 : i32 to index
        %swap3A_958 = arith.constant 0 : index
        %swap3A_959 = tpu.vector_load %arg7[%swap3A_957, %swap3A_958] {strides = array<i32>} : memref<128x128xf32, #tpu.memory_space<vmem>>, vector<1x16xf32>,
        %swap3A_960 = vector.shape_cast %swap3A_959 : vector<1x16xf32> to vector<16xf32>
        %swap3A_961 = vector.shape_cast %get3A_645 : vector<16xf32> to vector<1x16xf32>
        tpu.vector_store %arg7[%swap3A_957, %swap3A_958], %swap3A_961 {add = true, strides = array<i32>} : memref<128x128xf32, #tpu.memory_space<vmem>>, vector<1x16xf32>,
        %swap3A_962 = arith.index_cast %scan3A_956 : i32 to index
        %swap3A_963 = arith.constant 16 : index
        %swap3A_964 = tpu.vector_load %arg7[%swap3A_962, %swap3A_963] {strides = array<i32>} : memref<128x128xf32, #tpu.memory_space<vmem>>, vector<1x16xf32>,
        %swap3A_965 = vector.shape_cast %swap3A_964 : vector<1x16xf32> to vector<16xf32>
        %swap3A_966 = vector.shape_cast %get3A_649 : vector<16xf32> to vector<1x16xf32>
        tpu.vector_store %arg7[%swap3A_962, %swap3A_963], %swap3A_966 {add = true, strides = array<i32>} : memref<128x128xf32, #tpu.memory_space<vmem>>, vector<1x16xf32>,
        %swap3A_967 = arith.index_cast %scan3A_956 : i32 to index
        %swap3A_968 = arith.constant 32 : index
        %swap3A_969 = tpu.vector_load %arg7[%swap3A_967, %swap3A_968] {strides = array<i32>} : memref<128x128xf32, #tpu.memory_space<vmem>>, vector<1x16xf32>,
        %swap3A_970 = vector.shape_cast %swap3A_969 : vector<1x16xf32> to vector<16xf32>
        %swap3A_971 = vector.shape_cast %get3A_653 : vector<16xf32> to vector<1x16xf32>
        tpu.vector_store %arg7[%swap3A_967, %swap3A_968], %swap3A_971 {add = true, strides = array<i32>} : memref<128x128xf32, #tpu.memory_space<vmem>>, vector<1x16xf32>,
        %swap3A_972 = arith.index_cast %scan3A_956 : i32 to index
        %swap3A_973 = arith.constant 48 : index
        %swap3A_974 = tpu.vector_load %arg7[%swap3A_972, %swap3A_973] {strides = array<i32>} : memref<128x128xf32, #tpu.memory_space<vmem>>, vector<1x16xf32>,
        %swap3A_975 = vector.shape_cast %swap3A_974 : vector<1x16xf32> to vector<16xf32>
        %swap3A_976 = vector.shape_cast %get3A_657 : vector<16xf32> to vector<1x16xf32>
        tpu.vector_store %arg7[%swap3A_972, %swap3A_973], %swap3A_976 {add = true, strides = array<i32>} : memref<128x128xf32, #tpu.memory_space<vmem>>, vector<1x16xf32>,
        %swap3A_977 = arith.index_cast %scan3A_956 : i32 to index
        %swap3A_978 = arith.constant 64 : index
        %swap3A_979 = tpu.vector_load %arg7[%swap3A_977, %swap3A_978] {strides = array<i32>} : memref<128x128xf32, #tpu.memory_space<vmem>>, vector<1x16xf32>,
        %swap3A_980 = vector.shape_cast %swap3A_979 : vector<1x16xf32> to vector<16xf32>
        %swap3A_981 = vector.shape_cast %get3A_661 : vector<16xf32> to vector<1x16xf32>
        tpu.vector_store %arg7[%swap3A_977, %swap3A_978], %swap3A_981 {add = true, strides = array<i32>} : memref<128x128xf32, #tpu.memory_space<vmem>>, vector<1x16xf32>,
        %swap3A_982 = arith.index_cast %scan3A_956 : i32 to index
        %swap3A_983 = arith.constant 80 : index
        %swap3A_984 = tpu.vector_load %arg7[%swap3A_982, %swap3A_983] {strides = array<i32>} : memref<128x128xf32, #tpu.memory_space<vmem>>, vector<1x16xf32>,
        %swap3A_985 = vector.shape_cast %swap3A_984 : vector<1x16xf32> to vector<16xf32>
        %swap3A_986 = vector.shape_cast %get3A_665 : vector<16xf32> to vector<1x16xf32>
        tpu.vector_store %arg7[%swap3A_982, %swap3A_983], %swap3A_986 {add = true, strides = array<i32>} : memref<128x128xf32, #tpu.memory_space<vmem>>, vector<1x16xf32>,
        %swap3A_987 = arith.index_cast %scan3A_956 : i32 to index
        %swap3A_988 = arith.constant 96 : index
        %swap3A_989 = tpu.vector_load %arg7[%swap3A_987, %swap3A_988] {strides = array<i32>} : memref<128x128xf32, #tpu.memory_space<vmem>>, vector<1x16xf32>,
        %swap3A_990 = vector.shape_cast %swap3A_989 : vector<1x16xf32> to vector<16xf32>
        %swap3A_991 = vector.shape_cast %get3A_669 : vector<16xf32> to vector<1x16xf32>
        tpu.vector_store %arg7[%swap3A_987, %swap3A_988], %swap3A_991 {add = true, strides = array<i32>} : memref<128x128xf32, #tpu.memory_space<vmem>>, vector<1x16xf32>,
        %swap3A_992 = arith.index_cast %scan3A_956 : i32 to index
        %swap3A_993 = arith.constant 112 : index
        %swap3A_994 = tpu.vector_load %arg7[%swap3A_992, %swap3A_993] {strides = array<i32>} : memref<128x128xf32, #tpu.memory_space<vmem>>, vector<1x16xf32>,
        %swap3A_995 = vector.shape_cast %swap3A_994 : vector<1x16xf32> to vector<16xf32>
        %swap3A_996 = vector.shape_cast %get3A_673 : vector<16xf32> to vector<1x16xf32>
        tpu.vector_store %arg7[%swap3A_992, %swap3A_993], %swap3A_996 {add = true, strides = array<i32>} : memref<128x128xf32, #tpu.memory_space<vmem>>, vector<1x16xf32>,
        %scan3A_997 = arith.constant 0 : i32
        %scan3A_998 = arith.constant 2 : i32
        %scan3A_999 = arith.addi %scan3A_913, %scan3A_998 : i32
        %swap3A_1000 = arith.index_cast %scan3A_999 : i32 to index
        %swap3A_1001 = arith.constant 0 : index
        %swap3A_1002 = tpu.vector_load %arg7[%swap3A_1000, %swap3A_1001] {strides = array<i32>} : memref<128x128xf32, #tpu.memory_space<vmem>>, vector<1x16xf32>,
        %swap3A_1003 = vector.shape_cast %swap3A_1002 : vector<1x16xf32> to vector<16xf32>
        %swap3A_1004 = vector.shape_cast %get3A_645 : vector<16xf32> to vector<1x16xf32>
        tpu.vector_store %arg7[%swap3A_1000, %swap3A_1001], %swap3A_1004 {add = true, strides = array<i32>} : memref<128x128xf32, #tpu.memory_space<vmem>>, vector<1x16xf32>,
        %swap3A_1005 = arith.index_cast %scan3A_999 : i32 to index
        %swap3A_1006 = arith.constant 16 : index
        %swap3A_1007 = tpu.vector_load %arg7[%swap3A_1005, %swap3A_1006] {strides = array<i32>} : memref<128x128xf32, #tpu.memory_space<vmem>>, vector<1x16xf32>,
        %swap3A_1008 = vector.shape_cast %swap3A_1007 : vector<1x16xf32> to vector<16xf32>
        %swap3A_1009 = vector.shape_cast %get3A_649 : vector<16xf32> to vector<1x16xf32>
        tpu.vector_store %arg7[%swap3A_1005, %swap3A_1006], %swap3A_1009 {add = true, strides = array<i32>} : memref<128x128xf32, #tpu.memory_space<vmem>>, vector<1x16xf32>,
        %swap3A_1010 = arith.index_cast %scan3A_999 : i32 to index
        %swap3A_1011 = arith.constant 32 : index
        %swap3A_1012 = tpu.vector_load %arg7[%swap3A_1010, %swap3A_1011] {strides = array<i32>} : memref<128x128xf32, #tpu.memory_space<vmem>>, vector<1x16xf32>,
        %swap3A_1013 = vector.shape_cast %swap3A_1012 : vector<1x16xf32> to vector<16xf32>
        %swap3A_1014 = vector.shape_cast %get3A_653 : vector<16xf32> to vector<1x16xf32>
        tpu.vector_store %arg7[%swap3A_1010, %swap3A_1011], %swap3A_1014 {add = true, strides = array<i32>} : memref<128x128xf32, #tpu.memory_space<vmem>>, vector<1x16xf32>,
        %swap3A_1015 = arith.index_cast %scan3A_999 : i32 to index
        %swap3A_1016 = arith.constant 48 : index
        %swap3A_1017 = tpu.vector_load %arg7[%swap3A_1015, %swap3A_1016] {strides = array<i32>} : memref<128x128xf32, #tpu.memory_space<vmem>>, vector<1x16xf32>,
        %swap3A_1018 = vector.shape_cast %swap3A_1017 : vector<1x16xf32> to vector<16xf32>
        %swap3A_1019 = vector.shape_cast %get3A_657 : vector<16xf32> to vector<1x16xf32>
        tpu.vector_store %arg7[%swap3A_1015, %swap3A_1016], %swap3A_1019 {add = true, strides = array<i32>} : memref<128x128xf32, #tpu.memory_space<vmem>>, vector<1x16xf32>,
        %swap3A_1020 = arith.index_cast %scan3A_999 : i32 to index
        %swap3A_1021 = arith.constant 64 : index
        %swap3A_1022 = tpu.vector_load %arg7[%swap3A_1020, %swap3A_1021] {strides = array<i32>} : memref<128x128xf32, #tpu.memory_space<vmem>>, vector<1x16xf32>,
        %swap3A_1023 = vector.shape_cast %swap3A_1022 : vector<1x16xf32> to vector<16xf32>
        %swap3A_1024 = vector.shape_cast %get3A_661 : vector<16xf32> to vector<1x16xf32>
        tpu.vector_store %arg7[%swap3A_1020, %swap3A_1021], %swap3A_1024 {add = true, strides = array<i32>} : memref<128x128xf32, #tpu.memory_space<vmem>>, vector<1x16xf32>,
        %swap3A_1025 = arith.index_cast %scan3A_999 : i32 to index
        %swap3A_1026 = arith.constant 80 : index
        %swap3A_1027 = tpu.vector_load %arg7[%swap3A_1025, %swap3A_1026] {strides = array<i32>} : memref<128x128xf32, #tpu.memory_space<vmem>>, vector<1x16xf32>,
        %swap3A_1028 = vector.shape_cast %swap3A_1027 : vector<1x16xf32> to vector<16xf32>
        %swap3A_1029 = vector.shape_cast %get3A_665 : vector<16xf32> to vector<1x16xf32>
        tpu.vector_store %arg7[%swap3A_1025, %swap3A_1026], %swap3A_1029 {add = true, strides = array<i32>} : memref<128x128xf32, #tpu.memory_space<vmem>>, vector<1x16xf32>,
        %swap3A_1030 = arith.index_cast %scan3A_999 : i32 to index
        %swap3A_1031 = arith.constant 96 : index
        %swap3A_1032 = tpu.vector_load %arg7[%swap3A_1030, %swap3A_1031] {strides = array<i32>} : memref<128x128xf32, #tpu.memory_space<vmem>>, vector<1x16xf32>,
        %swap3A_1033 = vector.shape_cast %swap3A_1032 : vector<1x16xf32> to vector<16xf32>
        %swap3A_1034 = vector.shape_cast %get3A_669 : vector<16xf32> to vector<1x16xf32>
        tpu.vector_store %arg7[%swap3A_1030, %swap3A_1031], %swap3A_1034 {add = true, strides = array<i32>} : memref<128x128xf32, #tpu.memory_space<vmem>>, vector<1x16xf32>,
        %swap3A_1035 = arith.index_cast %scan3A_999 : i32 to index
        %swap3A_1036 = arith.constant 112 : index
        %swap3A_1037 = tpu.vector_load %arg7[%swap3A_1035, %swap3A_1036] {strides = array<i32>} : memref<128x128xf32, #tpu.memory_space<vmem>>, vector<1x16xf32>,
        %swap3A_1038 = vector.shape_cast %swap3A_1037 : vector<1x16xf32> to vector<16xf32>
        %swap3A_1039 = vector.shape_cast %get3A_673 : vector<16xf32> to vector<1x16xf32>
        tpu.vector_store %arg7[%swap3A_1035, %swap3A_1036], %swap3A_1039 {add = true, strides = array<i32>} : memref<128x128xf32, #tpu.memory_space<vmem>>, vector<1x16xf32>,
        %scan3A_1040 = arith.constant 0 : i32
        %scan3A_1041 = arith.constant 3 : i32
        %scan3A_1042 = arith.addi %scan3A_913, %scan3A_1041 : i32
        %swap3A_1043 = arith.index_cast %scan3A_1042 : i32 to index
        %swap3A_1044 = arith.constant 0 : index
        %swap3A_1045 = tpu.vector_load %arg7[%swap3A_1043, %swap3A_1044] {strides = array<i32>} : memref<128x128xf32, #tpu.memory_space<vmem>>, vector<1x16xf32>,
        %swap3A_1046 = vector.shape_cast %swap3A_1045 : vector<1x16xf32> to vector<16xf32>
        %swap3A_1047 = vector.shape_cast %get3A_645 : vector<16xf32> to vector<1x16xf32>
        tpu.vector_store %arg7[%swap3A_1043, %swap3A_1044], %swap3A_1047 {add = true, strides = array<i32>} : memref<128x128xf32, #tpu.memory_space<vmem>>, vector<1x16xf32>,
        %swap3A_1048 = arith.index_cast %scan3A_1042 : i32 to index
        %swap3A_1049 = arith.constant 16 : index
        %swap3A_1050 = tpu.vector_load %arg7[%swap3A_1048, %swap3A_1049] {strides = array<i32>} : memref<128x128xf32, #tpu.memory_space<vmem>>, vector<1x16xf32>,
        %swap3A_1051 = vector.shape_cast %swap3A_1050 : vector<1x16xf32> to vector<16xf32>
        %swap3A_1052 = vector.shape_cast %get3A_649 : vector<16xf32> to vector<1x16xf32>
        tpu.vector_store %arg7[%swap3A_1048, %swap3A_1049], %swap3A_1052 {add = true, strides = array<i32>} : memref<128x128xf32, #tpu.memory_space<vmem>>, vector<1x16xf32>,
        %swap3A_1053 = arith.index_cast %scan3A_1042 : i32 to index
        %swap3A_1054 = arith.constant 32 : index
        %swap3A_1055 = tpu.vector_load %arg7[%swap3A_1053, %swap3A_1054] {strides = array<i32>} : memref<128x128xf32, #tpu.memory_space<vmem>>, vector<1x16xf32>,
        %swap3A_1056 = vector.shape_cast %swap3A_1055 : vector<1x16xf32> to vector<16xf32>
        %swap3A_1057 = vector.shape_cast %get3A_653 : vector<16xf32> to vector<1x16xf32>
        tpu.vector_store %arg7[%swap3A_1053, %swap3A_1054], %swap3A_1057 {add = true, strides = array<i32>} : memref<128x128xf32, #tpu.memory_space<vmem>>, vector<1x16xf32>,
        %swap3A_1058 = arith.index_cast %scan3A_1042 : i32 to index
        %swap3A_1059 = arith.constant 48 : index
        %swap3A_1060 = tpu.vector_load %arg7[%swap3A_1058, %swap3A_1059] {strides = array<i32>} : memref<128x128xf32, #tpu.memory_space<vmem>>, vector<1x16xf32>,
        %swap3A_1061 = vector.shape_cast %swap3A_1060 : vector<1x16xf32> to vector<16xf32>
        %swap3A_1062 = vector.shape_cast %get3A_657 : vector<16xf32> to vector<1x16xf32>
        tpu.vector_store %arg7[%swap3A_1058, %swap3A_1059], %swap3A_1062 {add = true, strides = array<i32>} : memref<128x128xf32, #tpu.memory_space<vmem>>, vector<1x16xf32>,
        %swap3A_1063 = arith.index_cast %scan3A_1042 : i32 to index
        %swap3A_1064 = arith.constant 64 : index
        %swap3A_1065 = tpu.vector_load %arg7[%swap3A_1063, %swap3A_1064] {strides = array<i32>} : memref<128x128xf32, #tpu.memory_space<vmem>>, vector<1x16xf32>,
        %swap3A_1066 = vector.shape_cast %swap3A_1065 : vector<1x16xf32> to vector<16xf32>
        %swap3A_1067 = vector.shape_cast %get3A_661 : vector<16xf32> to vector<1x16xf32>
        tpu.vector_store %arg7[%swap3A_1063, %swap3A_1064], %swap3A_1067 {add = true, strides = array<i32>} : memref<128x128xf32, #tpu.memory_space<vmem>>, vector<1x16xf32>,
        %swap3A_1068 = arith.index_cast %scan3A_1042 : i32 to index
        %swap3A_1069 = arith.constant 80 : index
        %swap3A_1070 = tpu.vector_load %arg7[%swap3A_1068, %swap3A_1069] {strides = array<i32>} : memref<128x128xf32, #tpu.memory_space<vmem>>, vector<1x16xf32>,
        %swap3A_1071 = vector.shape_cast %swap3A_1070 : vector<1x16xf32> to vector<16xf32>
        %swap3A_1072 = vector.shape_cast %get3A_665 : vector<16xf32> to vector<1x16xf32>
        tpu.vector_store %arg7[%swap3A_1068, %swap3A_1069], %swap3A_1072 {add = true, strides = array<i32>} : memref<128x128xf32, #tpu.memory_space<vmem>>, vector<1x16xf32>,
        %swap3A_1073 = arith.index_cast %scan3A_1042 : i32 to index
        %swap3A_1074 = arith.constant 96 : index
        %swap3A_1075 = tpu.vector_load %arg7[%swap3A_1073, %swap3A_1074] {strides = array<i32>} : memref<128x128xf32, #tpu.memory_space<vmem>>, vector<1x16xf32>,
        %swap3A_1076 = vector.shape_cast %swap3A_1075 : vector<1x16xf32> to vector<16xf32>
        %swap3A_1077 = vector.shape_cast %get3A_669 : vector<16xf32> to vector<1x16xf32>
        tpu.vector_store %arg7[%swap3A_1073, %swap3A_1074], %swap3A_1077 {add = true, strides = array<i32>} : memref<128x128xf32, #tpu.memory_space<vmem>>, vector<1x16xf32>,
        %swap3A_1078 = arith.index_cast %scan3A_1042 : i32 to index
        %swap3A_1079 = arith.constant 112 : index
        %swap3A_1080 = tpu.vector_load %arg7[%swap3A_1078, %swap3A_1079] {strides = array<i32>} : memref<128x128xf32, #tpu.memory_space<vmem>>, vector<1x16xf32>,
        %swap3A_1081 = vector.shape_cast %swap3A_1080 : vector<1x16xf32> to vector<16xf32>
        %swap3A_1082 = vector.shape_cast %get3A_673 : vector<16xf32> to vector<1x16xf32>
        tpu.vector_store %arg7[%swap3A_1078, %swap3A_1079], %swap3A_1082 {add = true, strides = array<i32>} : memref<128x128xf32, #tpu.memory_space<vmem>>, vector<1x16xf32>,
        %scan3A_1083 = arith.constant 0 : i32
        scf.yield %scan3A_1083 : i32
      }
      %scan3A_680 = arith.constant 128 : i32
      %mul3A_681 = arith.constant 128 : i32
      %mul3A_682 = arith.muli %add3A_579, %mul3A_681 : i32
      %add3A_683 = arith.addi %mul3A_2, %mul3A_682 : i32
      %dma_start3A_684 = arith.constant 0 : i32
      %dma_start3A_685 = tpu.memref_slice %arg4[%add3A_683, %dma_start3A_684] : memref<409600x128xf32, #tpu.memory_space<hbm>> -> memref<128x128xf32, #tpu.memory_space<hbm>>
      %dma_start3A_686 = arith.constant 0 : i32
      %dma_start3A_687 = tpu.memref_slice %arg4[%add3A_683, %dma_start3A_686] : memref<409600x128xf32, #tpu.memory_space<hbm>> -> memref<128x128xf32, #tpu.memory_space<hbm>>
      tpu.enqueue_dma source(%arg7 : memref<128x128xf32, #tpu.memory_space<vmem>>) target(%dma_start3A_687 : memref<128x128xf32, #tpu.memory_space<hbm>>) target_semaphore(%arg15 : memref<!tpu.dma_semaphore, #tpu.memory_space<semaphore_mem>>)
      %mul3A_688 = arith.constant 4 : i32
      %mul3A_689 = arith.muli %scan3A_464, %mul3A_688 : i32
      %add3A_690 = arith.constant 2 : i32
      %add3A_691 = arith.addi %mul3A_689, %add3A_690 : i32
      %add3A_692 = arith.constant 2 : i32
      %add3A_693 = arith.addi %add3A_691, %add3A_692 : i32
      %dma_wait3A_694 = arith.constant 0 : i32
      %dma_wait3A_695 = arith.constant 0 : i32
      %dma_wait3A_696 = tpu.memref_slice %arg4[%dma_wait3A_694, %dma_wait3A_695] : memref<409600x128xf32, #tpu.memory_space<hbm>> -> memref<128x128xf32, #tpu.memory_space<hbm>>
      %dma_wait3A_697 = arith.constant 0 : i32
      %dma_wait3A_698 = arith.constant 0 : i32
      %dma_wait3A_699 = tpu.memref_slice %arg4[%dma_wait3A_697, %dma_wait3A_698] : memref<409600x128xf32, #tpu.memory_space<hbm>> -> memref<128x128xf32, #tpu.memory_space<hbm>>
      tpu.wait_dma2 semaphore(%arg14 : memref<!tpu.dma_semaphore, #tpu.memory_space<semaphore_mem>>) src(%arg6 : memref<128x128xf32, #tpu.memory_space<vmem>>) dst(%dma_wait3A_699 : memref<128x128xf32, #tpu.memory_space<hbm>>)
      %lt3A_700 = arith.constant 100 : i32
      %lt3A_701 = arith.cmpi slt, %add3A_693, %lt3A_700 : i32
      %convert_element_type3A_702 = arith.extui %lt3A_701 : i1 to i32
      %cond3A_703 = arith.constant 0 : i32
      %cond3A_704 = arith.cmpi ne, %convert_element_type3A_702, %cond3A_703 : i32
      scf.if %cond3A_704 {
        %mul3A_913 = arith.constant 128 : i32
        %mul3A_914 = arith.muli %add3A_693, %mul3A_913 : i32
        %add3A_915 = arith.addi %mul3A_2, %mul3A_914 : i32
        %dma_start3A_916 = arith.constant 0 : i32
        %dma_start3A_917 = tpu.memref_slice %arg2[%add3A_915, %dma_start3A_916] : memref<409600x128xf32, #tpu.memory_space<hbm>> -> memref<128x128xf32, #tpu.memory_space<hbm>>
        %dma_start3A_918 = arith.constant 0 : i32
        %dma_start3A_919 = tpu.memref_slice %arg2[%add3A_915, %dma_start3A_918] : memref<409600x128xf32, #tpu.memory_space<hbm>> -> memref<128x128xf32, #tpu.memory_space<hbm>>
        tpu.enqueue_dma source(%dma_start3A_919 : memref<128x128xf32, #tpu.memory_space<hbm>>) target(%arg6 : memref<128x128xf32, #tpu.memory_space<vmem>>) target_semaphore(%arg10 : memref<!tpu.dma_semaphore, #tpu.memory_space<semaphore_mem>>)
      } else {
      }
      %dma_wait3A_705 = arith.constant 0 : i32
      %dma_wait3A_706 = arith.constant 0 : i32
      %dma_wait3A_707 = tpu.memref_slice %arg2[%dma_wait3A_705, %dma_wait3A_706] : memref<409600x128xf32, #tpu.memory_space<hbm>> -> memref<128x128xf32, #tpu.memory_space<hbm>>
      %dma_wait3A_708 = arith.constant 0 : i32
      %dma_wait3A_709 = arith.constant 0 : i32
      %dma_wait3A_710 = tpu.memref_slice %arg2[%dma_wait3A_708, %dma_wait3A_709] : memref<409600x128xf32, #tpu.memory_space<hbm>> -> memref<128x128xf32, #tpu.memory_space<hbm>>
      tpu.wait_dma2 semaphore(%arg12 : memref<!tpu.dma_semaphore, #tpu.memory_space<semaphore_mem>>) src(%dma_wait3A_710 : memref<128x128xf32, #tpu.memory_space<hbm>>) dst(%arg8 : memref<128x128xf32, #tpu.memory_space<vmem>>)
      %mul3A_711 = arith.constant 128 : i32
      %mul3A_712 = arith.muli %add3A_691, %mul3A_711 : i32
      %add3A_713 = arith.addi %mul3A_2, %mul3A_712 : i32
      %jit3A_714 = arith.constant 1024 : i32
      %div3A_715 = arith.divsi %add3A_713, %jit3A_714 : i32
      %sign3A_716 = arith.constant 0 : i32
      %sign3A_717 = arith.cmpi sgt, %add3A_713, %sign3A_716 : i32
      %sign3A_718 = arith.extui %sign3A_717 : i1 to i32
      %sign3A_719 = arith.constant 0 : i32
      %sign3A_720 = arith.cmpi slt, %add3A_713, %sign3A_719 : i32
      %sign3A_721 = arith.extui %sign3A_720 : i1 to i32
      %sign3A_722 = arith.subi %sign3A_718, %sign3A_721 : i32
      %sign3A_723 = arith.constant 0 : i32
      %sign3A_724 = arith.cmpi sgt, %jit3A_714, %sign3A_723 : i32
      %sign3A_725 = arith.extui %sign3A_724 : i1 to i32
      %sign3A_726 = arith.constant 0 : i32
      %sign3A_727 = arith.cmpi slt, %jit3A_714, %sign3A_726 : i32
      %sign3A_728 = arith.extui %sign3A_727 : i1 to i32
      %sign3A_729 = arith.subi %sign3A_725, %sign3A_728 : i32
      %ne3A_730 = arith.cmpi ne, %sign3A_722, %sign3A_729 : i32
      %rem3A_731 = arith.remsi %add3A_713, %jit3A_714 : i32
      %ne3A_732 = arith.constant 0 : i32
      %ne3A_733 = arith.cmpi ne, %rem3A_731, %ne3A_732 : i32
      %and3A_734 = arith.andi %ne3A_730, %ne3A_733 : i1
      %sub3A_735 = arith.constant 1 : i32
      %sub3A_736 = arith.subi %div3A_715, %sub3A_735 : i32
      %select_n3A_737 = arith.select %and3A_734, %sub3A_736, %div3A_715 : i32
      %jit3A_738 = arith.constant 50 : i32
      %eq3A_739 = arith.constant 0 : i32
      %eq3A_740 = arith.cmpi eq, %jit3A_738, %eq3A_739 : i32
      %jit3A_741 = arith.constant 1 : i32
      %select_n3A_742 = arith.select %eq3A_740, %jit3A_741, %jit3A_738 : i32
      %rem3A_743 = arith.remsi %select_n3A_737, %select_n3A_742 : i32
      %ne3A_744 = arith.constant 0 : i32
      %ne3A_745 = arith.cmpi ne, %rem3A_743, %ne3A_744 : i32
      %lt3A_746 = arith.constant 0 : i32
      %lt3A_747 = arith.cmpi slt, %rem3A_743, %lt3A_746 : i32
      %lt3A_748 = arith.constant 0 : i32
      %lt3A_749 = arith.cmpi slt, %select_n3A_742, %lt3A_748 : i32
      %ne3A_750 = arith.xori %lt3A_747, %lt3A_749 : i1
      %and3A_751 = arith.andi %ne3A_750, %ne3A_745 : i1
      %add3A_752 = arith.addi %rem3A_743, %select_n3A_742 : i32
      %select_n3A_753 = arith.select %and3A_751, %add3A_752, %rem3A_743 : i32
      %get3A_754 = arith.index_cast %select_n3A_753 : i32 to index
      %get3A_755 = arith.constant 0 : index
      %get3A_756 = tpu.vector_load %arg5[%get3A_754, %get3A_755] {strides = array<i32>} : memref<50x128xf32, #tpu.memory_space<vmem>>, vector<1x16xf32>,
      %get3A_757 = vector.shape_cast %get3A_756 : vector<1x16xf32> to vector<16xf32>
      %get3A_758 = arith.index_cast %select_n3A_753 : i32 to index
      %get3A_759 = arith.constant 16 : index
      %get3A_760 = tpu.vector_load %arg5[%get3A_758, %get3A_759] {strides = array<i32>} : memref<50x128xf32, #tpu.memory_space<vmem>>, vector<1x16xf32>,
      %get3A_761 = vector.shape_cast %get3A_760 : vector<1x16xf32> to vector<16xf32>
      %get3A_762 = arith.index_cast %select_n3A_753 : i32 to index
      %get3A_763 = arith.constant 32 : index
      %get3A_764 = tpu.vector_load %arg5[%get3A_762, %get3A_763] {strides = array<i32>} : memref<50x128xf32, #tpu.memory_space<vmem>>, vector<1x16xf32>,
      %get3A_765 = vector.shape_cast %get3A_764 : vector<1x16xf32> to vector<16xf32>
      %get3A_766 = arith.index_cast %select_n3A_753 : i32 to index
      %get3A_767 = arith.constant 48 : index
      %get3A_768 = tpu.vector_load %arg5[%get3A_766, %get3A_767] {strides = array<i32>} : memref<50x128xf32, #tpu.memory_space<vmem>>, vector<1x16xf32>,
      %get3A_769 = vector.shape_cast %get3A_768 : vector<1x16xf32> to vector<16xf32>
      %get3A_770 = arith.index_cast %select_n3A_753 : i32 to index
      %get3A_771 = arith.constant 64 : index
      %get3A_772 = tpu.vector_load %arg5[%get3A_770, %get3A_771] {strides = array<i32>} : memref<50x128xf32, #tpu.memory_space<vmem>>, vector<1x16xf32>,
      %get3A_773 = vector.shape_cast %get3A_772 : vector<1x16xf32> to vector<16xf32>
      %get3A_774 = arith.index_cast %select_n3A_753 : i32 to index
      %get3A_775 = arith.constant 80 : index
      %get3A_776 = tpu.vector_load %arg5[%get3A_774, %get3A_775] {strides = array<i32>} : memref<50x128xf32, #tpu.memory_space<vmem>>, vector<1x16xf32>,
      %get3A_777 = vector.shape_cast %get3A_776 : vector<1x16xf32> to vector<16xf32>
      %get3A_778 = arith.index_cast %select_n3A_753 : i32 to index
      %get3A_779 = arith.constant 96 : index
      %get3A_780 = tpu.vector_load %arg5[%get3A_778, %get3A_779] {strides = array<i32>} : memref<50x128xf32, #tpu.memory_space<vmem>>, vector<1x16xf32>,
      %get3A_781 = vector.shape_cast %get3A_780 : vector<1x16xf32> to vector<16xf32>
      %get3A_782 = arith.index_cast %select_n3A_753 : i32 to index
      %get3A_783 = arith.constant 112 : index
      %get3A_784 = tpu.vector_load %arg5[%get3A_782, %get3A_783] {strides = array<i32>} : memref<50x128xf32, #tpu.memory_space<vmem>>, vector<1x16xf32>,
      %get3A_785 = vector.shape_cast %get3A_784 : vector<1x16xf32> to vector<16xf32>
      %scan3A_786 = arith.constant 0 : i32
      %scan3A_787 = arith.constant 0 : i32
      %scan3A_788 = arith.constant 128 : i32
      %scan3A_789 = arith.addi %scan3A_787, %scan3A_788 : i32
      %scan3A_790 = arith.constant 4 : i32
      %scan3A_791 = scf.for %scan3A_913 = %scan3A_787 to %scan3A_789 step %scan3A_790 iter_args(%scan3A_914 = %scan3A_786) -> (i32)  : i32 {
        %swap3A = arith.index_cast %scan3A_913 : i32 to index
        %swap3A_915 = arith.constant 0 : index
        %swap3A_916 = tpu.vector_load %arg8[%swap3A, %swap3A_915] {strides = array<i32>} : memref<128x128xf32, #tpu.memory_space<vmem>>, vector<1x16xf32>,
        %swap3A_917 = vector.shape_cast %swap3A_916 : vector<1x16xf32> to vector<16xf32>
        %swap3A_918 = vector.shape_cast %get3A_757 : vector<16xf32> to vector<1x16xf32>
        tpu.vector_store %arg8[%swap3A, %swap3A_915], %swap3A_918 {add = true, strides = array<i32>} : memref<128x128xf32, #tpu.memory_space<vmem>>, vector<1x16xf32>,
        %swap3A_919 = arith.index_cast %scan3A_913 : i32 to index
        %swap3A_920 = arith.constant 16 : index
        %swap3A_921 = tpu.vector_load %arg8[%swap3A_919, %swap3A_920] {strides = array<i32>} : memref<128x128xf32, #tpu.memory_space<vmem>>, vector<1x16xf32>,
        %swap3A_922 = vector.shape_cast %swap3A_921 : vector<1x16xf32> to vector<16xf32>
        %swap3A_923 = vector.shape_cast %get3A_761 : vector<16xf32> to vector<1x16xf32>
        tpu.vector_store %arg8[%swap3A_919, %swap3A_920], %swap3A_923 {add = true, strides = array<i32>} : memref<128x128xf32, #tpu.memory_space<vmem>>, vector<1x16xf32>,
        %swap3A_924 = arith.index_cast %scan3A_913 : i32 to index
        %swap3A_925 = arith.constant 32 : index
        %swap3A_926 = tpu.vector_load %arg8[%swap3A_924, %swap3A_925] {strides = array<i32>} : memref<128x128xf32, #tpu.memory_space<vmem>>, vector<1x16xf32>,
        %swap3A_927 = vector.shape_cast %swap3A_926 : vector<1x16xf32> to vector<16xf32>
        %swap3A_928 = vector.shape_cast %get3A_765 : vector<16xf32> to vector<1x16xf32>
        tpu.vector_store %arg8[%swap3A_924, %swap3A_925], %swap3A_928 {add = true, strides = array<i32>} : memref<128x128xf32, #tpu.memory_space<vmem>>, vector<1x16xf32>,
        %swap3A_929 = arith.index_cast %scan3A_913 : i32 to index
        %swap3A_930 = arith.constant 48 : index
        %swap3A_931 = tpu.vector_load %arg8[%swap3A_929, %swap3A_930] {strides = array<i32>} : memref<128x128xf32, #tpu.memory_space<vmem>>, vector<1x16xf32>,
        %swap3A_932 = vector.shape_cast %swap3A_931 : vector<1x16xf32> to vector<16xf32>
        %swap3A_933 = vector.shape_cast %get3A_769 : vector<16xf32> to vector<1x16xf32>
        tpu.vector_store %arg8[%swap3A_929, %swap3A_930], %swap3A_933 {add = true, strides = array<i32>} : memref<128x128xf32, #tpu.memory_space<vmem>>, vector<1x16xf32>,
        %swap3A_934 = arith.index_cast %scan3A_913 : i32 to index
        %swap3A_935 = arith.constant 64 : index
        %swap3A_936 = tpu.vector_load %arg8[%swap3A_934, %swap3A_935] {strides = array<i32>} : memref<128x128xf32, #tpu.memory_space<vmem>>, vector<1x16xf32>,
        %swap3A_937 = vector.shape_cast %swap3A_936 : vector<1x16xf32> to vector<16xf32>
        %swap3A_938 = vector.shape_cast %get3A_773 : vector<16xf32> to vector<1x16xf32>
        tpu.vector_store %arg8[%swap3A_934, %swap3A_935], %swap3A_938 {add = true, strides = array<i32>} : memref<128x128xf32, #tpu.memory_space<vmem>>, vector<1x16xf32>,
        %swap3A_939 = arith.index_cast %scan3A_913 : i32 to index
        %swap3A_940 = arith.constant 80 : index
        %swap3A_941 = tpu.vector_load %arg8[%swap3A_939, %swap3A_940] {strides = array<i32>} : memref<128x128xf32, #tpu.memory_space<vmem>>, vector<1x16xf32>,
        %swap3A_942 = vector.shape_cast %swap3A_941 : vector<1x16xf32> to vector<16xf32>
        %swap3A_943 = vector.shape_cast %get3A_777 : vector<16xf32> to vector<1x16xf32>
        tpu.vector_store %arg8[%swap3A_939, %swap3A_940], %swap3A_943 {add = true, strides = array<i32>} : memref<128x128xf32, #tpu.memory_space<vmem>>, vector<1x16xf32>,
        %swap3A_944 = arith.index_cast %scan3A_913 : i32 to index
        %swap3A_945 = arith.constant 96 : index
        %swap3A_946 = tpu.vector_load %arg8[%swap3A_944, %swap3A_945] {strides = array<i32>} : memref<128x128xf32, #tpu.memory_space<vmem>>, vector<1x16xf32>,
        %swap3A_947 = vector.shape_cast %swap3A_946 : vector<1x16xf32> to vector<16xf32>
        %swap3A_948 = vector.shape_cast %get3A_781 : vector<16xf32> to vector<1x16xf32>
        tpu.vector_store %arg8[%swap3A_944, %swap3A_945], %swap3A_948 {add = true, strides = array<i32>} : memref<128x128xf32, #tpu.memory_space<vmem>>, vector<1x16xf32>,
        %swap3A_949 = arith.index_cast %scan3A_913 : i32 to index
        %swap3A_950 = arith.constant 112 : index
        %swap3A_951 = tpu.vector_load %arg8[%swap3A_949, %swap3A_950] {strides = array<i32>} : memref<128x128xf32, #tpu.memory_space<vmem>>, vector<1x16xf32>,
        %swap3A_952 = vector.shape_cast %swap3A_951 : vector<1x16xf32> to vector<16xf32>
        %swap3A_953 = vector.shape_cast %get3A_785 : vector<16xf32> to vector<1x16xf32>
        tpu.vector_store %arg8[%swap3A_949, %swap3A_950], %swap3A_953 {add = true, strides = array<i32>} : memref<128x128xf32, #tpu.memory_space<vmem>>, vector<1x16xf32>,
        %scan3A_954 = arith.constant 0 : i32
        %scan3A_955 = arith.constant 1 : i32
        %scan3A_956 = arith.addi %scan3A_913, %scan3A_955 : i32
        %swap3A_957 = arith.index_cast %scan3A_956 : i32 to index
        %swap3A_958 = arith.constant 0 : index
        %swap3A_959 = tpu.vector_load %arg8[%swap3A_957, %swap3A_958] {strides = array<i32>} : memref<128x128xf32, #tpu.memory_space<vmem>>, vector<1x16xf32>,
        %swap3A_960 = vector.shape_cast %swap3A_959 : vector<1x16xf32> to vector<16xf32>
        %swap3A_961 = vector.shape_cast %get3A_757 : vector<16xf32> to vector<1x16xf32>
        tpu.vector_store %arg8[%swap3A_957, %swap3A_958], %swap3A_961 {add = true, strides = array<i32>} : memref<128x128xf32, #tpu.memory_space<vmem>>, vector<1x16xf32>,
        %swap3A_962 = arith.index_cast %scan3A_956 : i32 to index
        %swap3A_963 = arith.constant 16 : index
        %swap3A_964 = tpu.vector_load %arg8[%swap3A_962, %swap3A_963] {strides = array<i32>} : memref<128x128xf32, #tpu.memory_space<vmem>>, vector<1x16xf32>,
        %swap3A_965 = vector.shape_cast %swap3A_964 : vector<1x16xf32> to vector<16xf32>
        %swap3A_966 = vector.shape_cast %get3A_761 : vector<16xf32> to vector<1x16xf32>
        tpu.vector_store %arg8[%swap3A_962, %swap3A_963], %swap3A_966 {add = true, strides = array<i32>} : memref<128x128xf32, #tpu.memory_space<vmem>>, vector<1x16xf32>,
        %swap3A_967 = arith.index_cast %scan3A_956 : i32 to index
        %swap3A_968 = arith.constant 32 : index
        %swap3A_969 = tpu.vector_load %arg8[%swap3A_967, %swap3A_968] {strides = array<i32>} : memref<128x128xf32, #tpu.memory_space<vmem>>, vector<1x16xf32>,
        %swap3A_970 = vector.shape_cast %swap3A_969 : vector<1x16xf32> to vector<16xf32>
        %swap3A_971 = vector.shape_cast %get3A_765 : vector<16xf32> to vector<1x16xf32>
        tpu.vector_store %arg8[%swap3A_967, %swap3A_968], %swap3A_971 {add = true, strides = array<i32>} : memref<128x128xf32, #tpu.memory_space<vmem>>, vector<1x16xf32>,
        %swap3A_972 = arith.index_cast %scan3A_956 : i32 to index
        %swap3A_973 = arith.constant 48 : index
        %swap3A_974 = tpu.vector_load %arg8[%swap3A_972, %swap3A_973] {strides = array<i32>} : memref<128x128xf32, #tpu.memory_space<vmem>>, vector<1x16xf32>,
        %swap3A_975 = vector.shape_cast %swap3A_974 : vector<1x16xf32> to vector<16xf32>
        %swap3A_976 = vector.shape_cast %get3A_769 : vector<16xf32> to vector<1x16xf32>
        tpu.vector_store %arg8[%swap3A_972, %swap3A_973], %swap3A_976 {add = true, strides = array<i32>} : memref<128x128xf32, #tpu.memory_space<vmem>>, vector<1x16xf32>,
        %swap3A_977 = arith.index_cast %scan3A_956 : i32 to index
        %swap3A_978 = arith.constant 64 : index
        %swap3A_979 = tpu.vector_load %arg8[%swap3A_977, %swap3A_978] {strides = array<i32>} : memref<128x128xf32, #tpu.memory_space<vmem>>, vector<1x16xf32>,
        %swap3A_980 = vector.shape_cast %swap3A_979 : vector<1x16xf32> to vector<16xf32>
        %swap3A_981 = vector.shape_cast %get3A_773 : vector<16xf32> to vector<1x16xf32>
        tpu.vector_store %arg8[%swap3A_977, %swap3A_978], %swap3A_981 {add = true, strides = array<i32>} : memref<128x128xf32, #tpu.memory_space<vmem>>, vector<1x16xf32>,
        %swap3A_982 = arith.index_cast %scan3A_956 : i32 to index
        %swap3A_983 = arith.constant 80 : index
        %swap3A_984 = tpu.vector_load %arg8[%swap3A_982, %swap3A_983] {strides = array<i32>} : memref<128x128xf32, #tpu.memory_space<vmem>>, vector<1x16xf32>,
        %swap3A_985 = vector.shape_cast %swap3A_984 : vector<1x16xf32> to vector<16xf32>
        %swap3A_986 = vector.shape_cast %get3A_777 : vector<16xf32> to vector<1x16xf32>
        tpu.vector_store %arg8[%swap3A_982, %swap3A_983], %swap3A_986 {add = true, strides = array<i32>} : memref<128x128xf32, #tpu.memory_space<vmem>>, vector<1x16xf32>,
        %swap3A_987 = arith.index_cast %scan3A_956 : i32 to index
        %swap3A_988 = arith.constant 96 : index
        %swap3A_989 = tpu.vector_load %arg8[%swap3A_987, %swap3A_988] {strides = array<i32>} : memref<128x128xf32, #tpu.memory_space<vmem>>, vector<1x16xf32>,
        %swap3A_990 = vector.shape_cast %swap3A_989 : vector<1x16xf32> to vector<16xf32>
        %swap3A_991 = vector.shape_cast %get3A_781 : vector<16xf32> to vector<1x16xf32>
        tpu.vector_store %arg8[%swap3A_987, %swap3A_988], %swap3A_991 {add = true, strides = array<i32>} : memref<128x128xf32, #tpu.memory_space<vmem>>, vector<1x16xf32>,
        %swap3A_992 = arith.index_cast %scan3A_956 : i32 to index
        %swap3A_993 = arith.constant 112 : index
        %swap3A_994 = tpu.vector_load %arg8[%swap3A_992, %swap3A_993] {strides = array<i32>} : memref<128x128xf32, #tpu.memory_space<vmem>>, vector<1x16xf32>,
        %swap3A_995 = vector.shape_cast %swap3A_994 : vector<1x16xf32> to vector<16xf32>
        %swap3A_996 = vector.shape_cast %get3A_785 : vector<16xf32> to vector<1x16xf32>
        tpu.vector_store %arg8[%swap3A_992, %swap3A_993], %swap3A_996 {add = true, strides = array<i32>} : memref<128x128xf32, #tpu.memory_space<vmem>>, vector<1x16xf32>,
        %scan3A_997 = arith.constant 0 : i32
        %scan3A_998 = arith.constant 2 : i32
        %scan3A_999 = arith.addi %scan3A_913, %scan3A_998 : i32
        %swap3A_1000 = arith.index_cast %scan3A_999 : i32 to index
        %swap3A_1001 = arith.constant 0 : index
        %swap3A_1002 = tpu.vector_load %arg8[%swap3A_1000, %swap3A_1001] {strides = array<i32>} : memref<128x128xf32, #tpu.memory_space<vmem>>, vector<1x16xf32>,
        %swap3A_1003 = vector.shape_cast %swap3A_1002 : vector<1x16xf32> to vector<16xf32>
        %swap3A_1004 = vector.shape_cast %get3A_757 : vector<16xf32> to vector<1x16xf32>
        tpu.vector_store %arg8[%swap3A_1000, %swap3A_1001], %swap3A_1004 {add = true, strides = array<i32>} : memref<128x128xf32, #tpu.memory_space<vmem>>, vector<1x16xf32>,
        %swap3A_1005 = arith.index_cast %scan3A_999 : i32 to index
        %swap3A_1006 = arith.constant 16 : index
        %swap3A_1007 = tpu.vector_load %arg8[%swap3A_1005, %swap3A_1006] {strides = array<i32>} : memref<128x128xf32, #tpu.memory_space<vmem>>, vector<1x16xf32>,
        %swap3A_1008 = vector.shape_cast %swap3A_1007 : vector<1x16xf32> to vector<16xf32>
        %swap3A_1009 = vector.shape_cast %get3A_761 : vector<16xf32> to vector<1x16xf32>
        tpu.vector_store %arg8[%swap3A_1005, %swap3A_1006], %swap3A_1009 {add = true, strides = array<i32>} : memref<128x128xf32, #tpu.memory_space<vmem>>, vector<1x16xf32>,
        %swap3A_1010 = arith.index_cast %scan3A_999 : i32 to index
        %swap3A_1011 = arith.constant 32 : index
        %swap3A_1012 = tpu.vector_load %arg8[%swap3A_1010, %swap3A_1011] {strides = array<i32>} : memref<128x128xf32, #tpu.memory_space<vmem>>, vector<1x16xf32>,
        %swap3A_1013 = vector.shape_cast %swap3A_1012 : vector<1x16xf32> to vector<16xf32>
        %swap3A_1014 = vector.shape_cast %get3A_765 : vector<16xf32> to vector<1x16xf32>
        tpu.vector_store %arg8[%swap3A_1010, %swap3A_1011], %swap3A_1014 {add = true, strides = array<i32>} : memref<128x128xf32, #tpu.memory_space<vmem>>, vector<1x16xf32>,
        %swap3A_1015 = arith.index_cast %scan3A_999 : i32 to index
        %swap3A_1016 = arith.constant 48 : index
        %swap3A_1017 = tpu.vector_load %arg8[%swap3A_1015, %swap3A_1016] {strides = array<i32>} : memref<128x128xf32, #tpu.memory_space<vmem>>, vector<1x16xf32>,
        %swap3A_1018 = vector.shape_cast %swap3A_1017 : vector<1x16xf32> to vector<16xf32>
        %swap3A_1019 = vector.shape_cast %get3A_769 : vector<16xf32> to vector<1x16xf32>
        tpu.vector_store %arg8[%swap3A_1015, %swap3A_1016], %swap3A_1019 {add = true, strides = array<i32>} : memref<128x128xf32, #tpu.memory_space<vmem>>, vector<1x16xf32>,
        %swap3A_1020 = arith.index_cast %scan3A_999 : i32 to index
        %swap3A_1021 = arith.constant 64 : index
        %swap3A_1022 = tpu.vector_load %arg8[%swap3A_1020, %swap3A_1021] {strides = array<i32>} : memref<128x128xf32, #tpu.memory_space<vmem>>, vector<1x16xf32>,
        %swap3A_1023 = vector.shape_cast %swap3A_1022 : vector<1x16xf32> to vector<16xf32>
        %swap3A_1024 = vector.shape_cast %get3A_773 : vector<16xf32> to vector<1x16xf32>
        tpu.vector_store %arg8[%swap3A_1020, %swap3A_1021], %swap3A_1024 {add = true, strides = array<i32>} : memref<128x128xf32, #tpu.memory_space<vmem>>, vector<1x16xf32>,
        %swap3A_1025 = arith.index_cast %scan3A_999 : i32 to index
        %swap3A_1026 = arith.constant 80 : index
        %swap3A_1027 = tpu.vector_load %arg8[%swap3A_1025, %swap3A_1026] {strides = array<i32>} : memref<128x128xf32, #tpu.memory_space<vmem>>, vector<1x16xf32>,
        %swap3A_1028 = vector.shape_cast %swap3A_1027 : vector<1x16xf32> to vector<16xf32>
        %swap3A_1029 = vector.shape_cast %get3A_777 : vector<16xf32> to vector<1x16xf32>
        tpu.vector_store %arg8[%swap3A_1025, %swap3A_1026], %swap3A_1029 {add = true, strides = array<i32>} : memref<128x128xf32, #tpu.memory_space<vmem>>, vector<1x16xf32>,
        %swap3A_1030 = arith.index_cast %scan3A_999 : i32 to index
        %swap3A_1031 = arith.constant 96 : index
        %swap3A_1032 = tpu.vector_load %arg8[%swap3A_1030, %swap3A_1031] {strides = array<i32>} : memref<128x128xf32, #tpu.memory_space<vmem>>, vector<1x16xf32>,
        %swap3A_1033 = vector.shape_cast %swap3A_1032 : vector<1x16xf32> to vector<16xf32>
        %swap3A_1034 = vector.shape_cast %get3A_781 : vector<16xf32> to vector<1x16xf32>
        tpu.vector_store %arg8[%swap3A_1030, %swap3A_1031], %swap3A_1034 {add = true, strides = array<i32>} : memref<128x128xf32, #tpu.memory_space<vmem>>, vector<1x16xf32>,
        %swap3A_1035 = arith.index_cast %scan3A_999 : i32 to index
        %swap3A_1036 = arith.constant 112 : index
        %swap3A_1037 = tpu.vector_load %arg8[%swap3A_1035, %swap3A_1036] {strides = array<i32>} : memref<128x128xf32, #tpu.memory_space<vmem>>, vector<1x16xf32>,
        %swap3A_1038 = vector.shape_cast %swap3A_1037 : vector<1x16xf32> to vector<16xf32>
        %swap3A_1039 = vector.shape_cast %get3A_785 : vector<16xf32> to vector<1x16xf32>
        tpu.vector_store %arg8[%swap3A_1035, %swap3A_1036], %swap3A_1039 {add = true, strides = array<i32>} : memref<128x128xf32, #tpu.memory_space<vmem>>, vector<1x16xf32>,
        %scan3A_1040 = arith.constant 0 : i32
        %scan3A_1041 = arith.constant 3 : i32
        %scan3A_1042 = arith.addi %scan3A_913, %scan3A_1041 : i32
        %swap3A_1043 = arith.index_cast %scan3A_1042 : i32 to index
        %swap3A_1044 = arith.constant 0 : index
        %swap3A_1045 = tpu.vector_load %arg8[%swap3A_1043, %swap3A_1044] {strides = array<i32>} : memref<128x128xf32, #tpu.memory_space<vmem>>, vector<1x16xf32>,
        %swap3A_1046 = vector.shape_cast %swap3A_1045 : vector<1x16xf32> to vector<16xf32>
        %swap3A_1047 = vector.shape_cast %get3A_757 : vector<16xf32> to vector<1x16xf32>
        tpu.vector_store %arg8[%swap3A_1043, %swap3A_1044], %swap3A_1047 {add = true, strides = array<i32>} : memref<128x128xf32, #tpu.memory_space<vmem>>, vector<1x16xf32>,
        %swap3A_1048 = arith.index_cast %scan3A_1042 : i32 to index
        %swap3A_1049 = arith.constant 16 : index
        %swap3A_1050 = tpu.vector_load %arg8[%swap3A_1048, %swap3A_1049] {strides = array<i32>} : memref<128x128xf32, #tpu.memory_space<vmem>>, vector<1x16xf32>,
        %swap3A_1051 = vector.shape_cast %swap3A_1050 : vector<1x16xf32> to vector<16xf32>
        %swap3A_1052 = vector.shape_cast %get3A_761 : vector<16xf32> to vector<1x16xf32>
        tpu.vector_store %arg8[%swap3A_1048, %swap3A_1049], %swap3A_1052 {add = true, strides = array<i32>} : memref<128x128xf32, #tpu.memory_space<vmem>>, vector<1x16xf32>,
        %swap3A_1053 = arith.index_cast %scan3A_1042 : i32 to index
        %swap3A_1054 = arith.constant 32 : index
        %swap3A_1055 = tpu.vector_load %arg8[%swap3A_1053, %swap3A_1054] {strides = array<i32>} : memref<128x128xf32, #tpu.memory_space<vmem>>, vector<1x16xf32>,
        %swap3A_1056 = vector.shape_cast %swap3A_1055 : vector<1x16xf32> to vector<16xf32>
        %swap3A_1057 = vector.shape_cast %get3A_765 : vector<16xf32> to vector<1x16xf32>
        tpu.vector_store %arg8[%swap3A_1053, %swap3A_1054], %swap3A_1057 {add = true, strides = array<i32>} : memref<128x128xf32, #tpu.memory_space<vmem>>, vector<1x16xf32>,
        %swap3A_1058 = arith.index_cast %scan3A_1042 : i32 to index
        %swap3A_1059 = arith.constant 48 : index
        %swap3A_1060 = tpu.vector_load %arg8[%swap3A_1058, %swap3A_1059] {strides = array<i32>} : memref<128x128xf32, #tpu.memory_space<vmem>>, vector<1x16xf32>,
        %swap3A_1061 = vector.shape_cast %swap3A_1060 : vector<1x16xf32> to vector<16xf32>
        %swap3A_1062 = vector.shape_cast %get3A_769 : vector<16xf32> to vector<1x16xf32>
        tpu.vector_store %arg8[%swap3A_1058, %swap3A_1059], %swap3A_1062 {add = true, strides = array<i32>} : memref<128x128xf32, #tpu.memory_space<vmem>>, vector<1x16xf32>,
        %swap3A_1063 = arith.index_cast %scan3A_1042 : i32 to index
        %swap3A_1064 = arith.constant 64 : index
        %swap3A_1065 = tpu.vector_load %arg8[%swap3A_1063, %swap3A_1064] {strides = array<i32>} : memref<128x128xf32, #tpu.memory_space<vmem>>, vector<1x16xf32>,
        %swap3A_1066 = vector.shape_cast %swap3A_1065 : vector<1x16xf32> to vector<16xf32>
        %swap3A_1067 = vector.shape_cast %get3A_773 : vector<16xf32> to vector<1x16xf32>
        tpu.vector_store %arg8[%swap3A_1063, %swap3A_1064], %swap3A_1067 {add = true, strides = array<i32>} : memref<128x128xf32, #tpu.memory_space<vmem>>, vector<1x16xf32>,
        %swap3A_1068 = arith.index_cast %scan3A_1042 : i32 to index
        %swap3A_1069 = arith.constant 80 : index
        %swap3A_1070 = tpu.vector_load %arg8[%swap3A_1068, %swap3A_1069] {strides = array<i32>} : memref<128x128xf32, #tpu.memory_space<vmem>>, vector<1x16xf32>,
        %swap3A_1071 = vector.shape_cast %swap3A_1070 : vector<1x16xf32> to vector<16xf32>
        %swap3A_1072 = vector.shape_cast %get3A_777 : vector<16xf32> to vector<1x16xf32>
        tpu.vector_store %arg8[%swap3A_1068, %swap3A_1069], %swap3A_1072 {add = true, strides = array<i32>} : memref<128x128xf32, #tpu.memory_space<vmem>>, vector<1x16xf32>,
        %swap3A_1073 = arith.index_cast %scan3A_1042 : i32 to index
        %swap3A_1074 = arith.constant 96 : index
        %swap3A_1075 = tpu.vector_load %arg8[%swap3A_1073, %swap3A_1074] {strides = array<i32>} : memref<128x128xf32, #tpu.memory_space<vmem>>, vector<1x16xf32>,
        %swap3A_1076 = vector.shape_cast %swap3A_1075 : vector<1x16xf32> to vector<16xf32>
        %swap3A_1077 = vector.shape_cast %get3A_781 : vector<16xf32> to vector<1x16xf32>
        tpu.vector_store %arg8[%swap3A_1073, %swap3A_1074], %swap3A_1077 {add = true, strides = array<i32>} : memref<128x128xf32, #tpu.memory_space<vmem>>, vector<1x16xf32>,
        %swap3A_1078 = arith.index_cast %scan3A_1042 : i32 to index
        %swap3A_1079 = arith.constant 112 : index
        %swap3A_1080 = tpu.vector_load %arg8[%swap3A_1078, %swap3A_1079] {strides = array<i32>} : memref<128x128xf32, #tpu.memory_space<vmem>>, vector<1x16xf32>,
        %swap3A_1081 = vector.shape_cast %swap3A_1080 : vector<1x16xf32> to vector<16xf32>
        %swap3A_1082 = vector.shape_cast %get3A_785 : vector<16xf32> to vector<1x16xf32>
        tpu.vector_store %arg8[%swap3A_1078, %swap3A_1079], %swap3A_1082 {add = true, strides = array<i32>} : memref<128x128xf32, #tpu.memory_space<vmem>>, vector<1x16xf32>,
        %scan3A_1083 = arith.constant 0 : i32
        scf.yield %scan3A_1083 : i32
      }
      %scan3A_792 = arith.constant 128 : i32
      %mul3A_793 = arith.constant 128 : i32
      %mul3A_794 = arith.muli %add3A_691, %mul3A_793 : i32
      %add3A_795 = arith.addi %mul3A_2, %mul3A_794 : i32
      %dma_start3A_796 = arith.constant 0 : i32
      %dma_start3A_797 = tpu.memref_slice %arg4[%add3A_795, %dma_start3A_796] : memref<409600x128xf32, #tpu.memory_space<hbm>> -> memref<128x128xf32, #tpu.memory_space<hbm>>
      %dma_start3A_798 = arith.constant 0 : i32
      %dma_start3A_799 = tpu.memref_slice %arg4[%add3A_795, %dma_start3A_798] : memref<409600x128xf32, #tpu.memory_space<hbm>> -> memref<128x128xf32, #tpu.memory_space<hbm>>
      tpu.enqueue_dma source(%arg8 : memref<128x128xf32, #tpu.memory_space<vmem>>) target(%dma_start3A_799 : memref<128x128xf32, #tpu.memory_space<hbm>>) target_semaphore(%arg16 : memref<!tpu.dma_semaphore, #tpu.memory_space<semaphore_mem>>)
      %mul3A_800 = arith.constant 4 : i32
      %mul3A_801 = arith.muli %scan3A_464, %mul3A_800 : i32
      %add3A_802 = arith.constant 3 : i32
      %add3A_803 = arith.addi %mul3A_801, %add3A_802 : i32
      %add3A_804 = arith.constant 2 : i32
      %add3A_805 = arith.addi %add3A_803, %add3A_804 : i32
      %dma_wait3A_806 = arith.constant 0 : i32
      %dma_wait3A_807 = arith.constant 0 : i32
      %dma_wait3A_808 = tpu.memref_slice %arg4[%dma_wait3A_806, %dma_wait3A_807] : memref<409600x128xf32, #tpu.memory_space<hbm>> -> memref<128x128xf32, #tpu.memory_space<hbm>>
      %dma_wait3A_809 = arith.constant 0 : i32
      %dma_wait3A_810 = arith.constant 0 : i32
      %dma_wait3A_811 = tpu.memref_slice %arg4[%dma_wait3A_809, %dma_wait3A_810] : memref<409600x128xf32, #tpu.memory_space<hbm>> -> memref<128x128xf32, #tpu.memory_space<hbm>>
      tpu.wait_dma2 semaphore(%arg15 : memref<!tpu.dma_semaphore, #tpu.memory_space<semaphore_mem>>) src(%arg7 : memref<128x128xf32, #tpu.memory_space<vmem>>) dst(%dma_wait3A_811 : memref<128x128xf32, #tpu.memory_space<hbm>>)
      %lt3A_812 = arith.constant 100 : i32
      %lt3A_813 = arith.cmpi slt, %add3A_805, %lt3A_812 : i32
      %convert_element_type3A_814 = arith.extui %lt3A_813 : i1 to i32
      %cond3A_815 = arith.constant 0 : i32
      %cond3A_816 = arith.cmpi ne, %convert_element_type3A_814, %cond3A_815 : i32
      scf.if %cond3A_816 {
        %mul3A_913 = arith.constant 128 : i32
        %mul3A_914 = arith.muli %add3A_805, %mul3A_913 : i32
        %add3A_915 = arith.addi %mul3A_2, %mul3A_914 : i32
        %dma_start3A_916 = arith.constant 0 : i32
        %dma_start3A_917 = tpu.memref_slice %arg2[%add3A_915, %dma_start3A_916] : memref<409600x128xf32, #tpu.memory_space<hbm>> -> memref<128x128xf32, #tpu.memory_space<hbm>>
        %dma_start3A_918 = arith.constant 0 : i32
        %dma_start3A_919 = tpu.memref_slice %arg2[%add3A_915, %dma_start3A_918] : memref<409600x128xf32, #tpu.memory_space<hbm>> -> memref<128x128xf32, #tpu.memory_space<hbm>>
        tpu.enqueue_dma source(%dma_start3A_919 : memref<128x128xf32, #tpu.memory_space<hbm>>) target(%arg7 : memref<128x128xf32, #tpu.memory_space<vmem>>) target_semaphore(%arg11 : memref<!tpu.dma_semaphore, #tpu.memory_space<semaphore_mem>>)
      } else {
      }
      %dma_wait3A_817 = arith.constant 0 : i32
      %dma_wait3A_818 = arith.constant 0 : i32
      %dma_wait3A_819 = tpu.memref_slice %arg2[%dma_wait3A_817, %dma_wait3A_818] : memref<409600x128xf32, #tpu.memory_space<hbm>> -> memref<128x128xf32, #tpu.memory_space<hbm>>
      %dma_wait3A_820 = arith.constant 0 : i32
      %dma_wait3A_821 = arith.constant 0 : i32
      %dma_wait3A_822 = tpu.memref_slice %arg2[%dma_wait3A_820, %dma_wait3A_821] : memref<409600x128xf32, #tpu.memory_space<hbm>> -> memref<128x128xf32, #tpu.memory_space<hbm>>
      tpu.wait_dma2 semaphore(%arg13 : memref<!tpu.dma_semaphore, #tpu.memory_space<semaphore_mem>>) src(%dma_wait3A_822 : memref<128x128xf32, #tpu.memory_space<hbm>>) dst(%arg9 : memref<128x128xf32, #tpu.memory_space<vmem>>)
      %mul3A_823 = arith.constant 128 : i32
      %mul3A_824 = arith.muli %add3A_803, %mul3A_823 : i32
      %add3A_825 = arith.addi %mul3A_2, %mul3A_824 : i32
      %jit3A_826 = arith.constant 1024 : i32
      %div3A_827 = arith.divsi %add3A_825, %jit3A_826 : i32
      %sign3A_828 = arith.constant 0 : i32
      %sign3A_829 = arith.cmpi sgt, %add3A_825, %sign3A_828 : i32
      %sign3A_830 = arith.extui %sign3A_829 : i1 to i32
      %sign3A_831 = arith.constant 0 : i32
      %sign3A_832 = arith.cmpi slt, %add3A_825, %sign3A_831 : i32
      %sign3A_833 = arith.extui %sign3A_832 : i1 to i32
      %sign3A_834 = arith.subi %sign3A_830, %sign3A_833 : i32
      %sign3A_835 = arith.constant 0 : i32
      %sign3A_836 = arith.cmpi sgt, %jit3A_826, %sign3A_835 : i32
      %sign3A_837 = arith.extui %sign3A_836 : i1 to i32
      %sign3A_838 = arith.constant 0 : i32
      %sign3A_839 = arith.cmpi slt, %jit3A_826, %sign3A_838 : i32
      %sign3A_840 = arith.extui %sign3A_839 : i1 to i32
      %sign3A_841 = arith.subi %sign3A_837, %sign3A_840 : i32
      %ne3A_842 = arith.cmpi ne, %sign3A_834, %sign3A_841 : i32
      %rem3A_843 = arith.remsi %add3A_825, %jit3A_826 : i32
      %ne3A_844 = arith.constant 0 : i32
      %ne3A_845 = arith.cmpi ne, %rem3A_843, %ne3A_844 : i32
      %and3A_846 = arith.andi %ne3A_842, %ne3A_845 : i1
      %sub3A_847 = arith.constant 1 : i32
      %sub3A_848 = arith.subi %div3A_827, %sub3A_847 : i32
      %select_n3A_849 = arith.select %and3A_846, %sub3A_848, %div3A_827 : i32
      %jit3A_850 = arith.constant 50 : i32
      %eq3A_851 = arith.constant 0 : i32
      %eq3A_852 = arith.cmpi eq, %jit3A_850, %eq3A_851 : i32
      %jit3A_853 = arith.constant 1 : i32
      %select_n3A_854 = arith.select %eq3A_852, %jit3A_853, %jit3A_850 : i32
      %rem3A_855 = arith.remsi %select_n3A_849, %select_n3A_854 : i32
      %ne3A_856 = arith.constant 0 : i32
      %ne3A_857 = arith.cmpi ne, %rem3A_855, %ne3A_856 : i32
      %lt3A_858 = arith.constant 0 : i32
      %lt3A_859 = arith.cmpi slt, %rem3A_855, %lt3A_858 : i32
      %lt3A_860 = arith.constant 0 : i32
      %lt3A_861 = arith.cmpi slt, %select_n3A_854, %lt3A_860 : i32
      %ne3A_862 = arith.xori %lt3A_859, %lt3A_861 : i1
      %and3A_863 = arith.andi %ne3A_862, %ne3A_857 : i1
      %add3A_864 = arith.addi %rem3A_855, %select_n3A_854 : i32
      %select_n3A_865 = arith.select %and3A_863, %add3A_864, %rem3A_855 : i32
      %get3A_866 = arith.index_cast %select_n3A_865 : i32 to index
      %get3A_867 = arith.constant 0 : index
      %get3A_868 = tpu.vector_load %arg5[%get3A_866, %get3A_867] {strides = array<i32>} : memref<50x128xf32, #tpu.memory_space<vmem>>, vector<1x16xf32>,
      %get3A_869 = vector.shape_cast %get3A_868 : vector<1x16xf32> to vector<16xf32>
      %get3A_870 = arith.index_cast %select_n3A_865 : i32 to index
      %get3A_871 = arith.constant 16 : index
      %get3A_872 = tpu.vector_load %arg5[%get3A_870, %get3A_871] {strides = array<i32>} : memref<50x128xf32, #tpu.memory_space<vmem>>, vector<1x16xf32>,
      %get3A_873 = vector.shape_cast %get3A_872 : vector<1x16xf32> to vector<16xf32>
      %get3A_874 = arith.index_cast %select_n3A_865 : i32 to index
      %get3A_875 = arith.constant 32 : index
      %get3A_876 = tpu.vector_load %arg5[%get3A_874, %get3A_875] {strides = array<i32>} : memref<50x128xf32, #tpu.memory_space<vmem>>, vector<1x16xf32>,
      %get3A_877 = vector.shape_cast %get3A_876 : vector<1x16xf32> to vector<16xf32>
      %get3A_878 = arith.index_cast %select_n3A_865 : i32 to index
      %get3A_879 = arith.constant 48 : index
      %get3A_880 = tpu.vector_load %arg5[%get3A_878, %get3A_879] {strides = array<i32>} : memref<50x128xf32, #tpu.memory_space<vmem>>, vector<1x16xf32>,
      %get3A_881 = vector.shape_cast %get3A_880 : vector<1x16xf32> to vector<16xf32>
      %get3A_882 = arith.index_cast %select_n3A_865 : i32 to index
      %get3A_883 = arith.constant 64 : index
      %get3A_884 = tpu.vector_load %arg5[%get3A_882, %get3A_883] {strides = array<i32>} : memref<50x128xf32, #tpu.memory_space<vmem>>, vector<1x16xf32>,
      %get3A_885 = vector.shape_cast %get3A_884 : vector<1x16xf32> to vector<16xf32>
      %get3A_886 = arith.index_cast %select_n3A_865 : i32 to index
      %get3A_887 = arith.constant 80 : index
      %get3A_888 = tpu.vector_load %arg5[%get3A_886, %get3A_887] {strides = array<i32>} : memref<50x128xf32, #tpu.memory_space<vmem>>, vector<1x16xf32>,
      %get3A_889 = vector.shape_cast %get3A_888 : vector<1x16xf32> to vector<16xf32>
      %get3A_890 = arith.index_cast %select_n3A_865 : i32 to index
      %get3A_891 = arith.constant 96 : index
      %get3A_892 = tpu.vector_load %arg5[%get3A_890, %get3A_891] {strides = array<i32>} : memref<50x128xf32, #tpu.memory_space<vmem>>, vector<1x16xf32>,
      %get3A_893 = vector.shape_cast %get3A_892 : vector<1x16xf32> to vector<16xf32>
      %get3A_894 = arith.index_cast %select_n3A_865 : i32 to index
      %get3A_895 = arith.constant 112 : index
      %get3A_896 = tpu.vector_load %arg5[%get3A_894, %get3A_895] {strides = array<i32>} : memref<50x128xf32, #tpu.memory_space<vmem>>, vector<1x16xf32>,
      %get3A_897 = vector.shape_cast %get3A_896 : vector<1x16xf32> to vector<16xf32>
      %scan3A_898 = arith.constant 0 : i32
      %scan3A_899 = arith.constant 0 : i32
      %scan3A_900 = arith.constant 128 : i32
      %scan3A_901 = arith.addi %scan3A_899, %scan3A_900 : i32
      %scan3A_902 = arith.constant 4 : i32
      %scan3A_903 = scf.for %scan3A_913 = %scan3A_899 to %scan3A_901 step %scan3A_902 iter_args(%scan3A_914 = %scan3A_898) -> (i32)  : i32 {
        %swap3A = arith.index_cast %scan3A_913 : i32 to index
        %swap3A_915 = arith.constant 0 : index
        %swap3A_916 = tpu.vector_load %arg9[%swap3A, %swap3A_915] {strides = array<i32>} : memref<128x128xf32, #tpu.memory_space<vmem>>, vector<1x16xf32>,
        %swap3A_917 = vector.shape_cast %swap3A_916 : vector<1x16xf32> to vector<16xf32>
        %swap3A_918 = vector.shape_cast %get3A_869 : vector<16xf32> to vector<1x16xf32>
        tpu.vector_store %arg9[%swap3A, %swap3A_915], %swap3A_918 {add = true, strides = array<i32>} : memref<128x128xf32, #tpu.memory_space<vmem>>, vector<1x16xf32>,
        %swap3A_919 = arith.index_cast %scan3A_913 : i32 to index
        %swap3A_920 = arith.constant 16 : index
        %swap3A_921 = tpu.vector_load %arg9[%swap3A_919, %swap3A_920] {strides = array<i32>} : memref<128x128xf32, #tpu.memory_space<vmem>>, vector<1x16xf32>,
        %swap3A_922 = vector.shape_cast %swap3A_921 : vector<1x16xf32> to vector<16xf32>
        %swap3A_923 = vector.shape_cast %get3A_873 : vector<16xf32> to vector<1x16xf32>
        tpu.vector_store %arg9[%swap3A_919, %swap3A_920], %swap3A_923 {add = true, strides = array<i32>} : memref<128x128xf32, #tpu.memory_space<vmem>>, vector<1x16xf32>,
        %swap3A_924 = arith.index_cast %scan3A_913 : i32 to index
        %swap3A_925 = arith.constant 32 : index
        %swap3A_926 = tpu.vector_load %arg9[%swap3A_924, %swap3A_925] {strides = array<i32>} : memref<128x128xf32, #tpu.memory_space<vmem>>, vector<1x16xf32>,
        %swap3A_927 = vector.shape_cast %swap3A_926 : vector<1x16xf32> to vector<16xf32>
        %swap3A_928 = vector.shape_cast %get3A_877 : vector<16xf32> to vector<1x16xf32>
        tpu.vector_store %arg9[%swap3A_924, %swap3A_925], %swap3A_928 {add = true, strides = array<i32>} : memref<128x128xf32, #tpu.memory_space<vmem>>, vector<1x16xf32>,
        %swap3A_929 = arith.index_cast %scan3A_913 : i32 to index
        %swap3A_930 = arith.constant 48 : index
        %swap3A_931 = tpu.vector_load %arg9[%swap3A_929, %swap3A_930] {strides = array<i32>} : memref<128x128xf32, #tpu.memory_space<vmem>>, vector<1x16xf32>,
        %swap3A_932 = vector.shape_cast %swap3A_931 : vector<1x16xf32> to vector<16xf32>
        %swap3A_933 = vector.shape_cast %get3A_881 : vector<16xf32> to vector<1x16xf32>
        tpu.vector_store %arg9[%swap3A_929, %swap3A_930], %swap3A_933 {add = true, strides = array<i32>} : memref<128x128xf32, #tpu.memory_space<vmem>>, vector<1x16xf32>,
        %swap3A_934 = arith.index_cast %scan3A_913 : i32 to index
        %swap3A_935 = arith.constant 64 : index
        %swap3A_936 = tpu.vector_load %arg9[%swap3A_934, %swap3A_935] {strides = array<i32>} : memref<128x128xf32, #tpu.memory_space<vmem>>, vector<1x16xf32>,
        %swap3A_937 = vector.shape_cast %swap3A_936 : vector<1x16xf32> to vector<16xf32>
        %swap3A_938 = vector.shape_cast %get3A_885 : vector<16xf32> to vector<1x16xf32>
        tpu.vector_store %arg9[%swap3A_934, %swap3A_935], %swap3A_938 {add = true, strides = array<i32>} : memref<128x128xf32, #tpu.memory_space<vmem>>, vector<1x16xf32>,
        %swap3A_939 = arith.index_cast %scan3A_913 : i32 to index
        %swap3A_940 = arith.constant 80 : index
        %swap3A_941 = tpu.vector_load %arg9[%swap3A_939, %swap3A_940] {strides = array<i32>} : memref<128x128xf32, #tpu.memory_space<vmem>>, vector<1x16xf32>,
        %swap3A_942 = vector.shape_cast %swap3A_941 : vector<1x16xf32> to vector<16xf32>
        %swap3A_943 = vector.shape_cast %get3A_889 : vector<16xf32> to vector<1x16xf32>
        tpu.vector_store %arg9[%swap3A_939, %swap3A_940], %swap3A_943 {add = true, strides = array<i32>} : memref<128x128xf32, #tpu.memory_space<vmem>>, vector<1x16xf32>,
        %swap3A_944 = arith.index_cast %scan3A_913 : i32 to index
        %swap3A_945 = arith.constant 96 : index
        %swap3A_946 = tpu.vector_load %arg9[%swap3A_944, %swap3A_945] {strides = array<i32>} : memref<128x128xf32, #tpu.memory_space<vmem>>, vector<1x16xf32>,
        %swap3A_947 = vector.shape_cast %swap3A_946 : vector<1x16xf32> to vector<16xf32>
        %swap3A_948 = vector.shape_cast %get3A_893 : vector<16xf32> to vector<1x16xf32>
        tpu.vector_store %arg9[%swap3A_944, %swap3A_945], %swap3A_948 {add = true, strides = array<i32>} : memref<128x128xf32, #tpu.memory_space<vmem>>, vector<1x16xf32>,
        %swap3A_949 = arith.index_cast %scan3A_913 : i32 to index
        %swap3A_950 = arith.constant 112 : index
        %swap3A_951 = tpu.vector_load %arg9[%swap3A_949, %swap3A_950] {strides = array<i32>} : memref<128x128xf32, #tpu.memory_space<vmem>>, vector<1x16xf32>,
        %swap3A_952 = vector.shape_cast %swap3A_951 : vector<1x16xf32> to vector<16xf32>
        %swap3A_953 = vector.shape_cast %get3A_897 : vector<16xf32> to vector<1x16xf32>
        tpu.vector_store %arg9[%swap3A_949, %swap3A_950], %swap3A_953 {add = true, strides = array<i32>} : memref<128x128xf32, #tpu.memory_space<vmem>>, vector<1x16xf32>,
        %scan3A_954 = arith.constant 0 : i32
        %scan3A_955 = arith.constant 1 : i32
        %scan3A_956 = arith.addi %scan3A_913, %scan3A_955 : i32
        %swap3A_957 = arith.index_cast %scan3A_956 : i32 to index
        %swap3A_958 = arith.constant 0 : index
        %swap3A_959 = tpu.vector_load %arg9[%swap3A_957, %swap3A_958] {strides = array<i32>} : memref<128x128xf32, #tpu.memory_space<vmem>>, vector<1x16xf32>,
        %swap3A_960 = vector.shape_cast %swap3A_959 : vector<1x16xf32> to vector<16xf32>
        %swap3A_961 = vector.shape_cast %get3A_869 : vector<16xf32> to vector<1x16xf32>
        tpu.vector_store %arg9[%swap3A_957, %swap3A_958], %swap3A_961 {add = true, strides = array<i32>} : memref<128x128xf32, #tpu.memory_space<vmem>>, vector<1x16xf32>,
        %swap3A_962 = arith.index_cast %scan3A_956 : i32 to index
        %swap3A_963 = arith.constant 16 : index
        %swap3A_964 = tpu.vector_load %arg9[%swap3A_962, %swap3A_963] {strides = array<i32>} : memref<128x128xf32, #tpu.memory_space<vmem>>, vector<1x16xf32>,
        %swap3A_965 = vector.shape_cast %swap3A_964 : vector<1x16xf32> to vector<16xf32>
        %swap3A_966 = vector.shape_cast %get3A_873 : vector<16xf32> to vector<1x16xf32>
        tpu.vector_store %arg9[%swap3A_962, %swap3A_963], %swap3A_966 {add = true, strides = array<i32>} : memref<128x128xf32, #tpu.memory_space<vmem>>, vector<1x16xf32>,
        %swap3A_967 = arith.index_cast %scan3A_956 : i32 to index
        %swap3A_968 = arith.constant 32 : index
        %swap3A_969 = tpu.vector_load %arg9[%swap3A_967, %swap3A_968] {strides = array<i32>} : memref<128x128xf32, #tpu.memory_space<vmem>>, vector<1x16xf32>,
        %swap3A_970 = vector.shape_cast %swap3A_969 : vector<1x16xf32> to vector<16xf32>
        %swap3A_971 = vector.shape_cast %get3A_877 : vector<16xf32> to vector<1x16xf32>
        tpu.vector_store %arg9[%swap3A_967, %swap3A_968], %swap3A_971 {add = true, strides = array<i32>} : memref<128x128xf32, #tpu.memory_space<vmem>>, vector<1x16xf32>,
        %swap3A_972 = arith.index_cast %scan3A_956 : i32 to index
        %swap3A_973 = arith.constant 48 : index
        %swap3A_974 = tpu.vector_load %arg9[%swap3A_972, %swap3A_973] {strides = array<i32>} : memref<128x128xf32, #tpu.memory_space<vmem>>, vector<1x16xf32>,
        %swap3A_975 = vector.shape_cast %swap3A_974 : vector<1x16xf32> to vector<16xf32>
        %swap3A_976 = vector.shape_cast %get3A_881 : vector<16xf32> to vector<1x16xf32>
        tpu.vector_store %arg9[%swap3A_972, %swap3A_973], %swap3A_976 {add = true, strides = array<i32>} : memref<128x128xf32, #tpu.memory_space<vmem>>, vector<1x16xf32>,
        %swap3A_977 = arith.index_cast %scan3A_956 : i32 to index
        %swap3A_978 = arith.constant 64 : index
        %swap3A_979 = tpu.vector_load %arg9[%swap3A_977, %swap3A_978] {strides = array<i32>} : memref<128x128xf32, #tpu.memory_space<vmem>>, vector<1x16xf32>,
        %swap3A_980 = vector.shape_cast %swap3A_979 : vector<1x16xf32> to vector<16xf32>
        %swap3A_981 = vector.shape_cast %get3A_885 : vector<16xf32> to vector<1x16xf32>
        tpu.vector_store %arg9[%swap3A_977, %swap3A_978], %swap3A_981 {add = true, strides = array<i32>} : memref<128x128xf32, #tpu.memory_space<vmem>>, vector<1x16xf32>,
        %swap3A_982 = arith.index_cast %scan3A_956 : i32 to index
        %swap3A_983 = arith.constant 80 : index
        %swap3A_984 = tpu.vector_load %arg9[%swap3A_982, %swap3A_983] {strides = array<i32>} : memref<128x128xf32, #tpu.memory_space<vmem>>, vector<1x16xf32>,
        %swap3A_985 = vector.shape_cast %swap3A_984 : vector<1x16xf32> to vector<16xf32>
        %swap3A_986 = vector.shape_cast %get3A_889 : vector<16xf32> to vector<1x16xf32>
        tpu.vector_store %arg9[%swap3A_982, %swap3A_983], %swap3A_986 {add = true, strides = array<i32>} : memref<128x128xf32, #tpu.memory_space<vmem>>, vector<1x16xf32>,
        %swap3A_987 = arith.index_cast %scan3A_956 : i32 to index
        %swap3A_988 = arith.constant 96 : index
        %swap3A_989 = tpu.vector_load %arg9[%swap3A_987, %swap3A_988] {strides = array<i32>} : memref<128x128xf32, #tpu.memory_space<vmem>>, vector<1x16xf32>,
        %swap3A_990 = vector.shape_cast %swap3A_989 : vector<1x16xf32> to vector<16xf32>
        %swap3A_991 = vector.shape_cast %get3A_893 : vector<16xf32> to vector<1x16xf32>
        tpu.vector_store %arg9[%swap3A_987, %swap3A_988], %swap3A_991 {add = true, strides = array<i32>} : memref<128x128xf32, #tpu.memory_space<vmem>>, vector<1x16xf32>,
        %swap3A_992 = arith.index_cast %scan3A_956 : i32 to index
        %swap3A_993 = arith.constant 112 : index
        %swap3A_994 = tpu.vector_load %arg9[%swap3A_992, %swap3A_993] {strides = array<i32>} : memref<128x128xf32, #tpu.memory_space<vmem>>, vector<1x16xf32>,
        %swap3A_995 = vector.shape_cast %swap3A_994 : vector<1x16xf32> to vector<16xf32>
        %swap3A_996 = vector.shape_cast %get3A_897 : vector<16xf32> to vector<1x16xf32>
        tpu.vector_store %arg9[%swap3A_992, %swap3A_993], %swap3A_996 {add = true, strides = array<i32>} : memref<128x128xf32, #tpu.memory_space<vmem>>, vector<1x16xf32>,
        %scan3A_997 = arith.constant 0 : i32
        %scan3A_998 = arith.constant 2 : i32
        %scan3A_999 = arith.addi %scan3A_913, %scan3A_998 : i32
        %swap3A_1000 = arith.index_cast %scan3A_999 : i32 to index
        %swap3A_1001 = arith.constant 0 : index
        %swap3A_1002 = tpu.vector_load %arg9[%swap3A_1000, %swap3A_1001] {strides = array<i32>} : memref<128x128xf32, #tpu.memory_space<vmem>>, vector<1x16xf32>,
        %swap3A_1003 = vector.shape_cast %swap3A_1002 : vector<1x16xf32> to vector<16xf32>
        %swap3A_1004 = vector.shape_cast %get3A_869 : vector<16xf32> to vector<1x16xf32>
        tpu.vector_store %arg9[%swap3A_1000, %swap3A_1001], %swap3A_1004 {add = true, strides = array<i32>} : memref<128x128xf32, #tpu.memory_space<vmem>>, vector<1x16xf32>,
        %swap3A_1005 = arith.index_cast %scan3A_999 : i32 to index
        %swap3A_1006 = arith.constant 16 : index
        %swap3A_1007 = tpu.vector_load %arg9[%swap3A_1005, %swap3A_1006] {strides = array<i32>} : memref<128x128xf32, #tpu.memory_space<vmem>>, vector<1x16xf32>,
        %swap3A_1008 = vector.shape_cast %swap3A_1007 : vector<1x16xf32> to vector<16xf32>
        %swap3A_1009 = vector.shape_cast %get3A_873 : vector<16xf32> to vector<1x16xf32>
        tpu.vector_store %arg9[%swap3A_1005, %swap3A_1006], %swap3A_1009 {add = true, strides = array<i32>} : memref<128x128xf32, #tpu.memory_space<vmem>>, vector<1x16xf32>,
        %swap3A_1010 = arith.index_cast %scan3A_999 : i32 to index
        %swap3A_1011 = arith.constant 32 : index
        %swap3A_1012 = tpu.vector_load %arg9[%swap3A_1010, %swap3A_1011] {strides = array<i32>} : memref<128x128xf32, #tpu.memory_space<vmem>>, vector<1x16xf32>,
        %swap3A_1013 = vector.shape_cast %swap3A_1012 : vector<1x16xf32> to vector<16xf32>
        %swap3A_1014 = vector.shape_cast %get3A_877 : vector<16xf32> to vector<1x16xf32>
        tpu.vector_store %arg9[%swap3A_1010, %swap3A_1011], %swap3A_1014 {add = true, strides = array<i32>} : memref<128x128xf32, #tpu.memory_space<vmem>>, vector<1x16xf32>,
        %swap3A_1015 = arith.index_cast %scan3A_999 : i32 to index
        %swap3A_1016 = arith.constant 48 : index
        %swap3A_1017 = tpu.vector_load %arg9[%swap3A_1015, %swap3A_1016] {strides = array<i32>} : memref<128x128xf32, #tpu.memory_space<vmem>>, vector<1x16xf32>,
        %swap3A_1018 = vector.shape_cast %swap3A_1017 : vector<1x16xf32> to vector<16xf32>
        %swap3A_1019 = vector.shape_cast %get3A_881 : vector<16xf32> to vector<1x16xf32>
        tpu.vector_store %arg9[%swap3A_1015, %swap3A_1016], %swap3A_1019 {add = true, strides = array<i32>} : memref<128x128xf32, #tpu.memory_space<vmem>>, vector<1x16xf32>,
        %swap3A_1020 = arith.index_cast %scan3A_999 : i32 to index
        %swap3A_1021 = arith.constant 64 : index
        %swap3A_1022 = tpu.vector_load %arg9[%swap3A_1020, %swap3A_1021] {strides = array<i32>} : memref<128x128xf32, #tpu.memory_space<vmem>>, vector<1x16xf32>,
        %swap3A_1023 = vector.shape_cast %swap3A_1022 : vector<1x16xf32> to vector<16xf32>
        %swap3A_1024 = vector.shape_cast %get3A_885 : vector<16xf32> to vector<1x16xf32>
        tpu.vector_store %arg9[%swap3A_1020, %swap3A_1021], %swap3A_1024 {add = true, strides = array<i32>} : memref<128x128xf32, #tpu.memory_space<vmem>>, vector<1x16xf32>,
        %swap3A_1025 = arith.index_cast %scan3A_999 : i32 to index
        %swap3A_1026 = arith.constant 80 : index
        %swap3A_1027 = tpu.vector_load %arg9[%swap3A_1025, %swap3A_1026] {strides = array<i32>} : memref<128x128xf32, #tpu.memory_space<vmem>>, vector<1x16xf32>,
        %swap3A_1028 = vector.shape_cast %swap3A_1027 : vector<1x16xf32> to vector<16xf32>
        %swap3A_1029 = vector.shape_cast %get3A_889 : vector<16xf32> to vector<1x16xf32>
        tpu.vector_store %arg9[%swap3A_1025, %swap3A_1026], %swap3A_1029 {add = true, strides = array<i32>} : memref<128x128xf32, #tpu.memory_space<vmem>>, vector<1x16xf32>,
        %swap3A_1030 = arith.index_cast %scan3A_999 : i32 to index
        %swap3A_1031 = arith.constant 96 : index
        %swap3A_1032 = tpu.vector_load %arg9[%swap3A_1030, %swap3A_1031] {strides = array<i32>} : memref<128x128xf32, #tpu.memory_space<vmem>>, vector<1x16xf32>,
        %swap3A_1033 = vector.shape_cast %swap3A_1032 : vector<1x16xf32> to vector<16xf32>
        %swap3A_1034 = vector.shape_cast %get3A_893 : vector<16xf32> to vector<1x16xf32>
        tpu.vector_store %arg9[%swap3A_1030, %swap3A_1031], %swap3A_1034 {add = true, strides = array<i32>} : memref<128x128xf32, #tpu.memory_space<vmem>>, vector<1x16xf32>,
        %swap3A_1035 = arith.index_cast %scan3A_999 : i32 to index
        %swap3A_1036 = arith.constant 112 : index
        %swap3A_1037 = tpu.vector_load %arg9[%swap3A_1035, %swap3A_1036] {strides = array<i32>} : memref<128x128xf32, #tpu.memory_space<vmem>>, vector<1x16xf32>,
        %swap3A_1038 = vector.shape_cast %swap3A_1037 : vector<1x16xf32> to vector<16xf32>
        %swap3A_1039 = vector.shape_cast %get3A_897 : vector<16xf32> to vector<1x16xf32>
        tpu.vector_store %arg9[%swap3A_1035, %swap3A_1036], %swap3A_1039 {add = true, strides = array<i32>} : memref<128x128xf32, #tpu.memory_space<vmem>>, vector<1x16xf32>,
        %scan3A_1040 = arith.constant 0 : i32
        %scan3A_1041 = arith.constant 3 : i32
        %scan3A_1042 = arith.addi %scan3A_913, %scan3A_1041 : i32
        %swap3A_1043 = arith.index_cast %scan3A_1042 : i32 to index
        %swap3A_1044 = arith.constant 0 : index
        %swap3A_1045 = tpu.vector_load %arg9[%swap3A_1043, %swap3A_1044] {strides = array<i32>} : memref<128x128xf32, #tpu.memory_space<vmem>>, vector<1x16xf32>,
        %swap3A_1046 = vector.shape_cast %swap3A_1045 : vector<1x16xf32> to vector<16xf32>
        %swap3A_1047 = vector.shape_cast %get3A_869 : vector<16xf32> to vector<1x16xf32>
        tpu.vector_store %arg9[%swap3A_1043, %swap3A_1044], %swap3A_1047 {add = true, strides = array<i32>} : memref<128x128xf32, #tpu.memory_space<vmem>>, vector<1x16xf32>,
        %swap3A_1048 = arith.index_cast %scan3A_1042 : i32 to index
        %swap3A_1049 = arith.constant 16 : index
        %swap3A_1050 = tpu.vector_load %arg9[%swap3A_1048, %swap3A_1049] {strides = array<i32>} : memref<128x128xf32, #tpu.memory_space<vmem>>, vector<1x16xf32>,
        %swap3A_1051 = vector.shape_cast %swap3A_1050 : vector<1x16xf32> to vector<16xf32>
        %swap3A_1052 = vector.shape_cast %get3A_873 : vector<16xf32> to vector<1x16xf32>
        tpu.vector_store %arg9[%swap3A_1048, %swap3A_1049], %swap3A_1052 {add = true, strides = array<i32>} : memref<128x128xf32, #tpu.memory_space<vmem>>, vector<1x16xf32>,
        %swap3A_1053 = arith.index_cast %scan3A_1042 : i32 to index
        %swap3A_1054 = arith.constant 32 : index
        %swap3A_1055 = tpu.vector_load %arg9[%swap3A_1053, %swap3A_1054] {strides = array<i32>} : memref<128x128xf32, #tpu.memory_space<vmem>>, vector<1x16xf32>,
        %swap3A_1056 = vector.shape_cast %swap3A_1055 : vector<1x16xf32> to vector<16xf32>
        %swap3A_1057 = vector.shape_cast %get3A_877 : vector<16xf32> to vector<1x16xf32>
        tpu.vector_store %arg9[%swap3A_1053, %swap3A_1054], %swap3A_1057 {add = true, strides = array<i32>} : memref<128x128xf32, #tpu.memory_space<vmem>>, vector<1x16xf32>,
        %swap3A_1058 = arith.index_cast %scan3A_1042 : i32 to index
        %swap3A_1059 = arith.constant 48 : index
        %swap3A_1060 = tpu.vector_load %arg9[%swap3A_1058, %swap3A_1059] {strides = array<i32>} : memref<128x128xf32, #tpu.memory_space<vmem>>, vector<1x16xf32>,
        %swap3A_1061 = vector.shape_cast %swap3A_1060 : vector<1x16xf32> to vector<16xf32>
        %swap3A_1062 = vector.shape_cast %get3A_881 : vector<16xf32> to vector<1x16xf32>
        tpu.vector_store %arg9[%swap3A_1058, %swap3A_1059], %swap3A_1062 {add = true, strides = array<i32>} : memref<128x128xf32, #tpu.memory_space<vmem>>, vector<1x16xf32>,
        %swap3A_1063 = arith.index_cast %scan3A_1042 : i32 to index
        %swap3A_1064 = arith.constant 64 : index
        %swap3A_1065 = tpu.vector_load %arg9[%swap3A_1063, %swap3A_1064] {strides = array<i32>} : memref<128x128xf32, #tpu.memory_space<vmem>>, vector<1x16xf32>,
        %swap3A_1066 = vector.shape_cast %swap3A_1065 : vector<1x16xf32> to vector<16xf32>
        %swap3A_1067 = vector.shape_cast %get3A_885 : vector<16xf32> to vector<1x16xf32>
        tpu.vector_store %arg9[%swap3A_1063, %swap3A_1064], %swap3A_1067 {add = true, strides = array<i32>} : memref<128x128xf32, #tpu.memory_space<vmem>>, vector<1x16xf32>,
        %swap3A_1068 = arith.index_cast %scan3A_1042 : i32 to index
        %swap3A_1069 = arith.constant 80 : index
        %swap3A_1070 = tpu.vector_load %arg9[%swap3A_1068, %swap3A_1069] {strides = array<i32>} : memref<128x128xf32, #tpu.memory_space<vmem>>, vector<1x16xf32>,
        %swap3A_1071 = vector.shape_cast %swap3A_1070 : vector<1x16xf32> to vector<16xf32>
        %swap3A_1072 = vector.shape_cast %get3A_889 : vector<16xf32> to vector<1x16xf32>
        tpu.vector_store %arg9[%swap3A_1068, %swap3A_1069], %swap3A_1072 {add = true, strides = array<i32>} : memref<128x128xf32, #tpu.memory_space<vmem>>, vector<1x16xf32>,
        %swap3A_1073 = arith.index_cast %scan3A_1042 : i32 to index
        %swap3A_1074 = arith.constant 96 : index
        %swap3A_1075 = tpu.vector_load %arg9[%swap3A_1073, %swap3A_1074] {strides = array<i32>} : memref<128x128xf32, #tpu.memory_space<vmem>>, vector<1x16xf32>,
        %swap3A_1076 = vector.shape_cast %swap3A_1075 : vector<1x16xf32> to vector<16xf32>
        %swap3A_1077 = vector.shape_cast %get3A_893 : vector<16xf32> to vector<1x16xf32>
        tpu.vector_store %arg9[%swap3A_1073, %swap3A_1074], %swap3A_1077 {add = true, strides = array<i32>} : memref<128x128xf32, #tpu.memory_space<vmem>>, vector<1x16xf32>,
        %swap3A_1078 = arith.index_cast %scan3A_1042 : i32 to index
        %swap3A_1079 = arith.constant 112 : index
        %swap3A_1080 = tpu.vector_load %arg9[%swap3A_1078, %swap3A_1079] {strides = array<i32>} : memref<128x128xf32, #tpu.memory_space<vmem>>, vector<1x16xf32>,
        %swap3A_1081 = vector.shape_cast %swap3A_1080 : vector<1x16xf32> to vector<16xf32>
        %swap3A_1082 = vector.shape_cast %get3A_897 : vector<16xf32> to vector<1x16xf32>
        tpu.vector_store %arg9[%swap3A_1078, %swap3A_1079], %swap3A_1082 {add = true, strides = array<i32>} : memref<128x128xf32, #tpu.memory_space<vmem>>, vector<1x16xf32>,
        %scan3A_1083 = arith.constant 0 : i32
        scf.yield %scan3A_1083 : i32
      }
      %scan3A_904 = arith.constant 128 : i32
      %mul3A_905 = arith.constant 128 : i32
      %mul3A_906 = arith.muli %add3A_803, %mul3A_905 : i32
      %add3A_907 = arith.addi %mul3A_2, %mul3A_906 : i32
      %dma_start3A_908 = arith.constant 0 : i32
      %dma_start3A_909 = tpu.memref_slice %arg4[%add3A_907, %dma_start3A_908] : memref<409600x128xf32, #tpu.memory_space<hbm>> -> memref<128x128xf32, #tpu.memory_space<hbm>>
      %dma_start3A_910 = arith.constant 0 : i32
      %dma_start3A_911 = tpu.memref_slice %arg4[%add3A_907, %dma_start3A_910] : memref<409600x128xf32, #tpu.memory_space<hbm>> -> memref<128x128xf32, #tpu.memory_space<hbm>>
      tpu.enqueue_dma source(%arg9 : memref<128x128xf32, #tpu.memory_space<vmem>>) target(%dma_start3A_911 : memref<128x128xf32, #tpu.memory_space<hbm>>) target_semaphore(%arg17 : memref<!tpu.dma_semaphore, #tpu.memory_space<semaphore_mem>>)
      %scan3A_912 = arith.constant 0 : i32
      scf.yield %scan3A_912 : i32
    }
    %scan3A_451 = arith.constant 24 : i32
    %dma_wait3A_452 = arith.constant 0 : i32
    %dma_wait3A_453 = arith.constant 0 : i32
    %dma_wait3A_454 = tpu.memref_slice %arg4[%dma_wait3A_452, %dma_wait3A_453] : memref<409600x128xf32, #tpu.memory_space<hbm>> -> memref<128x128xf32, #tpu.memory_space<hbm>>
    %dma_wait3A_455 = arith.constant 0 : i32
    %dma_wait3A_456 = arith.constant 0 : i32
    %dma_wait3A_457 = tpu.memref_slice %arg4[%dma_wait3A_455, %dma_wait3A_456] : memref<409600x128xf32, #tpu.memory_space<hbm>> -> memref<128x128xf32, #tpu.memory_space<hbm>>
    tpu.wait_dma2 semaphore(%arg16 : memref<!tpu.dma_semaphore, #tpu.memory_space<semaphore_mem>>) src(%arg8 : memref<128x128xf32, #tpu.memory_space<vmem>>) dst(%dma_wait3A_457 : memref<128x128xf32, #tpu.memory_space<hbm>>)
    %dma_wait3A_458 = arith.constant 0 : i32
    %dma_wait3A_459 = arith.constant 0 : i32
    %dma_wait3A_460 = tpu.memref_slice %arg4[%dma_wait3A_458, %dma_wait3A_459] : memref<409600x128xf32, #tpu.memory_space<hbm>> -> memref<128x128xf32, #tpu.memory_space<hbm>>
    %dma_wait3A_461 = arith.constant 0 : i32
    %dma_wait3A_462 = arith.constant 0 : i32
    %dma_wait3A_463 = tpu.memref_slice %arg4[%dma_wait3A_461, %dma_wait3A_462] : memref<409600x128xf32, #tpu.memory_space<hbm>> -> memref<128x128xf32, #tpu.memory_space<hbm>>
    tpu.wait_dma2 semaphore(%arg17 : memref<!tpu.dma_semaphore, #tpu.memory_space<semaphore_mem>>) src(%arg9 : memref<128x128xf32, #tpu.memory_space<vmem>>) dst(%dma_wait3A_463 : memref<128x128xf32, #tpu.memory_space<hbm>>)
    return
  }
}

</mosaic_0001>

<sc_bundles>
// kernel: kernel.3.cloned.1.call-start
scs
__scs_entry_jumppad:
0x0: {  	(pc) =	sbr.rel $0x88, $3  }
0x1: {  	(tag) =	ssettag $0x0;
	lr =	simm.s32 $0x1  }
0x2: {  	[smem:$0x3F9F] =	sst lr;
	_ =	strace $0xD0000000  }
0x3: {  	_ = 	snop  }
0x4: {  	_ = 	snop  }
0x5: {  	_ = 	snop  }
0x6: {  	_ = 	snop  }
0x7: {  	_ = 	snop  }
__scs_overlays_trampoline_lowered:
0x8: {  	[smem:$0x3FAE] =	sst s0  }
0x9: {  	[smem:$0x3FAF] =	sst s1  }
0xa: {  	[smem:$0x3FB0] =	sst s2  }
0xb: {  	[smem:$0x3FB1] =	sst s3  }
0xc: {  	[smem:$0x3FB2] =	sst s4  }
0xd: {  	[smem:$0x3FB3] =	sst s5  }
0xe: {  	[smem:$0x3FB4] =	sst s6  }
0xf: {  	[smem:$0x3FB5] =	sst s7  }
0x10: {  	[smem:$0x3FB6] =	sst s8  }
0x11: {  	[smem:$0x3FB7] =	sst s9;
	s0 =	simm.s32 @!p0 $0x0  }
0x12: {  	s1 =	sld [smem:$0x3F9D];
	s0 =	simm.s32 @p0 $0x1  }
0x13: {  	[smem:$0x3FB8] =	sst s0;
	s0 =	simm.s32 @!p1 $0x0  }
0x14: {  	s2 =	sld [smem:$0x3F9C];
	s0 =	simm.s32 @p1 $0x1  }
0x15: {  	[smem:$0x3FB9] =	sst s0;
	s0 =	simm.s32 @!p2 $0x0  }
0x16: {  	s3 =	sld [smem:$0x3FDB];
	s0 =	simm.s32 @p2 $0x1  }
0x17: {  	s4 =	simm.s32 $0x1BF5;
	[smem:$0x3FBB] =	sst s0  }
0x18: {  	s0 =	sld [smem:$0x3F9E];
	_ =	swait.ge [sflag:s4], $0x0  }
0x19: {  	s7 =	sld [smem:$0x3F9F]  }
0x1a: {  	s8 =	sadd.s32 $0xFFFFE003, lr  }
0x1b: {  	s9 =	sadd.s32 $0xFFFFFEF7, lr;
	s5 =	simm.s32 $0xFFFFFFFF;
	p2 =	slt.u32 s8, $0xFFFFF086  }
0x1c: {  	p1 =	slt.u32 s9, $0xF7A;
	s5 =	simm.s32 @!p2 $0x0  }
0x1d: {  	s5 =	simm.s32 @p1 $0x1;
	p0 =	seq.s32 s7, s2  }
0x1e: {  	s7 =	smul.u32 @!p0 $0xF7A, s2;
	p2 =	seq.s32 @!p0 s5, $0x0  }
0x1f: {  	s9 =	smul.u32 $0xF7A, s1;
	s8 =	simm.s32 @!p0 $0x1BF5;
	p2 =	por !p2, p0  }
0x20: {  	[sflag:s8] =	ssyncset.s32 @!p0 $0xFFFFF086;
	s6 =	sadd.s32 @!p0 s3, s7;
	s7 =	simm.s32 @!p0 $0x108  }
0x21: {  	s3 =	sadd.s32 s3, s9;
	s6 =	sadd.s32 @!p0 $0x88, s6;
	s7 =	simm.s32 @p2 $0x1082  }
0x22: {  	[simem:s7], [sflag:s8] =	dma.local @!p0 [hbm:s6], $0xF7A  }
0x23: {  	s9 =	sor.u32 $0xD0000000, s2;
	s6 =	simm.s32 $0x108;
	_ =	swait.ge @!p0 [sflag:s8], $0x0  }
0x24: {  	s3 =	sadd.s32 $0x88, s3;
	s6 =	simm.s32 @!p1 $0x1082;
	[sflag:s4] =	ssyncset.s32 $0xFFFFF086  }
0x25: {  	[simem:s6], [sflag:s4] =	dma.local [hbm:s3], $0xF7A  }
0x26: {  	[smem:$0x3F9F] =	sst s1;
	(tag) =	ssettag s2;
	_ =	strace s9  }
0x27: {  	s1 =	sld [smem:$0x3FAF]  }
0x28: {  	s2 =	sld [smem:$0x3FB0]  }
0x29: {  	s4 =	sld [smem:$0x3FB2]  }
0x2a: {  	p0 =	seq.s32 s5, $0x0;
	s5 =	sld [smem:$0x3FB3]  }
0x2b: {  	s6 =	sld [smem:$0x3FB4]  }
0x2c: {  	s7 =	sld [smem:$0x3FB5]  }
0x2d: {  	s3 =	simm.s32 $0x108;
	s8 =	sld [smem:$0x3FB6]  }
0x2e: {  	s3 =	simm.s32 @!p0 $0x1082;
	s9 =	sld [smem:$0x3FB7]  }
0x2f: {  	lr =	sadd.s32 s0, s3;
	s0 =	sld [smem:$0x3FAE]  }
0x30: {  	s3 =	sld [smem:$0x3FB1]  }
0x31: {  	[smem:$0x3FBA] =	sst s10  }
0x32: {  	s10 =	sld [smem:$0x3FB8];
	_ =	sdelay $0x3  }
0x33: {  	p0 =	seq.s32 s10, $0x1;
	s10 =	sld [smem:$0x3FBA];
	_ =	sdelay $0x3  }
0x34: {  	[smem:$0x3FBA] =	sst s10  }
0x35: {  	s10 =	sld [smem:$0x3FB9];
	_ =	sdelay $0x3  }
0x36: {  	p1 =	seq.s32 s10, $0x1;
	s10 =	sld [smem:$0x3FBA];
	_ =	sdelay $0x3  }
0x37: {  	[smem:$0x3FBA] =	sst s10  }
0x38: {  	s10 =	sld [smem:$0x3FBB]  }
0x39: {  	_ = 	snop;
	(pc) =	sbr.ind lr, $3  }
0x3a: {  	_ = 	snop  }
0x3b: {  	_ = 	snop  }
0x3c: {  	p2 =	seq.s32 s10, $0x1;
	s10 =	sld [smem:$0x3FBA]  }
0x3d: {  	_ =	shalt  }
0x3e: {  	_ =	shalt  }
0x3f: {  	_ =	shalt  }
0x40: {  	_ =	shalt  }
0x41: {  	_ =	shalt  }
0x42: {  	_ =	shalt  }
0x43: {  	_ =	shalt  }
0x44: {  	_ =	shalt  }
0x45: {  	_ =	shalt  }
0x46: {  	_ =	shalt  }
0x47: {  	_ =	shalt  }
0x48: {  	_ =	shalt  }
0x49: {  	_ =	shalt  }
0x4a: {  	_ =	shalt  }
0x4b: {  	_ =	shalt  }
0x4c: {  	_ =	shalt  }
0x4d: {  	_ =	shalt  }
0x4e: {  	_ =	shalt  }
0x4f: {  	_ =	shalt  }
0x50: {  	_ =	shalt  }
0x51: {  	_ =	shalt  }
0x52: {  	_ =	shalt  }
0x53: {  	_ =	shalt  }
0x54: {  	_ =	shalt  }
0x55: {  	_ =	shalt  }
0x56: {  	_ =	shalt  }
0x57: {  	_ =	shalt  }
0x58: {  	_ =	shalt  }
0x59: {  	_ =	shalt  }
0x5a: {  	_ =	shalt  }
0x5b: {  	_ =	shalt  }
0x5c: {  	_ =	shalt  }
0x5d: {  	_ =	shalt  }
0x5e: {  	_ =	shalt  }
0x5f: {  	_ =	shalt  }
0x60: {  	_ =	shalt  }
0x61: {  	_ =	shalt  }
0x62: {  	_ =	shalt  }
0x63: {  	_ =	shalt  }
0x64: {  	_ =	shalt  }
0x65: {  	_ =	shalt  }
0x66: {  	_ =	shalt  }
0x67: {  	_ =	shalt  }
0x68: {  	_ =	shalt  }
0x69: {  	_ =	shalt  }
0x6a: {  	_ =	shalt  }
0x6b: {  	_ =	shalt  }
0x6c: {  	_ =	shalt  }
0x6d: {  	_ =	shalt  }
0x6e: {  	_ =	shalt  }
0x6f: {  	_ =	shalt  }
0x70: {  	_ =	shalt  }
0x71: {  	_ =	shalt  }
0x72: {  	_ =	shalt  }
0x73: {  	_ =	shalt  }
0x74: {  	_ =	shalt  }
0x75: {  	_ =	shalt  }
0x76: {  	_ =	shalt  }
0x77: {  	_ =	shalt  }
0x78: {  	_ =	shalt  }
0x79: {  	_ =	shalt  }
0x7a: {  	_ =	shalt  }
0x7b: {  	_ =	shalt  }
0x7c: {  	_ =	shalt  }
0x7d: {  	_ =	shalt  }
0x7e: {  	_ =	shalt  }
0x7f: {  	_ =	shalt  }
0x80: {  	_ =	shalt  }
0x81: {  	_ =	shalt  }
0x82: {  	_ =	shalt  }
0x83: {  	_ =	shalt  }
0x84: {  	_ =	shalt  }
0x85: {  	_ =	shalt  }
0x86: {  	_ =	shalt  }
0x87: {  	_ =	shalt  }
.Lfunc_end0:
.L_simem_size_0:
called_computation_lowered:
.L_overlay_start_0:
0x88: {  	s2 =	sld [smem:$0x3FD9]  }
0x89: {  	s3 =	sld [smem:$0x3FFE];
	_ =	sdelay $0x1  }
0x8a: {  	s1 =	srdreg.scid  }
0x8b: {  	s0 =	sand.u32 $0x1, s1  }
0x8c: {  	s18 =	sshll.u32 s0, $0xA;
	s2 =	sadd.s32 s3, s2  }
0x8d: {  	s2 =	sadd.s32 s2, s18  }
0x8e: {  	[smem:$0x3FC6] =	sst s2  }
0x8f: {  	_ = 	snop  }
0x90: {  	s2 =	sld [smem:$0x3FC9]  }
0x91: {  	s19 =	sld [smem:$0x3FC8]  }
0x92: {  	s4 =	sld [smem:$0x3FD0];
	(tm) =	ssettm $0x1  }
0x93: {  	s5 =	sld [smem:$0x3FFB];
	_ =	sdelay $0x3  }
0x94: {  	_ =	strace s5  }
0x95: {  	s5 =	sld [smem:$0x3FFC];
	_ =	sdelay $0x3  }
0x96: {  	_ =	strace s5  }
0x97: {  	s5 =	sld [smem:$0x3FFD];
	_ =	sdelay $0x3  }
0x98: {  	_ =	strace s5  }
0x99: {  	_ =	strace $0x8FFFFFFF  }
0x9a: {  	s20 =	sld [smem:$0x3FDB];
	_ =	sdelay $0x1  }
0x9b: {  	s6 =	simm.s32 $_scs_section_size  }
0x9c: {  	s7 =	simm.s32 $_size__tile_overlayer_lowered;
	s8 =	simm.s32 $_tile_overlayer_lowered  }
0x9d: {  	s23 =	simm.s32 $0x1BFF;
	s22 =	sshll.u32 s8, $0x1;
	s5 =	sadd.s32 s6, s20  }
0x9e: {  	s9 =	simm.s32 $0x0;
	s21 =	sshll.u32 s7, $0x1;
	s7 =	sadd.s32 s22, s5  }
0x9f: {  	[timem:s9], [sflag:s23] =	dma.local [hbm:s7], s21  }
0xa0: {  	_ =	swait.ge [sflag:s23], s21  }
0xa1: {  	s6 =	ssub.s32 $0x0, s21;
	[sflag:s23] =	ssyncset.done $0x0  }
0xa2: {  	[sflag:s23] =	ssyncadd.s32 s6;
	_ =	sdelay $0x1  }
0xa3: {  	s24 =	simm.s32 $0x1B8B  }
0xa4: {  	_ =	swait.ge [sflag:s24], $0x1  }
0xa5: {  	[sflag:s24] =	ssyncset.done $0x0  }
0xa6: {  	s25 =	simm.s32 $0x1B8E;
	[sflag:s24] =	ssyncadd.s32 $0xFFFFFFFF  }
0xa7: {  	s26 =	simm.s32 $execute0_lowered;
	[smem:$0x3FD2] =	sst s25  }
0xa8: {  	s6 =	sshll.u32 s26, $0x1;
	_ =	strace $0x80000046;
	[dreg:$0x1] =	wrdreg $0xFFFFFFFF  }
0xa9: {  	s28 =	simm.s32 $_size_execute0_lowered;
	s5 =	sadd.s32 s5, s6;
	[dreg:$0x0] =	wrdreg $0x0  }
0xaa: {  	s6 =	sshll.u32 s28, $0x1;
	[dreg:$0x2] =	wrdreg s5  }
0xab: {  	[dreg:$0x3] =	wrdreg s6  }
0xac: {  	[dreg:$0x4] =	wrdreg $0xC0  }
0xad: {  	_ =	task [dreg:s9], $0x5FFFF  }
0xae: {  	[dreg:$0x1] =	wrdreg $0xFFFFFFFF  }
0xaf: {  	[dreg:$0x0] =	wrdreg $0x60  }
0xb0: {  	[dreg:$0x2] =	wrdreg s2  }
0xb1: {  	[dreg:$0x3] =	wrdreg s19  }
0xb2: {  	[dreg:$0x4] =	wrdreg s4  }
0xb3: {  	[dreg:$0x5] =	wrdreg $0x9  }
0xb4: {  	_ =	task.clear_ibuf [dreg:s9], $0x6FFFF;
	_ =	strace $0x90000046  }
0xb5: {  	s29 =	simm.s32 $0x9;
	_ =	strace $0x80000048  }
0xb6: {  	_ =	swait.ge [sflag:s29], $0x1  }
0xb7: {  	[sflag:s29] =	ssyncadd.s32 $0xFFFFFFFF  }
0xb8: {  	_ =	strace $0x90000048  }
0xb9: {  	_ =	sfence  }
0xba: {  	s30 =	sld [smem:$0x0];
	_ =	sdelay $0x2  }
0xbb: {  	s31 =	sshll.u32 s1, $0xD;
	s1 =	sshrl.u32 s1, $0x2  }
0xbc: {  	s3 =	sand.u32 $0x4000, s31;
	s1 =	sadd.s32 s1, s30  }
0xbd: {  	s0 =	sor.u32 s3, s0;
	s1 =	sshll.u32 s1, $0x11  }
0xbe: {  	s0 =	sor.u32 s1, s0  }
0xbf: {  	s0 =	sadd.s32 $0x8F2B, s0  }
0xc0: {  	[sflag:s0] =	ssyncadd.remote.s32 $0x1  }
0xc1: {  	_ =	sfence.sel $0xFFFF  }
0xc2: {  	[dreg:$0x0] =	wrdreg $0xFFFFFFFF;
	(pc) =	sbr.abs _section_cstart, $3  }
0xc3: {  	[dreg:$0x1] =	wrdreg $0xFFFFFFFF  }
0xc4: {  	_ =	task.clear_ibuf [dreg:s9], $0x2FFFF;
	_ =	strace $0x9FFFFFFF  }
0xc5: {  	(tm) =	ssettm $0x7FFFFFFF  }
tec
execute0_lowered:
.L_overlay_start_1:
0x0: {  	(tag) =	ssettag $0x1  }
0x1: {  	s0 =	srdreg.scid  }
0x2: {  	s1 =	stileid.u32;
	s3 =	rddreg [dreg:$0x0]  }
0x3: {  	s5 =	rddreg [dreg:$0x2];
	s6 =	simm.s32 $0x0;
	s28 =	simm.s32 $0xDC00  }
0x4: {  	s29 =	simm.s32 $0x2;
	s0 =	sand.u32 $0x1, s0;
	s1 =	sshll.u32 s1, $0x1  }
0x5: {  	s30 =	simm.s32 $0x5;
	s31 =	simm.s32 $0x3;
	s1 =	sor.u32 s0, s1  }
0x6: {  	[smem:$0x7FF] =	sst s6;
	s0 =	ssub.s32 $0x2, s0;
	s2 =	smul.u32 $0x3200, s1  }
0x7: {  	_ =	strace $0x80000047;
	s9 =	smul.u32 $0x32000, s1;
	s8 =	sshrl.u32 s0, $0x1  }
0x8: {  	s0 =	ssub.s32 s0, s8;
	s8 =	smul.u32 $0x190000, s1;
	s4 =	sshrl.u32 s2, $0xA  }
0x9: {  	s17 =	sadd.s32 s3, s9;
	s10 =	sor.u32 $0x800, s9;
	s18 =	sor.u32 $0x1000, s9  }
0xa: {  	s21 =	sadd.s32 s5, s9;
	s22 =	sor.u32 $0x1800, s9;
	s0 =	smax.u32 s0, $0x1  }
0xb: {  	s9 =	simm.s32 $0x0;
	s7 =	smul.u32 $0x51F, s4;
	[dreg:$0x4] =	wrdreg s17  }
0xc: {  	s19 =	sadd.s32 s3, s10;
	s20 =	sadd.s32 s3, s18;
	[dreg:$0x7] =	wrdreg s21  }
0xd: {  	s13 =	sadd.s32 $0x10000, s8;
	s23 =	sadd.s32 s3, s22;
	[dreg:$0xe] =	wrdreg s0  }
0xe: {  	s15 =	sadd.s32 $0x14000, s8;
	s25 =	sadd.s32 s5, s10;
	[dreg:$0x5] =	wrdreg s19  }
0xf: {  	s1 =	sadd.s32 s5, s22;
	s22 =	simm.s32 $0x9;
	[dreg:$0x6] =	wrdreg s20  }
0x10: {  	s0 =	simm.s32 $0x4;
	[dreg:$0x8] =	wrdreg s23;
	s7 =	sshrl.u32 s7, $0x10  }
0x11: {  	s24 =	sshrl.u32 s13, $0x3;
	[dreg:$0x9] =	wrdreg s25;
	s7 =	smul.u32 $0x32, s7  }
0x12: {  	s26 =	sshrl.u32 s15, $0x3;
	[dreg:$0xd] =	wrdreg s1;
	s23 =	simm.s32 $0x5C00  }
0x13: {  	s25 =	simm.s32 $0x1;
	s4 =	ssub.s32 s4, s7;
	s7 =	sadd.s32 s5, s18  }
0x14: {  	s1 =	simm.s32 $0x6;
	s4 =	sshll.u32 s4, $0x7;
	[dreg:$0xb] =	wrdreg s7  }
0x15: {  	s7 =	simm.s32 $0x8;
	s11 =	sand.u32 $0x3F80, s4;
	s4 =	sadd.s32 s3, s24  }
0x16: {  	s24 =	simm.s32 $0x9C00;
	[dreg:$0xa] =	wrdreg s4;
	s4 =	sadd.s32 s3, s26  }
0x17: {  	s26 =	simm.s32 $0x1C00;
	[dreg:$0xc] =	wrdreg s4;
	s4 =	simm.s32 $0x7  }
.LBB2_1:
0x18: {  	s10 =	rddreg [dreg:$0x1]  }
0x19: {  	[tilespmem:s6], [sflag:$0x9] =	stream.linear.gather [hbm4b:s10+s6], $0x1900, $0x38;
	[tilespmem:$0x11C00] =	vst v63  }
0x1a: {  	_ =	swait.ge [sflag:s22], $0x1900  }
0x1b: {  	[sflag:s22] =	ssyncset.done $0x0  }
0x1c: {  	s19 =	rddreg [dreg:$0x4];
	[sflag:s22] =	ssyncadd.s32 $0xFFFFE700  }
0x1d: {  	[tilespmem:s26], [sflag:$0x1] =	stream.linear.gather [hbm4b:s19+s6], $0x4000, $0x38;
	[tilespmem:$0x11C00] =	vst v63  }
0x1e: {  	s20 =	rddreg [dreg:$0x5]  }
0x1f: {  	[tilespmem:s23], [sflag:$0x2] =	stream.linear.gather [hbm4b:s20+s6], $0x4000, $0x38;
	[tilespmem:$0x11C00] =	vst v63  }
0x20: {  	s21 =	rddreg [dreg:$0x6]  }
0x21: {  	[tilespmem:s24], [sflag:$0x3] =	stream.linear.gather [hbm4b:s21+s6], $0x4000, $0x38;
	[tilespmem:$0x11C00] =	vst v63  }
0x22: {  	_ =	swait.ge [sflag:s25], $0x4000  }
0x23: {  	[sflag:s25] =	ssyncset.done $0x0  }
0x24: {  	[sflag:s25] =	ssyncadd.s32 $0xFFFFC000  }
0x25: {  	v1 =	vld [tilespmem:s11+$0x0]  }
0x26: {  	v0 =	vld [tilespmem:s11+$0x10]  }
0x27: {  	v2 =	vld [tilespmem:s11+$0x20]  }
0x28: {  	v3 =	vld [tilespmem:s11+$0x30]  }
0x29: {  	v4 =	vld [tilespmem:s11+$0x70]  }
0x2a: {  	v5 =	vld [tilespmem:s11+$0x60]  }
0x2b: {  	v6 =	vld [tilespmem:s11+$0x50]  }
0x2c: {  	v7 =	vld [tilespmem:s11+$0x40]  }
0x2d: {  	[tilespmem:s26+$0x0] =	vst.add.f32.msk $0xffff, v1  }
0x2e: {  	[tilespmem:s26+$0x1F0] =	vst.add.f32.msk $0xffff, v4  }
0x2f: {  	[tilespmem:s26+$0x1E0] =	vst.add.f32.msk $0xffff, v5  }
0x30: {  	[tilespmem:s26+$0x1D0] =	vst.add.f32.msk $0xffff, v6  }
0x31: {  	[tilespmem:s26+$0x1C0] =	vst.add.f32.msk $0xffff, v7  }
0x32: {  	[tilespmem:s26+$0x1B0] =	vst.add.f32.msk $0xffff, v3  }
0x33: {  	[tilespmem:s26+$0x1A0] =	vst.add.f32.msk $0xffff, v2  }
0x34: {  	[tilespmem:s26+$0x190] =	vst.add.f32.msk $0xffff, v0  }
0x35: {  	[tilespmem:s26+$0x180] =	vst.add.f32.msk $0xffff, v1  }
0x36: {  	[tilespmem:s26+$0x170] =	vst.add.f32.msk $0xffff, v4  }
0x37: {  	[tilespmem:s26+$0x160] =	vst.add.f32.msk $0xffff, v5  }
0x38: {  	[tilespmem:s26+$0x150] =	vst.add.f32.msk $0xffff, v6  }
0x39: {  	[tilespmem:s26+$0x140] =	vst.add.f32.msk $0xffff, v7  }
0x3a: {  	[tilespmem:s26+$0x130] =	vst.add.f32.msk $0xffff, v3  }
0x3b: {  	[tilespmem:s26+$0x120] =	vst.add.f32.msk $0xffff, v2  }
0x3c: {  	[tilespmem:s26+$0x110] =	vst.add.f32.msk $0xffff, v0  }
0x3d: {  	[tilespmem:s26+$0x100] =	vst.add.f32.msk $0xffff, v1  }
0x3e: {  	[tilespmem:s26+$0xF0] =	vst.add.f32.msk $0xffff, v4  }
0x3f: {  	[tilespmem:s26+$0xE0] =	vst.add.f32.msk $0xffff, v5  }
0x40: {  	[tilespmem:s26+$0xD0] =	vst.add.f32.msk $0xffff, v6  }
0x41: {  	[tilespmem:s26+$0xC0] =	vst.add.f32.msk $0xffff, v7  }
0x42: {  	[tilespmem:s26+$0xB0] =	vst.add.f32.msk $0xffff, v3  }
0x43: {  	[tilespmem:s26+$0xA0] =	vst.add.f32.msk $0xffff, v2  }
0x44: {  	[tilespmem:s26+$0x90] =	vst.add.f32.msk $0xffff, v0  }
0x45: {  	[tilespmem:s26+$0x80] =	vst.add.f32.msk $0xffff, v1  }
0x46: {  	[tilespmem:s26+$0x70] =	vst.add.f32.msk $0xffff, v4  }
0x47: {  	[tilespmem:s26+$0x60] =	vst.add.f32.msk $0xffff, v5  }
0x48: {  	[tilespmem:s26+$0x50] =	vst.add.f32.msk $0xffff, v6  }
0x49: {  	[tilespmem:s26+$0x40] =	vst.add.f32.msk $0xffff, v7  }
0x4a: {  	[tilespmem:s26+$0x30] =	vst.add.f32.msk $0xffff, v3  }
0x4b: {  	s12 =	simm.s32 $0x1C00;
	s10 =	simm.s32 $0x0;
	[tilespmem:s26+$0x20] =	vst.add.f32.msk $0xffff, v2  }
.LBB2_2:
0x4c: {  	s10 =	sadd.s32 $0x4, s10;
	[tilespmem:s12+$0x10] =	vst.add.f32.msk $0xffff, v0;
	s12 =	sadd.s32 $0x200, s12  }
0x4d: {  	[tilespmem:s12+$0x0] =	vst.add.f32.msk $0xffff, v1;
	p0 =	slt.u32 s10, $0x7C  }
0x4e: {  	[tilespmem:s12+$0x1F0] =	vst.add.f32.msk $0xffff, v4  }
0x4f: {  	[tilespmem:s12+$0x1E0] =	vst.add.f32.msk $0xffff, v5  }
0x50: {  	[tilespmem:s12+$0x1D0] =	vst.add.f32.msk $0xffff, v6  }
0x51: {  	[tilespmem:s12+$0x1C0] =	vst.add.f32.msk $0xffff, v7  }
0x52: {  	[tilespmem:s12+$0x1B0] =	vst.add.f32.msk $0xffff, v3  }
0x53: {  	[tilespmem:s12+$0x1A0] =	vst.add.f32.msk $0xffff, v2  }
0x54: {  	[tilespmem:s12+$0x190] =	vst.add.f32.msk $0xffff, v0  }
0x55: {  	[tilespmem:s12+$0x180] =	vst.add.f32.msk $0xffff, v1  }
0x56: {  	[tilespmem:s12+$0x170] =	vst.add.f32.msk $0xffff, v4  }
0x57: {  	[tilespmem:s12+$0x160] =	vst.add.f32.msk $0xffff, v5  }
0x58: {  	[tilespmem:s12+$0x150] =	vst.add.f32.msk $0xffff, v6  }
0x59: {  	[tilespmem:s12+$0x140] =	vst.add.f32.msk $0xffff, v7  }
0x5a: {  	[tilespmem:s12+$0x130] =	vst.add.f32.msk $0xffff, v3  }
0x5b: {  	[tilespmem:s12+$0x120] =	vst.add.f32.msk $0xffff, v2  }
0x5c: {  	[tilespmem:s12+$0x110] =	vst.add.f32.msk $0xffff, v0  }
0x5d: {  	[tilespmem:s12+$0x100] =	vst.add.f32.msk $0xffff, v1  }
0x5e: {  	[tilespmem:s12+$0xF0] =	vst.add.f32.msk $0xffff, v4  }
0x5f: {  	[tilespmem:s12+$0xE0] =	vst.add.f32.msk $0xffff, v5  }
0x60: {  	[tilespmem:s12+$0xD0] =	vst.add.f32.msk $0xffff, v6  }
0x61: {  	[tilespmem:s12+$0xC0] =	vst.add.f32.msk $0xffff, v7  }
0x62: {  	[tilespmem:s12+$0xB0] =	vst.add.f32.msk $0xffff, v3  }
0x63: {  	[tilespmem:s12+$0xA0] =	vst.add.f32.msk $0xffff, v2  }
0x64: {  	[tilespmem:s12+$0x90] =	vst.add.f32.msk $0xffff, v0  }
0x65: {  	[tilespmem:s12+$0x80] =	vst.add.f32.msk $0xffff, v1  }
0x66: {  	[tilespmem:s12+$0x70] =	vst.add.f32.msk $0xffff, v4  }
.Ltmp0:
0x67: {  	[tilespmem:s12+$0x60] =	vst.add.f32.msk $0xffff, v5;
	(pc) =	sbr.rel @p0 .LBB2_2-.Ltmp0, $4  }
0x68: {  	[tilespmem:s12+$0x50] =	vst.add.f32.msk $0xffff, v6  }
0x69: {  	[tilespmem:s12+$0x40] =	vst.add.f32.msk $0xffff, v7  }
0x6a: {  	[tilespmem:s12+$0x30] =	vst.add.f32.msk $0xffff, v3  }
0x6b: {  	[tilespmem:s12+$0x20] =	vst.add.f32.msk $0xffff, v2  }
0x6c: {  	[tilespmem:s12+$0x10] =	vst.add.f32.msk $0xffff, v0;
	s10 =	rddreg [dreg:$0x7]  }
0x6d: {  	[hbm4b:s10+s6] =	stream.linear.scatter [tilespmem:s26], [sflag:$0x5], $0x4000, $0x38;
	[tilespmem:$0x11C00] =	vst v63  }
0x6e: {  	s21 =	rddreg [dreg:$0x8]  }
0x6f: {  	[tilespmem:s28], [sflag:$0x4] =	stream.linear.gather [hbm4b:s21+s6], $0x4000, $0x38;
	[tilespmem:$0x11C00] =	vst v63  }
0x70: {  	_ =	swait.ge [sflag:s29], $0x4000  }
0x71: {  	[sflag:s29] =	ssyncset.done $0x0  }
0x72: {  	[sflag:s29] =	ssyncadd.s32 $0xFFFFC000  }
0x73: {  	v1 =	vld [tilespmem:s11+$0x0]  }
0x74: {  	v0 =	vld [tilespmem:s11+$0x10]  }
0x75: {  	v2 =	vld [tilespmem:s11+$0x20]  }
0x76: {  	v3 =	vld [tilespmem:s11+$0x30]  }
0x77: {  	v4 =	vld [tilespmem:s11+$0x70]  }
0x78: {  	v5 =	vld [tilespmem:s11+$0x60]  }
0x79: {  	v6 =	vld [tilespmem:s11+$0x50]  }
0x7a: {  	s10 =	simm.s32 $0x5C00;
	v7 =	vld [tilespmem:s11+$0x40]  }
0x7b: {  	[tilespmem:s10+$0x0] =	vst.add.f32.msk $0xffff, v1  }
0x7c: {  	[tilespmem:s10+$0x1F0] =	vst.add.f32.msk $0xffff, v4  }
0x7d: {  	[tilespmem:s10+$0x1E0] =	vst.add.f32.msk $0xffff, v5  }
0x7e: {  	[tilespmem:s10+$0x1D0] =	vst.add.f32.msk $0xffff, v6  }
0x7f: {  	[tilespmem:s10+$0x1C0] =	vst.add.f32.msk $0xffff, v7  }
0x80: {  	[tilespmem:s10+$0x1B0] =	vst.add.f32.msk $0xffff, v3  }
0x81: {  	[tilespmem:s10+$0x1A0] =	vst.add.f32.msk $0xffff, v2  }
0x82: {  	[tilespmem:s10+$0x190] =	vst.add.f32.msk $0xffff, v0  }
0x83: {  	[tilespmem:s10+$0x180] =	vst.add.f32.msk $0xffff, v1  }
0x84: {  	[tilespmem:s10+$0x170] =	vst.add.f32.msk $0xffff, v4  }
0x85: {  	[tilespmem:s10+$0x160] =	vst.add.f32.msk $0xffff, v5  }
0x86: {  	[tilespmem:s10+$0x150] =	vst.add.f32.msk $0xffff, v6  }
0x87: {  	[tilespmem:s10+$0x140] =	vst.add.f32.msk $0xffff, v7  }
0x88: {  	[tilespmem:s10+$0x130] =	vst.add.f32.msk $0xffff, v3  }
0x89: {  	[tilespmem:s10+$0x120] =	vst.add.f32.msk $0xffff, v2  }
0x8a: {  	[tilespmem:s10+$0x110] =	vst.add.f32.msk $0xffff, v0  }
0x8b: {  	[tilespmem:s10+$0x100] =	vst.add.f32.msk $0xffff, v1  }
0x8c: {  	[tilespmem:s10+$0xF0] =	vst.add.f32.msk $0xffff, v4  }
0x8d: {  	[tilespmem:s10+$0xE0] =	vst.add.f32.msk $0xffff, v5  }
0x8e: {  	[tilespmem:s10+$0xD0] =	vst.add.f32.msk $0xffff, v6  }
0x8f: {  	[tilespmem:s10+$0xC0] =	vst.add.f32.msk $0xffff, v7  }
0x90: {  	[tilespmem:s10+$0xB0] =	vst.add.f32.msk $0xffff, v3  }
0x91: {  	[tilespmem:s10+$0xA0] =	vst.add.f32.msk $0xffff, v2  }
0x92: {  	[tilespmem:s10+$0x90] =	vst.add.f32.msk $0xffff, v0  }
0x93: {  	[tilespmem:s10+$0x80] =	vst.add.f32.msk $0xffff, v1  }
0x94: {  	[tilespmem:s10+$0x70] =	vst.add.f32.msk $0xffff, v4  }
0x95: {  	[tilespmem:s10+$0x60] =	vst.add.f32.msk $0xffff, v5  }
0x96: {  	[tilespmem:s10+$0x50] =	vst.add.f32.msk $0xffff, v6  }
0x97: {  	[tilespmem:s10+$0x40] =	vst.add.f32.msk $0xffff, v7  }
0x98: {  	[tilespmem:s10+$0x30] =	vst.add.f32.msk $0xffff, v3  }
0x99: {  	s12 =	simm.s32 $0x0;
	[tilespmem:s10+$0x20] =	vst.add.f32.msk $0xffff, v2  }
.LBB2_4:
0x9a: {  	s12 =	sadd.s32 $0x4, s12;
	[tilespmem:s10+$0x10] =	vst.add.f32.msk $0xffff, v0;
	s10 =	sadd.s32 $0x200, s10  }
0x9b: {  	[tilespmem:s10+$0x0] =	vst.add.f32.msk $0xffff, v1;
	p0 =	slt.u32 s12, $0x7C  }
0x9c: {  	[tilespmem:s10+$0x1F0] =	vst.add.f32.msk $0xffff, v4  }
0x9d: {  	[tilespmem:s10+$0x1E0] =	vst.add.f32.msk $0xffff, v5  }
0x9e: {  	[tilespmem:s10+$0x1D0] =	vst.add.f32.msk $0xffff, v6  }
0x9f: {  	[tilespmem:s10+$0x1C0] =	vst.add.f32.msk $0xffff, v7  }
0xa0: {  	[tilespmem:s10+$0x1B0] =	vst.add.f32.msk $0xffff, v3  }
0xa1: {  	[tilespmem:s10+$0x1A0] =	vst.add.f32.msk $0xffff, v2  }
0xa2: {  	[tilespmem:s10+$0x190] =	vst.add.f32.msk $0xffff, v0  }
0xa3: {  	[tilespmem:s10+$0x180] =	vst.add.f32.msk $0xffff, v1  }
0xa4: {  	[tilespmem:s10+$0x170] =	vst.add.f32.msk $0xffff, v4  }
0xa5: {  	[tilespmem:s10+$0x160] =	vst.add.f32.msk $0xffff, v5  }
0xa6: {  	[tilespmem:s10+$0x150] =	vst.add.f32.msk $0xffff, v6  }
0xa7: {  	[tilespmem:s10+$0x140] =	vst.add.f32.msk $0xffff, v7  }
0xa8: {  	[tilespmem:s10+$0x130] =	vst.add.f32.msk $0xffff, v3  }
0xa9: {  	[tilespmem:s10+$0x120] =	vst.add.f32.msk $0xffff, v2  }
0xaa: {  	[tilespmem:s10+$0x110] =	vst.add.f32.msk $0xffff, v0  }
0xab: {  	[tilespmem:s10+$0x100] =	vst.add.f32.msk $0xffff, v1  }
0xac: {  	[tilespmem:s10+$0xF0] =	vst.add.f32.msk $0xffff, v4  }
0xad: {  	[tilespmem:s10+$0xE0] =	vst.add.f32.msk $0xffff, v5  }
0xae: {  	[tilespmem:s10+$0xD0] =	vst.add.f32.msk $0xffff, v6  }
0xaf: {  	[tilespmem:s10+$0xC0] =	vst.add.f32.msk $0xffff, v7  }
0xb0: {  	[tilespmem:s10+$0xB0] =	vst.add.f32.msk $0xffff, v3  }
0xb1: {  	[tilespmem:s10+$0xA0] =	vst.add.f32.msk $0xffff, v2  }
0xb2: {  	[tilespmem:s10+$0x90] =	vst.add.f32.msk $0xffff, v0  }
0xb3: {  	[tilespmem:s10+$0x80] =	vst.add.f32.msk $0xffff, v1  }
0xb4: {  	[tilespmem:s10+$0x70] =	vst.add.f32.msk $0xffff, v4  }
.Ltmp1:
0xb5: {  	[tilespmem:s10+$0x60] =	vst.add.f32.msk $0xffff, v5;
	(pc) =	sbr.rel @p0 .LBB2_4-.Ltmp1, $4  }
0xb6: {  	[tilespmem:s10+$0x50] =	vst.add.f32.msk $0xffff, v6  }
0xb7: {  	[tilespmem:s10+$0x40] =	vst.add.f32.msk $0xffff, v7  }
0xb8: {  	[tilespmem:s10+$0x30] =	vst.add.f32.msk $0xffff, v3  }
0xb9: {  	[tilespmem:s10+$0x20] =	vst.add.f32.msk $0xffff, v2  }
0xba: {  	[tilespmem:s10+$0x10] =	vst.add.f32.msk $0xffff, v0;
	s20 =	rddreg [dreg:$0x9]  }
0xbb: {  	[hbm4b:s20+s6] =	stream.linear.scatter [tilespmem:s23], [sflag:$0x6], $0x4000, $0x38;
	[tilespmem:$0x11C00] =	vst v63  }
0xbc: {  	_ =	swait.ge [sflag:s30], $0x4000  }
0xbd: {  	[sflag:s30] =	ssyncset.done $0x0  }
0xbe: {  	s21 =	rddreg [dreg:$0xa];
	[sflag:s30] =	ssyncadd.s32 $0xFFFFC000  }
0xbf: {  	[tilespmem:s26], [sflag:$0x1] =	stream.linear.gather [hbm4b:s21+s6], $0x4000, $0x38;
	[tilespmem:$0x11C00] =	vst v63  }
0xc0: {  	_ =	swait.ge [sflag:s31], $0x4000  }
0xc1: {  	[sflag:s31] =	ssyncset.done $0x0  }
0xc2: {  	[sflag:s31] =	ssyncadd.s32 $0xFFFFC000  }
0xc3: {  	v1 =	vld [tilespmem:s11+$0x0]  }
0xc4: {  	v0 =	vld [tilespmem:s11+$0x10]  }
0xc5: {  	v2 =	vld [tilespmem:s11+$0x20]  }
0xc6: {  	v3 =	vld [tilespmem:s11+$0x30]  }
0xc7: {  	v4 =	vld [tilespmem:s11+$0x70]  }
0xc8: {  	v5 =	vld [tilespmem:s11+$0x60]  }
0xc9: {  	v6 =	vld [tilespmem:s11+$0x50]  }
0xca: {  	s10 =	simm.s32 $0x9C00;
	v7 =	vld [tilespmem:s11+$0x40]  }
0xcb: {  	[tilespmem:s10+$0x0] =	vst.add.f32.msk $0xffff, v1  }
0xcc: {  	[tilespmem:s10+$0x1F0] =	vst.add.f32.msk $0xffff, v4  }
0xcd: {  	[tilespmem:s10+$0x1E0] =	vst.add.f32.msk $0xffff, v5  }
0xce: {  	[tilespmem:s10+$0x1D0] =	vst.add.f32.msk $0xffff, v6  }
0xcf: {  	[tilespmem:s10+$0x1C0] =	vst.add.f32.msk $0xffff, v7  }
0xd0: {  	[tilespmem:s10+$0x1B0] =	vst.add.f32.msk $0xffff, v3  }
0xd1: {  	[tilespmem:s10+$0x1A0] =	vst.add.f32.msk $0xffff, v2  }
0xd2: {  	[tilespmem:s10+$0x190] =	vst.add.f32.msk $0xffff, v0  }
0xd3: {  	[tilespmem:s10+$0x180] =	vst.add.f32.msk $0xffff, v1  }
0xd4: {  	[tilespmem:s10+$0x170] =	vst.add.f32.msk $0xffff, v4  }
0xd5: {  	[tilespmem:s10+$0x160] =	vst.add.f32.msk $0xffff, v5  }
0xd6: {  	[tilespmem:s10+$0x150] =	vst.add.f32.msk $0xffff, v6  }
0xd7: {  	[tilespmem:s10+$0x140] =	vst.add.f32.msk $0xffff, v7  }
0xd8: {  	[tilespmem:s10+$0x130] =	vst.add.f32.msk $0xffff, v3  }
0xd9: {  	[tilespmem:s10+$0x120] =	vst.add.f32.msk $0xffff, v2  }
0xda: {  	[tilespmem:s10+$0x110] =	vst.add.f32.msk $0xffff, v0  }
0xdb: {  	[tilespmem:s10+$0x100] =	vst.add.f32.msk $0xffff, v1  }
0xdc: {  	[tilespmem:s10+$0xF0] =	vst.add.f32.msk $0xffff, v4  }
0xdd: {  	[tilespmem:s10+$0xE0] =	vst.add.f32.msk $0xffff, v5  }
0xde: {  	[tilespmem:s10+$0xD0] =	vst.add.f32.msk $0xffff, v6  }
0xdf: {  	[tilespmem:s10+$0xC0] =	vst.add.f32.msk $0xffff, v7  }
0xe0: {  	[tilespmem:s10+$0xB0] =	vst.add.f32.msk $0xffff, v3  }
0xe1: {  	[tilespmem:s10+$0xA0] =	vst.add.f32.msk $0xffff, v2  }
0xe2: {  	[tilespmem:s10+$0x90] =	vst.add.f32.msk $0xffff, v0  }
0xe3: {  	[tilespmem:s10+$0x80] =	vst.add.f32.msk $0xffff, v1  }
0xe4: {  	[tilespmem:s10+$0x70] =	vst.add.f32.msk $0xffff, v4  }
0xe5: {  	[tilespmem:s10+$0x60] =	vst.add.f32.msk $0xffff, v5  }
0xe6: {  	[tilespmem:s10+$0x50] =	vst.add.f32.msk $0xffff, v6  }
0xe7: {  	[tilespmem:s10+$0x40] =	vst.add.f32.msk $0xffff, v7  }
0xe8: {  	[tilespmem:s10+$0x30] =	vst.add.f32.msk $0xffff, v3  }
0xe9: {  	s12 =	simm.s32 $0x0;
	[tilespmem:s10+$0x20] =	vst.add.f32.msk $0xffff, v2  }
.LBB2_6:
0xea: {  	s12 =	sadd.s32 $0x4, s12;
	[tilespmem:s10+$0x10] =	vst.add.f32.msk $0xffff, v0;
	s10 =	sadd.s32 $0x200, s10  }
0xeb: {  	[tilespmem:s10+$0x0] =	vst.add.f32.msk $0xffff, v1;
	p0 =	slt.u32 s12, $0x7C  }
0xec: {  	[tilespmem:s10+$0x1F0] =	vst.add.f32.msk $0xffff, v4  }
0xed: {  	[tilespmem:s10+$0x1E0] =	vst.add.f32.msk $0xffff, v5  }
0xee: {  	[tilespmem:s10+$0x1D0] =	vst.add.f32.msk $0xffff, v6  }
0xef: {  	[tilespmem:s10+$0x1C0] =	vst.add.f32.msk $0xffff, v7  }
0xf0: {  	[tilespmem:s10+$0x1B0] =	vst.add.f32.msk $0xffff, v3  }
0xf1: {  	[tilespmem:s10+$0x1A0] =	vst.add.f32.msk $0xffff, v2  }
0xf2: {  	[tilespmem:s10+$0x190] =	vst.add.f32.msk $0xffff, v0  }
0xf3: {  	[tilespmem:s10+$0x180] =	vst.add.f32.msk $0xffff, v1  }
0xf4: {  	[tilespmem:s10+$0x170] =	vst.add.f32.msk $0xffff, v4  }
0xf5: {  	[tilespmem:s10+$0x160] =	vst.add.f32.msk $0xffff, v5  }
0xf6: {  	[tilespmem:s10+$0x150] =	vst.add.f32.msk $0xffff, v6  }
0xf7: {  	[tilespmem:s10+$0x140] =	vst.add.f32.msk $0xffff, v7  }
0xf8: {  	[tilespmem:s10+$0x130] =	vst.add.f32.msk $0xffff, v3  }
0xf9: {  	[tilespmem:s10+$0x120] =	vst.add.f32.msk $0xffff, v2  }
0xfa: {  	[tilespmem:s10+$0x110] =	vst.add.f32.msk $0xffff, v0  }
0xfb: {  	[tilespmem:s10+$0x100] =	vst.add.f32.msk $0xffff, v1  }
0xfc: {  	[tilespmem:s10+$0xF0] =	vst.add.f32.msk $0xffff, v4  }
0xfd: {  	[tilespmem:s10+$0xE0] =	vst.add.f32.msk $0xffff, v5  }
0xfe: {  	[tilespmem:s10+$0xD0] =	vst.add.f32.msk $0xffff, v6  }
0xff: {  	[tilespmem:s10+$0xC0] =	vst.add.f32.msk $0xffff, v7  }
0x100: {  	[tilespmem:s10+$0xB0] =	vst.add.f32.msk $0xffff, v3  }
0x101: {  	[tilespmem:s10+$0xA0] =	vst.add.f32.msk $0xffff, v2  }
0x102: {  	[tilespmem:s10+$0x90] =	vst.add.f32.msk $0xffff, v0  }
0x103: {  	[tilespmem:s10+$0x80] =	vst.add.f32.msk $0xffff, v1  }
0x104: {  	[tilespmem:s10+$0x70] =	vst.add.f32.msk $0xffff, v4  }
.Ltmp2:
0x105: {  	[tilespmem:s10+$0x60] =	vst.add.f32.msk $0xffff, v5;
	(pc) =	sbr.rel @p0 .LBB2_6-.Ltmp2, $4  }
0x106: {  	[tilespmem:s10+$0x50] =	vst.add.f32.msk $0xffff, v6  }
0x107: {  	[tilespmem:s10+$0x40] =	vst.add.f32.msk $0xffff, v7  }
0x108: {  	[tilespmem:s10+$0x30] =	vst.add.f32.msk $0xffff, v3  }
0x109: {  	[tilespmem:s10+$0x20] =	vst.add.f32.msk $0xffff, v2  }
0x10a: {  	[tilespmem:s10+$0x10] =	vst.add.f32.msk $0xffff, v0;
	s20 =	rddreg [dreg:$0xb]  }
0x10b: {  	[hbm4b:s20+s6] =	stream.linear.scatter [tilespmem:s24], [sflag:$0x7], $0x4000, $0x38;
	[tilespmem:$0x11C00] =	vst v63  }
0x10c: {  	_ =	swait.ge [sflag:s1], $0x4000  }
0x10d: {  	[sflag:s1] =	ssyncset.done $0x0  }
0x10e: {  	s21 =	rddreg [dreg:$0xc];
	[sflag:s1] =	ssyncadd.s32 $0xFFFFC000  }
0x10f: {  	[tilespmem:s23], [sflag:$0x2] =	stream.linear.gather [hbm4b:s21+s6], $0x4000, $0x38;
	[tilespmem:$0x11C00] =	vst v63  }
0x110: {  	_ =	swait.ge [sflag:s0], $0x4000  }
0x111: {  	[sflag:s0] =	ssyncset.done $0x0  }
0x112: {  	[sflag:s0] =	ssyncadd.s32 $0xFFFFC000  }
0x113: {  	v1 =	vld [tilespmem:s11+$0x0]  }
0x114: {  	v0 =	vld [tilespmem:s11+$0x10]  }
0x115: {  	v2 =	vld [tilespmem:s11+$0x20]  }
0x116: {  	v3 =	vld [tilespmem:s11+$0x30]  }
0x117: {  	v4 =	vld [tilespmem:s11+$0x70]  }
0x118: {  	v5 =	vld [tilespmem:s11+$0x60]  }
0x119: {  	v6 =	vld [tilespmem:s11+$0x50]  }
0x11a: {  	s10 =	simm.s32 $0xDC00;
	v7 =	vld [tilespmem:s11+$0x40]  }
0x11b: {  	[tilespmem:s10+$0x0] =	vst.add.f32.msk $0xffff, v1  }
0x11c: {  	[tilespmem:s10+$0x1F0] =	vst.add.f32.msk $0xffff, v4  }
0x11d: {  	[tilespmem:s10+$0x1E0] =	vst.add.f32.msk $0xffff, v5  }
0x11e: {  	[tilespmem:s10+$0x1D0] =	vst.add.f32.msk $0xffff, v6  }
0x11f: {  	[tilespmem:s10+$0x1C0] =	vst.add.f32.msk $0xffff, v7  }
0x120: {  	[tilespmem:s10+$0x1B0] =	vst.add.f32.msk $0xffff, v3  }
0x121: {  	[tilespmem:s10+$0x1A0] =	vst.add.f32.msk $0xffff, v2  }
0x122: {  	[tilespmem:s10+$0x190] =	vst.add.f32.msk $0xffff, v0  }
0x123: {  	[tilespmem:s10+$0x180] =	vst.add.f32.msk $0xffff, v1  }
0x124: {  	[tilespmem:s10+$0x170] =	vst.add.f32.msk $0xffff, v4  }
0x125: {  	[tilespmem:s10+$0x160] =	vst.add.f32.msk $0xffff, v5  }
0x126: {  	[tilespmem:s10+$0x150] =	vst.add.f32.msk $0xffff, v6  }
0x127: {  	[tilespmem:s10+$0x140] =	vst.add.f32.msk $0xffff, v7  }
0x128: {  	[tilespmem:s10+$0x130] =	vst.add.f32.msk $0xffff, v3  }
0x129: {  	[tilespmem:s10+$0x120] =	vst.add.f32.msk $0xffff, v2  }
0x12a: {  	[tilespmem:s10+$0x110] =	vst.add.f32.msk $0xffff, v0  }
0x12b: {  	[tilespmem:s10+$0x100] =	vst.add.f32.msk $0xffff, v1  }
0x12c: {  	[tilespmem:s10+$0xF0] =	vst.add.f32.msk $0xffff, v4  }
0x12d: {  	[tilespmem:s10+$0xE0] =	vst.add.f32.msk $0xffff, v5  }
0x12e: {  	[tilespmem:s10+$0xD0] =	vst.add.f32.msk $0xffff, v6  }
0x12f: {  	[tilespmem:s10+$0xC0] =	vst.add.f32.msk $0xffff, v7  }
0x130: {  	[tilespmem:s10+$0xB0] =	vst.add.f32.msk $0xffff, v3  }
0x131: {  	[tilespmem:s10+$0xA0] =	vst.add.f32.msk $0xffff, v2  }
0x132: {  	[tilespmem:s10+$0x90] =	vst.add.f32.msk $0xffff, v0  }
0x133: {  	[tilespmem:s10+$0x80] =	vst.add.f32.msk $0xffff, v1  }
0x134: {  	[tilespmem:s10+$0x70] =	vst.add.f32.msk $0xffff, v4  }
0x135: {  	[tilespmem:s10+$0x60] =	vst.add.f32.msk $0xffff, v5  }
0x136: {  	[tilespmem:s10+$0x50] =	vst.add.f32.msk $0xffff, v6  }
0x137: {  	[tilespmem:s10+$0x40] =	vst.add.f32.msk $0xffff, v7  }
0x138: {  	[tilespmem:s10+$0x30] =	vst.add.f32.msk $0xffff, v3  }
0x139: {  	s12 =	simm.s32 $0x0;
	[tilespmem:s10+$0x20] =	vst.add.f32.msk $0xffff, v2  }
.LBB2_8:
0x13a: {  	s12 =	sadd.s32 $0x4, s12;
	[tilespmem:s10+$0x10] =	vst.add.f32.msk $0xffff, v0;
	s10 =	sadd.s32 $0x200, s10  }
0x13b: {  	[tilespmem:s10+$0x0] =	vst.add.f32.msk $0xffff, v1;
	p0 =	slt.u32 s12, $0x7C  }
0x13c: {  	[tilespmem:s10+$0x1F0] =	vst.add.f32.msk $0xffff, v4  }
0x13d: {  	[tilespmem:s10+$0x1E0] =	vst.add.f32.msk $0xffff, v5  }
0x13e: {  	[tilespmem:s10+$0x1D0] =	vst.add.f32.msk $0xffff, v6  }
0x13f: {  	[tilespmem:s10+$0x1C0] =	vst.add.f32.msk $0xffff, v7  }
0x140: {  	[tilespmem:s10+$0x1B0] =	vst.add.f32.msk $0xffff, v3  }
0x141: {  	[tilespmem:s10+$0x1A0] =	vst.add.f32.msk $0xffff, v2  }
0x142: {  	[tilespmem:s10+$0x190] =	vst.add.f32.msk $0xffff, v0  }
0x143: {  	[tilespmem:s10+$0x180] =	vst.add.f32.msk $0xffff, v1  }
0x144: {  	[tilespmem:s10+$0x170] =	vst.add.f32.msk $0xffff, v4  }
0x145: {  	[tilespmem:s10+$0x160] =	vst.add.f32.msk $0xffff, v5  }
0x146: {  	[tilespmem:s10+$0x150] =	vst.add.f32.msk $0xffff, v6  }
0x147: {  	[tilespmem:s10+$0x140] =	vst.add.f32.msk $0xffff, v7  }
0x148: {  	[tilespmem:s10+$0x130] =	vst.add.f32.msk $0xffff, v3  }
0x149: {  	[tilespmem:s10+$0x120] =	vst.add.f32.msk $0xffff, v2  }
0x14a: {  	[tilespmem:s10+$0x110] =	vst.add.f32.msk $0xffff, v0  }
0x14b: {  	[tilespmem:s10+$0x100] =	vst.add.f32.msk $0xffff, v1  }
0x14c: {  	[tilespmem:s10+$0xF0] =	vst.add.f32.msk $0xffff, v4  }
0x14d: {  	[tilespmem:s10+$0xE0] =	vst.add.f32.msk $0xffff, v5  }
0x14e: {  	[tilespmem:s10+$0xD0] =	vst.add.f32.msk $0xffff, v6  }
0x14f: {  	[tilespmem:s10+$0xC0] =	vst.add.f32.msk $0xffff, v7  }
0x150: {  	[tilespmem:s10+$0xB0] =	vst.add.f32.msk $0xffff, v3  }
0x151: {  	[tilespmem:s10+$0xA0] =	vst.add.f32.msk $0xffff, v2  }
0x152: {  	[tilespmem:s10+$0x90] =	vst.add.f32.msk $0xffff, v0  }
0x153: {  	[tilespmem:s10+$0x80] =	vst.add.f32.msk $0xffff, v1  }
0x154: {  	[tilespmem:s10+$0x70] =	vst.add.f32.msk $0xffff, v4  }
.Ltmp3:
0x155: {  	[tilespmem:s10+$0x60] =	vst.add.f32.msk $0xffff, v5;
	(pc) =	sbr.rel @p0 .LBB2_8-.Ltmp3, $4  }
0x156: {  	[tilespmem:s10+$0x50] =	vst.add.f32.msk $0xffff, v6  }
0x157: {  	[tilespmem:s10+$0x40] =	vst.add.f32.msk $0xffff, v7  }
0x158: {  	[tilespmem:s10+$0x30] =	vst.add.f32.msk $0xffff, v3  }
0x159: {  	[tilespmem:s10+$0x20] =	vst.add.f32.msk $0xffff, v2  }
0x15a: {  	[tilespmem:s10+$0x10] =	vst.add.f32.msk $0xffff, v0;
	s21 =	rddreg [dreg:$0xd];
	s10 =	simm.s32 $0x1  }
0x15b: {  	[hbm4b:s21+s6] =	stream.linear.scatter [tilespmem:s28], [sflag:$0x8], $0x4000, $0x38;
	[tilespmem:$0x11C00] =	vst v63  }
.LBB2_10:
0x15c: {  	s14 =	sshll.u32 s10, $0x2  }
0x15d: {  	s12 =	sor.u32 $0x2, s14  }
0x15e: {  	s16 =	sshll.u32 s10, $0x9;
	s17 =	sshll.u32 s12, $0xE  }
0x15f: {  	_ =	swait.ge [sflag:s4], $0x4000;
	s18 =	sadd.s32 s8, s17;
	s17 =	sadd.s32 s2, s16  }
0x160: {  	[sflag:s4] =	ssyncset.done $0x0;
	s18 =	sshrl.u32 s18, $0x3;
	s19 =	sshrl.u32 s17, $0xA  }
0x161: {  	[sflag:s4] =	ssyncadd.s32 $0xFFFFC000;
	s18 =	sadd.s32 s3, s18;
	s20 =	smulhi.u32 $0x51EB852, s19  }
0x162: {  	[tilespmem:s24], [sflag:$0x3] =	stream.linear.gather [hbm4b:s18+s6], $0x4000, $0x38;
	[tilespmem:$0x11C00] =	vst v63  }
0x163: {  	s21 =	smul.u32 $0x32, s20  }
0x164: {  	_ =	swait.ge [sflag:s25], $0x4000  }
0x165: {  	[sflag:s25] =	ssyncset.done $0x0;
	s18 =	ssub.s32 s19, s21  }
0x166: {  	[sflag:s25] =	ssyncadd.s32 $0xFFFFC000;
	s18 =	sshll.u32 s18, $0x7  }
0x167: {  	v1 =	vld [tilespmem:s18+$0x0]  }
0x168: {  	v0 =	vld [tilespmem:s18+$0x10]  }
0x169: {  	v2 =	vld [tilespmem:s18+$0x20]  }
0x16a: {  	v3 =	vld [tilespmem:s18+$0x30]  }
0x16b: {  	v4 =	vld [tilespmem:s18+$0x70]  }
0x16c: {  	v5 =	vld [tilespmem:s18+$0x60]  }
0x16d: {  	v6 =	vld [tilespmem:s18+$0x50]  }
0x16e: {  	v7 =	vld [tilespmem:s18+$0x40];
	s18 =	simm.s32 $0x1C00  }
0x16f: {  	[tilespmem:s18+$0x0] =	vst.add.f32.msk $0xffff, v1  }
0x170: {  	[tilespmem:s18+$0x1F0] =	vst.add.f32.msk $0xffff, v4  }
0x171: {  	[tilespmem:s18+$0x1E0] =	vst.add.f32.msk $0xffff, v5  }
0x172: {  	[tilespmem:s18+$0x1D0] =	vst.add.f32.msk $0xffff, v6  }
0x173: {  	[tilespmem:s18+$0x1C0] =	vst.add.f32.msk $0xffff, v7  }
0x174: {  	[tilespmem:s18+$0x1B0] =	vst.add.f32.msk $0xffff, v3  }
0x175: {  	[tilespmem:s18+$0x1A0] =	vst.add.f32.msk $0xffff, v2  }
0x176: {  	[tilespmem:s18+$0x190] =	vst.add.f32.msk $0xffff, v0  }
0x177: {  	[tilespmem:s18+$0x180] =	vst.add.f32.msk $0xffff, v1  }
0x178: {  	[tilespmem:s18+$0x170] =	vst.add.f32.msk $0xffff, v4  }
0x179: {  	[tilespmem:s18+$0x160] =	vst.add.f32.msk $0xffff, v5  }
0x17a: {  	[tilespmem:s18+$0x150] =	vst.add.f32.msk $0xffff, v6  }
0x17b: {  	[tilespmem:s18+$0x140] =	vst.add.f32.msk $0xffff, v7  }
0x17c: {  	[tilespmem:s18+$0x130] =	vst.add.f32.msk $0xffff, v3  }
0x17d: {  	[tilespmem:s18+$0x120] =	vst.add.f32.msk $0xffff, v2  }
0x17e: {  	[tilespmem:s18+$0x110] =	vst.add.f32.msk $0xffff, v0  }
0x17f: {  	[tilespmem:s18+$0x100] =	vst.add.f32.msk $0xffff, v1  }
0x180: {  	[tilespmem:s18+$0xF0] =	vst.add.f32.msk $0xffff, v4  }
0x181: {  	[tilespmem:s18+$0xE0] =	vst.add.f32.msk $0xffff, v5  }
0x182: {  	[tilespmem:s18+$0xD0] =	vst.add.f32.msk $0xffff, v6  }
0x183: {  	[tilespmem:s18+$0xC0] =	vst.add.f32.msk $0xffff, v7  }
0x184: {  	[tilespmem:s18+$0xB0] =	vst.add.f32.msk $0xffff, v3  }
0x185: {  	[tilespmem:s18+$0xA0] =	vst.add.f32.msk $0xffff, v2  }
0x186: {  	[tilespmem:s18+$0x90] =	vst.add.f32.msk $0xffff, v0  }
0x187: {  	[tilespmem:s18+$0x80] =	vst.add.f32.msk $0xffff, v1  }
0x188: {  	[tilespmem:s18+$0x70] =	vst.add.f32.msk $0xffff, v4  }
0x189: {  	[tilespmem:s18+$0x60] =	vst.add.f32.msk $0xffff, v5  }
0x18a: {  	[tilespmem:s18+$0x50] =	vst.add.f32.msk $0xffff, v6  }
0x18b: {  	[tilespmem:s18+$0x40] =	vst.add.f32.msk $0xffff, v7  }
0x18c: {  	[tilespmem:s18+$0x30] =	vst.add.f32.msk $0xffff, v3  }
0x18d: {  	s19 =	simm.s32 $0x0;
	[tilespmem:s18+$0x20] =	vst.add.f32.msk $0xffff, v2  }
.LBB2_11:
0x18e: {  	s19 =	sadd.s32 $0x4, s19;
	[tilespmem:s18+$0x10] =	vst.add.f32.msk $0xffff, v0;
	s18 =	sadd.s32 $0x200, s18  }
0x18f: {  	[tilespmem:s18+$0x0] =	vst.add.f32.msk $0xffff, v1;
	p0 =	slt.u32 s19, $0x7C  }
0x190: {  	[tilespmem:s18+$0x1F0] =	vst.add.f32.msk $0xffff, v4  }
0x191: {  	[tilespmem:s18+$0x1E0] =	vst.add.f32.msk $0xffff, v5  }
0x192: {  	[tilespmem:s18+$0x1D0] =	vst.add.f32.msk $0xffff, v6  }
0x193: {  	[tilespmem:s18+$0x1C0] =	vst.add.f32.msk $0xffff, v7  }
0x194: {  	[tilespmem:s18+$0x1B0] =	vst.add.f32.msk $0xffff, v3  }
0x195: {  	[tilespmem:s18+$0x1A0] =	vst.add.f32.msk $0xffff, v2  }
0x196: {  	[tilespmem:s18+$0x190] =	vst.add.f32.msk $0xffff, v0  }
0x197: {  	[tilespmem:s18+$0x180] =	vst.add.f32.msk $0xffff, v1  }
0x198: {  	[tilespmem:s18+$0x170] =	vst.add.f32.msk $0xffff, v4  }
0x199: {  	[tilespmem:s18+$0x160] =	vst.add.f32.msk $0xffff, v5  }
0x19a: {  	[tilespmem:s18+$0x150] =	vst.add.f32.msk $0xffff, v6  }
0x19b: {  	[tilespmem:s18+$0x140] =	vst.add.f32.msk $0xffff, v7  }
0x19c: {  	[tilespmem:s18+$0x130] =	vst.add.f32.msk $0xffff, v3  }
0x19d: {  	[tilespmem:s18+$0x120] =	vst.add.f32.msk $0xffff, v2  }
0x19e: {  	[tilespmem:s18+$0x110] =	vst.add.f32.msk $0xffff, v0  }
0x19f: {  	[tilespmem:s18+$0x100] =	vst.add.f32.msk $0xffff, v1  }
0x1a0: {  	[tilespmem:s18+$0xF0] =	vst.add.f32.msk $0xffff, v4  }
0x1a1: {  	[tilespmem:s18+$0xE0] =	vst.add.f32.msk $0xffff, v5  }
0x1a2: {  	[tilespmem:s18+$0xD0] =	vst.add.f32.msk $0xffff, v6  }
0x1a3: {  	[tilespmem:s18+$0xC0] =	vst.add.f32.msk $0xffff, v7  }
0x1a4: {  	[tilespmem:s18+$0xB0] =	vst.add.f32.msk $0xffff, v3  }
0x1a5: {  	[tilespmem:s18+$0xA0] =	vst.add.f32.msk $0xffff, v2  }
0x1a6: {  	[tilespmem:s18+$0x90] =	vst.add.f32.msk $0xffff, v0  }
0x1a7: {  	[tilespmem:s18+$0x80] =	vst.add.f32.msk $0xffff, v1  }
0x1a8: {  	[tilespmem:s18+$0x70] =	vst.add.f32.msk $0xffff, v4  }
.Ltmp4:
0x1a9: {  	[tilespmem:s18+$0x60] =	vst.add.f32.msk $0xffff, v5;
	(pc) =	sbr.rel @p0 .LBB2_11-.Ltmp4, $4  }
0x1aa: {  	[tilespmem:s18+$0x50] =	vst.add.f32.msk $0xffff, v6  }
0x1ab: {  	[tilespmem:s18+$0x40] =	vst.add.f32.msk $0xffff, v7  }
0x1ac: {  	[tilespmem:s18+$0x30] =	vst.add.f32.msk $0xffff, v3  }
0x1ad: {  	[tilespmem:s18+$0x20] =	vst.add.f32.msk $0xffff, v2  }
0x1ae: {  	s17 =	sshll.u32 s17, $0x4;
	s16 =	sadd.s32 s16, s2  }
0x1af: {  	[tilespmem:s18+$0x10] =	vst.add.f32.msk $0xffff, v0;
	s14 =	sor.u32 $0x3, s14;
	s17 =	sadd.s32 s5, s17;
	s16 =	sadd.s32 $0x80, s16  }
0x1b0: {  	[hbm4b:s17+s6] =	stream.linear.scatter [tilespmem:s26], [sflag:$0x5], $0x4000, $0x38;
	[tilespmem:$0x11C00] =	vst v63  }
0x1b1: {  	s19 =	sshll.u32 s14, $0xE;
	s20 =	sshrl.u32 s16, $0xA  }
0x1b2: {  	s17 =	sadd.s32 s8, s19;
	_ =	swait.ge [sflag:s7], $0x4000;
	s19 =	smulhi.u32 $0x51EB852, s20  }
0x1b3: {  	s17 =	sshrl.u32 s17, $0x3;
	[sflag:s7] =	ssyncset.done $0x0  }
0x1b4: {  	s17 =	sadd.s32 s3, s17;
	[sflag:s7] =	ssyncadd.s32 $0xFFFFC000;
	s21 =	smul.u32 $0x32, s19  }
0x1b5: {  	[tilespmem:s28], [sflag:$0x4] =	stream.linear.gather [hbm4b:s17+s6], $0x4000, $0x38;
	[tilespmem:$0x11C00] =	vst v63  }
0x1b6: {  	_ =	swait.ge [sflag:s29], $0x4000  }
0x1b7: {  	s17 =	ssub.s32 s20, s21;
	[sflag:s29] =	ssyncset.done $0x0  }
0x1b8: {  	s17 =	sshll.u32 s17, $0x7;
	[sflag:s29] =	ssyncadd.s32 $0xFFFFC000  }
0x1b9: {  	v1 =	vld [tilespmem:s17+$0x0]  }
0x1ba: {  	v0 =	vld [tilespmem:s17+$0x10]  }
0x1bb: {  	v2 =	vld [tilespmem:s17+$0x20]  }
0x1bc: {  	v3 =	vld [tilespmem:s17+$0x30]  }
0x1bd: {  	v4 =	vld [tilespmem:s17+$0x70]  }
0x1be: {  	v5 =	vld [tilespmem:s17+$0x60]  }
0x1bf: {  	v6 =	vld [tilespmem:s17+$0x50]  }
0x1c0: {  	v7 =	vld [tilespmem:s17+$0x40];
	s17 =	simm.s32 $0x5C00  }
0x1c1: {  	[tilespmem:s17+$0x0] =	vst.add.f32.msk $0xffff, v1  }
0x1c2: {  	[tilespmem:s17+$0x1F0] =	vst.add.f32.msk $0xffff, v4  }
0x1c3: {  	[tilespmem:s17+$0x1E0] =	vst.add.f32.msk $0xffff, v5  }
0x1c4: {  	[tilespmem:s17+$0x1D0] =	vst.add.f32.msk $0xffff, v6  }
0x1c5: {  	[tilespmem:s17+$0x1C0] =	vst.add.f32.msk $0xffff, v7  }
0x1c6: {  	[tilespmem:s17+$0x1B0] =	vst.add.f32.msk $0xffff, v3  }
0x1c7: {  	[tilespmem:s17+$0x1A0] =	vst.add.f32.msk $0xffff, v2  }
0x1c8: {  	[tilespmem:s17+$0x190] =	vst.add.f32.msk $0xffff, v0  }
0x1c9: {  	[tilespmem:s17+$0x180] =	vst.add.f32.msk $0xffff, v1  }
0x1ca: {  	[tilespmem:s17+$0x170] =	vst.add.f32.msk $0xffff, v4  }
0x1cb: {  	[tilespmem:s17+$0x160] =	vst.add.f32.msk $0xffff, v5  }
0x1cc: {  	[tilespmem:s17+$0x150] =	vst.add.f32.msk $0xffff, v6  }
0x1cd: {  	[tilespmem:s17+$0x140] =	vst.add.f32.msk $0xffff, v7  }
0x1ce: {  	[tilespmem:s17+$0x130] =	vst.add.f32.msk $0xffff, v3  }
0x1cf: {  	[tilespmem:s17+$0x120] =	vst.add.f32.msk $0xffff, v2  }
0x1d0: {  	[tilespmem:s17+$0x110] =	vst.add.f32.msk $0xffff, v0  }
0x1d1: {  	[tilespmem:s17+$0x100] =	vst.add.f32.msk $0xffff, v1  }
0x1d2: {  	[tilespmem:s17+$0xF0] =	vst.add.f32.msk $0xffff, v4  }
0x1d3: {  	[tilespmem:s17+$0xE0] =	vst.add.f32.msk $0xffff, v5  }
0x1d4: {  	[tilespmem:s17+$0xD0] =	vst.add.f32.msk $0xffff, v6  }
0x1d5: {  	[tilespmem:s17+$0xC0] =	vst.add.f32.msk $0xffff, v7  }
0x1d6: {  	[tilespmem:s17+$0xB0] =	vst.add.f32.msk $0xffff, v3  }
0x1d7: {  	[tilespmem:s17+$0xA0] =	vst.add.f32.msk $0xffff, v2  }
0x1d8: {  	[tilespmem:s17+$0x90] =	vst.add.f32.msk $0xffff, v0  }
0x1d9: {  	[tilespmem:s17+$0x80] =	vst.add.f32.msk $0xffff, v1  }
0x1da: {  	[tilespmem:s17+$0x70] =	vst.add.f32.msk $0xffff, v4  }
0x1db: {  	[tilespmem:s17+$0x60] =	vst.add.f32.msk $0xffff, v5  }
0x1dc: {  	[tilespmem:s17+$0x50] =	vst.add.f32.msk $0xffff, v6  }
0x1dd: {  	[tilespmem:s17+$0x40] =	vst.add.f32.msk $0xffff, v7  }
0x1de: {  	[tilespmem:s17+$0x30] =	vst.add.f32.msk $0xffff, v3  }
0x1df: {  	s18 =	simm.s32 $0x0;
	[tilespmem:s17+$0x20] =	vst.add.f32.msk $0xffff, v2  }
.LBB2_13:
0x1e0: {  	s18 =	sadd.s32 $0x4, s18;
	[tilespmem:s17+$0x10] =	vst.add.f32.msk $0xffff, v0;
	s17 =	sadd.s32 $0x200, s17  }
0x1e1: {  	[tilespmem:s17+$0x0] =	vst.add.f32.msk $0xffff, v1;
	p0 =	slt.u32 s18, $0x7C  }
0x1e2: {  	[tilespmem:s17+$0x1F0] =	vst.add.f32.msk $0xffff, v4  }
0x1e3: {  	[tilespmem:s17+$0x1E0] =	vst.add.f32.msk $0xffff, v5  }
0x1e4: {  	[tilespmem:s17+$0x1D0] =	vst.add.f32.msk $0xffff, v6  }
0x1e5: {  	[tilespmem:s17+$0x1C0] =	vst.add.f32.msk $0xffff, v7  }
0x1e6: {  	[tilespmem:s17+$0x1B0] =	vst.add.f32.msk $0xffff, v3  }
0x1e7: {  	[tilespmem:s17+$0x1A0] =	vst.add.f32.msk $0xffff, v2  }
0x1e8: {  	[tilespmem:s17+$0x190] =	vst.add.f32.msk $0xffff, v0  }
0x1e9: {  	[tilespmem:s17+$0x180] =	vst.add.f32.msk $0xffff, v1  }
0x1ea: {  	[tilespmem:s17+$0x170] =	vst.add.f32.msk $0xffff, v4  }
0x1eb: {  	[tilespmem:s17+$0x160] =	vst.add.f32.msk $0xffff, v5  }
0x1ec: {  	[tilespmem:s17+$0x150] =	vst.add.f32.msk $0xffff, v6  }
0x1ed: {  	[tilespmem:s17+$0x140] =	vst.add.f32.msk $0xffff, v7  }
0x1ee: {  	[tilespmem:s17+$0x130] =	vst.add.f32.msk $0xffff, v3  }
0x1ef: {  	[tilespmem:s17+$0x120] =	vst.add.f32.msk $0xffff, v2  }
0x1f0: {  	[tilespmem:s17+$0x110] =	vst.add.f32.msk $0xffff, v0  }
0x1f1: {  	[tilespmem:s17+$0x100] =	vst.add.f32.msk $0xffff, v1  }
0x1f2: {  	[tilespmem:s17+$0xF0] =	vst.add.f32.msk $0xffff, v4  }
0x1f3: {  	[tilespmem:s17+$0xE0] =	vst.add.f32.msk $0xffff, v5  }
0x1f4: {  	[tilespmem:s17+$0xD0] =	vst.add.f32.msk $0xffff, v6  }
0x1f5: {  	[tilespmem:s17+$0xC0] =	vst.add.f32.msk $0xffff, v7  }
0x1f6: {  	[tilespmem:s17+$0xB0] =	vst.add.f32.msk $0xffff, v3  }
0x1f7: {  	[tilespmem:s17+$0xA0] =	vst.add.f32.msk $0xffff, v2  }
0x1f8: {  	[tilespmem:s17+$0x90] =	vst.add.f32.msk $0xffff, v0  }
0x1f9: {  	[tilespmem:s17+$0x80] =	vst.add.f32.msk $0xffff, v1  }
0x1fa: {  	[tilespmem:s17+$0x70] =	vst.add.f32.msk $0xffff, v4  }
.Ltmp5:
0x1fb: {  	[tilespmem:s17+$0x60] =	vst.add.f32.msk $0xffff, v5;
	(pc) =	sbr.rel @p0 .LBB2_13-.Ltmp5, $4  }
0x1fc: {  	[tilespmem:s17+$0x50] =	vst.add.f32.msk $0xffff, v6  }
0x1fd: {  	[tilespmem:s17+$0x40] =	vst.add.f32.msk $0xffff, v7  }
0x1fe: {  	[tilespmem:s17+$0x30] =	vst.add.f32.msk $0xffff, v3  }
0x1ff: {  	[tilespmem:s17+$0x20] =	vst.add.f32.msk $0xffff, v2  }
0x200: {  	s16 =	sshll.u32 s16, $0x4;
	s12 =	sshll.u32 s12, $0x7  }
0x201: {  	[tilespmem:s17+$0x10] =	vst.add.f32.msk $0xffff, v0;
	p0 =	seq.s32 s10, $0x18;
	s16 =	sadd.s32 s5, s16;
	s12 =	sadd.s32 s2, s12  }
0x202: {  	[hbm4b:s16+s6] =	stream.linear.scatter [tilespmem:s23], [sflag:$0x6], $0x4000, $0x38;
	[tilespmem:$0x11C00] =	vst v63  }
0x203: {  	s19 =	simm.s32 @!p0 $0x0;
	s16 =	sshll.u32 @!p0 s10, $0x10;
	s18 =	sshrl.u32 s12, $0xA  }
0x204: {  	_ =	swait.ge [sflag:s30], $0x4000;
	s17 =	sadd.s32 @!p0 s16, s13;
	s21 =	smulhi.u32 $0x51EB852, s18  }
0x205: {  	s20 =	simm.s32 @!p0 $0x1C00;
	[sflag:s30] =	ssyncset.done $0x0;
	s17 =	sshrl.u32 @!p0 s17, $0x3  }
0x206: {  	[sflag:s30] =	ssyncadd.s32 $0xFFFFC000;
	s17 =	sadd.s32 @!p0 s3, s17;
	s21 =	smul.u32 $0x32, s21  }
0x207: {  	[tilespmem:s20], [sflag:$0x1] =	stream.linear.gather @!p0 [hbm4b:s17+s19], $0x4000, $0x38;
	[tilespmem:$0x11C00] =	vst v63  }
0x208: {  	_ =	swait.ge [sflag:s31], $0x4000  }
0x209: {  	s17 =	ssub.s32 s18, s21;
	[sflag:s31] =	ssyncset.done $0x0  }
0x20a: {  	s17 =	sshll.u32 s17, $0x7;
	[sflag:s31] =	ssyncadd.s32 $0xFFFFC000  }
0x20b: {  	v1 =	vld [tilespmem:s17+$0x0]  }
0x20c: {  	v0 =	vld [tilespmem:s17+$0x10]  }
0x20d: {  	v2 =	vld [tilespmem:s17+$0x20]  }
0x20e: {  	v3 =	vld [tilespmem:s17+$0x30]  }
0x20f: {  	v4 =	vld [tilespmem:s17+$0x70]  }
0x210: {  	v5 =	vld [tilespmem:s17+$0x60]  }
0x211: {  	v6 =	vld [tilespmem:s17+$0x50]  }
0x212: {  	v7 =	vld [tilespmem:s17+$0x40];
	s17 =	simm.s32 $0x9C00  }
0x213: {  	[tilespmem:s17+$0x0] =	vst.add.f32.msk $0xffff, v1  }
0x214: {  	[tilespmem:s17+$0x1F0] =	vst.add.f32.msk $0xffff, v4  }
0x215: {  	[tilespmem:s17+$0x1E0] =	vst.add.f32.msk $0xffff, v5  }
0x216: {  	[tilespmem:s17+$0x1D0] =	vst.add.f32.msk $0xffff, v6  }
0x217: {  	[tilespmem:s17+$0x1C0] =	vst.add.f32.msk $0xffff, v7  }
0x218: {  	[tilespmem:s17+$0x1B0] =	vst.add.f32.msk $0xffff, v3  }
0x219: {  	[tilespmem:s17+$0x1A0] =	vst.add.f32.msk $0xffff, v2  }
0x21a: {  	[tilespmem:s17+$0x190] =	vst.add.f32.msk $0xffff, v0  }
0x21b: {  	[tilespmem:s17+$0x180] =	vst.add.f32.msk $0xffff, v1  }
0x21c: {  	[tilespmem:s17+$0x170] =	vst.add.f32.msk $0xffff, v4  }
0x21d: {  	[tilespmem:s17+$0x160] =	vst.add.f32.msk $0xffff, v5  }
0x21e: {  	[tilespmem:s17+$0x150] =	vst.add.f32.msk $0xffff, v6  }
0x21f: {  	[tilespmem:s17+$0x140] =	vst.add.f32.msk $0xffff, v7  }
0x220: {  	[tilespmem:s17+$0x130] =	vst.add.f32.msk $0xffff, v3  }
0x221: {  	[tilespmem:s17+$0x120] =	vst.add.f32.msk $0xffff, v2  }
0x222: {  	[tilespmem:s17+$0x110] =	vst.add.f32.msk $0xffff, v0  }
0x223: {  	[tilespmem:s17+$0x100] =	vst.add.f32.msk $0xffff, v1  }
0x224: {  	[tilespmem:s17+$0xF0] =	vst.add.f32.msk $0xffff, v4  }
0x225: {  	[tilespmem:s17+$0xE0] =	vst.add.f32.msk $0xffff, v5  }
0x226: {  	[tilespmem:s17+$0xD0] =	vst.add.f32.msk $0xffff, v6  }
0x227: {  	[tilespmem:s17+$0xC0] =	vst.add.f32.msk $0xffff, v7  }
0x228: {  	[tilespmem:s17+$0xB0] =	vst.add.f32.msk $0xffff, v3  }
0x229: {  	[tilespmem:s17+$0xA0] =	vst.add.f32.msk $0xffff, v2  }
0x22a: {  	[tilespmem:s17+$0x90] =	vst.add.f32.msk $0xffff, v0  }
0x22b: {  	[tilespmem:s17+$0x80] =	vst.add.f32.msk $0xffff, v1  }
0x22c: {  	[tilespmem:s17+$0x70] =	vst.add.f32.msk $0xffff, v4  }
0x22d: {  	[tilespmem:s17+$0x60] =	vst.add.f32.msk $0xffff, v5  }
0x22e: {  	[tilespmem:s17+$0x50] =	vst.add.f32.msk $0xffff, v6  }
0x22f: {  	[tilespmem:s17+$0x40] =	vst.add.f32.msk $0xffff, v7  }
0x230: {  	[tilespmem:s17+$0x30] =	vst.add.f32.msk $0xffff, v3  }
0x231: {  	s18 =	simm.s32 $0x0;
	[tilespmem:s17+$0x20] =	vst.add.f32.msk $0xffff, v2  }
.LBB2_15:
0x232: {  	s18 =	sadd.s32 $0x4, s18;
	[tilespmem:s17+$0x10] =	vst.add.f32.msk $0xffff, v0;
	s17 =	sadd.s32 $0x200, s17  }
0x233: {  	[tilespmem:s17+$0x0] =	vst.add.f32.msk $0xffff, v1;
	p1 =	slt.u32 s18, $0x7C  }
0x234: {  	[tilespmem:s17+$0x1F0] =	vst.add.f32.msk $0xffff, v4  }
0x235: {  	[tilespmem:s17+$0x1E0] =	vst.add.f32.msk $0xffff, v5  }
0x236: {  	[tilespmem:s17+$0x1D0] =	vst.add.f32.msk $0xffff, v6  }
0x237: {  	[tilespmem:s17+$0x1C0] =	vst.add.f32.msk $0xffff, v7  }
0x238: {  	[tilespmem:s17+$0x1B0] =	vst.add.f32.msk $0xffff, v3  }
0x239: {  	[tilespmem:s17+$0x1A0] =	vst.add.f32.msk $0xffff, v2  }
0x23a: {  	[tilespmem:s17+$0x190] =	vst.add.f32.msk $0xffff, v0  }
0x23b: {  	[tilespmem:s17+$0x180] =	vst.add.f32.msk $0xffff, v1  }
0x23c: {  	[tilespmem:s17+$0x170] =	vst.add.f32.msk $0xffff, v4  }
0x23d: {  	[tilespmem:s17+$0x160] =	vst.add.f32.msk $0xffff, v5  }
0x23e: {  	[tilespmem:s17+$0x150] =	vst.add.f32.msk $0xffff, v6  }
0x23f: {  	[tilespmem:s17+$0x140] =	vst.add.f32.msk $0xffff, v7  }
0x240: {  	[tilespmem:s17+$0x130] =	vst.add.f32.msk $0xffff, v3  }
0x241: {  	[tilespmem:s17+$0x120] =	vst.add.f32.msk $0xffff, v2  }
0x242: {  	[tilespmem:s17+$0x110] =	vst.add.f32.msk $0xffff, v0  }
0x243: {  	[tilespmem:s17+$0x100] =	vst.add.f32.msk $0xffff, v1  }
0x244: {  	[tilespmem:s17+$0xF0] =	vst.add.f32.msk $0xffff, v4  }
0x245: {  	[tilespmem:s17+$0xE0] =	vst.add.f32.msk $0xffff, v5  }
0x246: {  	[tilespmem:s17+$0xD0] =	vst.add.f32.msk $0xffff, v6  }
0x247: {  	[tilespmem:s17+$0xC0] =	vst.add.f32.msk $0xffff, v7  }
0x248: {  	[tilespmem:s17+$0xB0] =	vst.add.f32.msk $0xffff, v3  }
0x249: {  	[tilespmem:s17+$0xA0] =	vst.add.f32.msk $0xffff, v2  }
0x24a: {  	[tilespmem:s17+$0x90] =	vst.add.f32.msk $0xffff, v0  }
0x24b: {  	[tilespmem:s17+$0x80] =	vst.add.f32.msk $0xffff, v1  }
0x24c: {  	[tilespmem:s17+$0x70] =	vst.add.f32.msk $0xffff, v4  }
.Ltmp6:
0x24d: {  	[tilespmem:s17+$0x60] =	vst.add.f32.msk $0xffff, v5;
	(pc) =	sbr.rel @p1 .LBB2_15-.Ltmp6, $4  }
0x24e: {  	[tilespmem:s17+$0x50] =	vst.add.f32.msk $0xffff, v6  }
0x24f: {  	[tilespmem:s17+$0x40] =	vst.add.f32.msk $0xffff, v7  }
0x250: {  	[tilespmem:s17+$0x30] =	vst.add.f32.msk $0xffff, v3  }
0x251: {  	[tilespmem:s17+$0x20] =	vst.add.f32.msk $0xffff, v2  }
0x252: {  	s12 =	sshll.u32 s12, $0x4  }
0x253: {  	[tilespmem:s17+$0x10] =	vst.add.f32.msk $0xffff, v0;
	s12 =	sadd.s32 s5, s12  }
0x254: {  	[hbm4b:s12+s6] =	stream.linear.scatter [tilespmem:s24], [sflag:$0x7], $0x4000, $0x38;
	[tilespmem:$0x11C00] =	vst v63  }
0x255: {  	s14 =	sshll.u32 s14, $0x7;
	s17 =	simm.s32 @!p0 $0x0;
	s12 =	sadd.s32 @!p0 s16, s15  }
0x256: {  	_ =	swait.ge [sflag:s1], $0x4000;
	s16 =	sshrl.u32 @!p0 s12, $0x3;
	s12 =	sadd.s32 s2, s14  }
0x257: {  	s18 =	simm.s32 @!p0 $0x5C00;
	[sflag:s1] =	ssyncset.done $0x0;
	s20 =	sshrl.u32 s12, $0xA  }
0x258: {  	s14 =	sadd.s32 @!p0 s3, s16;
	[sflag:s1] =	ssyncadd.s32 $0xFFFFC000;
	s19 =	smulhi.u32 $0x51EB852, s20  }
0x259: {  	[tilespmem:s18], [sflag:$0x2] =	stream.linear.gather @!p0 [hbm4b:s14+s17], $0x4000, $0x38;
	[tilespmem:$0x11C00] =	vst v63  }
0x25a: {  	s21 =	smul.u32 $0x32, s19  }
0x25b: {  	_ =	swait.ge [sflag:s0], $0x4000  }
0x25c: {  	[sflag:s0] =	ssyncset.done $0x0;
	s14 =	ssub.s32 s20, s21  }
0x25d: {  	[sflag:s0] =	ssyncadd.s32 $0xFFFFC000;
	s14 =	sshll.u32 s14, $0x7  }
0x25e: {  	v1 =	vld [tilespmem:s14+$0x0]  }
0x25f: {  	v0 =	vld [tilespmem:s14+$0x10]  }
0x260: {  	v2 =	vld [tilespmem:s14+$0x20]  }
0x261: {  	v3 =	vld [tilespmem:s14+$0x30]  }
0x262: {  	v4 =	vld [tilespmem:s14+$0x70]  }
0x263: {  	v5 =	vld [tilespmem:s14+$0x60]  }
0x264: {  	v6 =	vld [tilespmem:s14+$0x50]  }
0x265: {  	v7 =	vld [tilespmem:s14+$0x40];
	s14 =	simm.s32 $0xDC00  }
0x266: {  	[tilespmem:s14+$0x0] =	vst.add.f32.msk $0xffff, v1  }
0x267: {  	[tilespmem:s14+$0x1F0] =	vst.add.f32.msk $0xffff, v4  }
0x268: {  	[tilespmem:s14+$0x1E0] =	vst.add.f32.msk $0xffff, v5  }
0x269: {  	[tilespmem:s14+$0x1D0] =	vst.add.f32.msk $0xffff, v6  }
0x26a: {  	[tilespmem:s14+$0x1C0] =	vst.add.f32.msk $0xffff, v7  }
0x26b: {  	[tilespmem:s14+$0x1B0] =	vst.add.f32.msk $0xffff, v3  }
0x26c: {  	[tilespmem:s14+$0x1A0] =	vst.add.f32.msk $0xffff, v2  }
0x26d: {  	[tilespmem:s14+$0x190] =	vst.add.f32.msk $0xffff, v0  }
0x26e: {  	[tilespmem:s14+$0x180] =	vst.add.f32.msk $0xffff, v1  }
0x26f: {  	[tilespmem:s14+$0x170] =	vst.add.f32.msk $0xffff, v4  }
0x270: {  	[tilespmem:s14+$0x160] =	vst.add.f32.msk $0xffff, v5  }
0x271: {  	[tilespmem:s14+$0x150] =	vst.add.f32.msk $0xffff, v6  }
0x272: {  	[tilespmem:s14+$0x140] =	vst.add.f32.msk $0xffff, v7  }
0x273: {  	[tilespmem:s14+$0x130] =	vst.add.f32.msk $0xffff, v3  }
0x274: {  	[tilespmem:s14+$0x120] =	vst.add.f32.msk $0xffff, v2  }
0x275: {  	[tilespmem:s14+$0x110] =	vst.add.f32.msk $0xffff, v0  }
0x276: {  	[tilespmem:s14+$0x100] =	vst.add.f32.msk $0xffff, v1  }
0x277: {  	[tilespmem:s14+$0xF0] =	vst.add.f32.msk $0xffff, v4  }
0x278: {  	[tilespmem:s14+$0xE0] =	vst.add.f32.msk $0xffff, v5  }
0x279: {  	[tilespmem:s14+$0xD0] =	vst.add.f32.msk $0xffff, v6  }
0x27a: {  	[tilespmem:s14+$0xC0] =	vst.add.f32.msk $0xffff, v7  }
0x27b: {  	[tilespmem:s14+$0xB0] =	vst.add.f32.msk $0xffff, v3  }
0x27c: {  	[tilespmem:s14+$0xA0] =	vst.add.f32.msk $0xffff, v2  }
0x27d: {  	[tilespmem:s14+$0x90] =	vst.add.f32.msk $0xffff, v0  }
0x27e: {  	[tilespmem:s14+$0x80] =	vst.add.f32.msk $0xffff, v1  }
0x27f: {  	[tilespmem:s14+$0x70] =	vst.add.f32.msk $0xffff, v4  }
0x280: {  	[tilespmem:s14+$0x60] =	vst.add.f32.msk $0xffff, v5  }
0x281: {  	[tilespmem:s14+$0x50] =	vst.add.f32.msk $0xffff, v6  }
0x282: {  	[tilespmem:s14+$0x40] =	vst.add.f32.msk $0xffff, v7  }
0x283: {  	[tilespmem:s14+$0x30] =	vst.add.f32.msk $0xffff, v3  }
0x284: {  	s16 =	simm.s32 $0x0;
	[tilespmem:s14+$0x20] =	vst.add.f32.msk $0xffff, v2  }
.LBB2_17:
0x285: {  	s16 =	sadd.s32 $0x4, s16;
	[tilespmem:s14+$0x10] =	vst.add.f32.msk $0xffff, v0;
	s14 =	sadd.s32 $0x200, s14  }
0x286: {  	[tilespmem:s14+$0x0] =	vst.add.f32.msk $0xffff, v1;
	p0 =	slt.u32 s16, $0x7C  }
0x287: {  	[tilespmem:s14+$0x1F0] =	vst.add.f32.msk $0xffff, v4  }
0x288: {  	[tilespmem:s14+$0x1E0] =	vst.add.f32.msk $0xffff, v5  }
0x289: {  	[tilespmem:s14+$0x1D0] =	vst.add.f32.msk $0xffff, v6  }
0x28a: {  	[tilespmem:s14+$0x1C0] =	vst.add.f32.msk $0xffff, v7  }
0x28b: {  	[tilespmem:s14+$0x1B0] =	vst.add.f32.msk $0xffff, v3  }
0x28c: {  	[tilespmem:s14+$0x1A0] =	vst.add.f32.msk $0xffff, v2  }
0x28d: {  	[tilespmem:s14+$0x190] =	vst.add.f32.msk $0xffff, v0  }
0x28e: {  	[tilespmem:s14+$0x180] =	vst.add.f32.msk $0xffff, v1  }
0x28f: {  	[tilespmem:s14+$0x170] =	vst.add.f32.msk $0xffff, v4  }
0x290: {  	[tilespmem:s14+$0x160] =	vst.add.f32.msk $0xffff, v5  }
0x291: {  	[tilespmem:s14+$0x150] =	vst.add.f32.msk $0xffff, v6  }
0x292: {  	[tilespmem:s14+$0x140] =	vst.add.f32.msk $0xffff, v7  }
0x293: {  	[tilespmem:s14+$0x130] =	vst.add.f32.msk $0xffff, v3  }
0x294: {  	[tilespmem:s14+$0x120] =	vst.add.f32.msk $0xffff, v2  }
0x295: {  	[tilespmem:s14+$0x110] =	vst.add.f32.msk $0xffff, v0  }
0x296: {  	[tilespmem:s14+$0x100] =	vst.add.f32.msk $0xffff, v1  }
0x297: {  	[tilespmem:s14+$0xF0] =	vst.add.f32.msk $0xffff, v4  }
0x298: {  	[tilespmem:s14+$0xE0] =	vst.add.f32.msk $0xffff, v5  }
0x299: {  	[tilespmem:s14+$0xD0] =	vst.add.f32.msk $0xffff, v6  }
0x29a: {  	[tilespmem:s14+$0xC0] =	vst.add.f32.msk $0xffff, v7  }
0x29b: {  	[tilespmem:s14+$0xB0] =	vst.add.f32.msk $0xffff, v3  }
0x29c: {  	[tilespmem:s14+$0xA0] =	vst.add.f32.msk $0xffff, v2  }
0x29d: {  	[tilespmem:s14+$0x90] =	vst.add.f32.msk $0xffff, v0  }
0x29e: {  	[tilespmem:s14+$0x80] =	vst.add.f32.msk $0xffff, v1  }
0x29f: {  	[tilespmem:s14+$0x70] =	vst.add.f32.msk $0xffff, v4  }
.Ltmp7:
0x2a0: {  	[tilespmem:s14+$0x60] =	vst.add.f32.msk $0xffff, v5;
	(pc) =	sbr.rel @p0 .LBB2_17-.Ltmp7, $4  }
0x2a1: {  	[tilespmem:s14+$0x50] =	vst.add.f32.msk $0xffff, v6  }
0x2a2: {  	[tilespmem:s14+$0x40] =	vst.add.f32.msk $0xffff, v7  }
0x2a3: {  	[tilespmem:s14+$0x30] =	vst.add.f32.msk $0xffff, v3  }
0x2a4: {  	[tilespmem:s14+$0x20] =	vst.add.f32.msk $0xffff, v2  }
0x2a5: {  	s10 =	sadd.s32 $0x1, s10  }
0x2a6: {  	p0 =	sne.s32 s10, $0x19  }
.Ltmp8:
0x2a7: {  	_ = 	snop;
	(pc) =	sbr.rel @p0 .LBB2_10-.Ltmp8, $4  }
0x2a8: {  	_ = 	snop  }
0x2a9: {  	s12 =	sshll.u32 s12, $0x4  }
0x2aa: {  	[tilespmem:s14+$0x10] =	vst.add.f32.msk $0xffff, v0;
	s12 =	sadd.s32 s5, s12  }
0x2ab: {  	[hbm4b:s12+s6] =	stream.linear.scatter [tilespmem:s28], [sflag:$0x8], $0x4000, $0x38;
	[tilespmem:$0x11C00] =	vst v63  }
0x2ac: {  	_ =	swait.ge [sflag:s4], $0x4000  }
0x2ad: {  	[sflag:s4] =	ssyncset.done $0x0  }
0x2ae: {  	[sflag:s4] =	ssyncadd.s32 $0xFFFFC000  }
0x2af: {  	_ =	swait.ge [sflag:s7], $0x4000  }
0x2b0: {  	s9 =	sadd.s32 $0x1, s9;
	s10 =	rddreg [dreg:$0xe]  }
0x2b1: {  	p0 =	sne.s32 s9, s10  }
.Ltmp9:
0x2b2: {  	_ = 	snop;
	(pc) =	sbr.rel @p0 .LBB2_1-.Ltmp9, $3  }
0x2b3: {  	_ =	sdelay $0x1  }
0x2b4: {  	[sflag:s7] =	ssyncset.done $0x0  }
0x2b5: {  	[sflag:s7] =	ssyncadd.s32 $0xFFFFC000  }
0x2b6: {  	_ =	sfence.sel $0x180000  }
0x2b7: {  	[bflag:$0x0] =	sbarrier.arrive $0xFFFF  }
0x2b8: {  	_ =	strace $0x90000047  }
0x2b9: {  	s0 =	stileid.u32;
	[bflag:$0x2] =	sbarrier.arrive $0xFFFF  }
0x2ba: {  	p0 =	sne.s32 s0, $0x0;
	s0 =	rddreg [dreg:$0x3]  }
0x2bb: {  	s0 =	sadd.s32 @!p0 $0x100000, s0  }
0x2bc: {  	[sflag:s0] =	ssyncadd.tile.s32 @!p0 $0x1;
	_ =	shalt  }
.Lfunc_end2:
_tile_overlayer_lowered:
.L_overlay_start_2:
0x2bd: {  	(tag) =	ssettag $0x2  }
0x2be: {  	s0 =	rddreg [dreg:$0x0];
	s2 =	stileid.u32  }
0x2bf: {  	s1 =	rddreg [dreg:$0x1];
	p0 =	sne.s32 s2, $0x0  }
0x2c0: {  	s3 =	rddreg [dreg:$0x2];
	[bflag:$0x3] =	sbarrier.arrive $0xFFFF;
	s2 =	simm.s32 @!p0 $0x1C09  }
0x2c1: {  	[timem:s3], [sflag:s2] =	dma.local @!p0 [hbm:s0], s1  }
0x2c2: {  	s0 =	simm.s32 @!p0 $0x9  }
0x2c3: {  	_ =	swait.ge @!p0 [sflag:s0], s1  }
0x2c4: {  	s1 =	ssub.s32 @!p0 $0x0, s1;
	[sflag:s0] =	ssyncset.done @!p0 $0x0  }
0x2c5: {  	[sflag:s0] =	ssyncadd.s32 @!p0 s1  }
0x2c6: {  	[bflag:$0x3] =	sbarrier.arrive $0xFFFF  }
0x2c7: {  	_ =	shalt  }

</sc_bundles>
